<compile_context>
chip_gen: v7x
topology: tpu7x:2x2x1
jax: 0.10.2.dev20260603
libtpu: 0.0.44.dev20260713+nightly
codegen_flags: <defaults>
</compile_context>

<pallas_src>
import functools

import jax
import jax.numpy as jnp
from jax import lax
from jax.experimental import pallas as pl
from jax.experimental.pallas import tpu as pltpu
from jax.experimental.pallas import tpu_sc as plsc

V = 100000
D = 128
B = 16384

_NC = 2
_NS = 16
_NW = _NC * _NS
_BPW = B // _NW
_CH = 64
_NCHUNK = _BPW // _CH
_L = 16


def _body(u_idx_hbm, v_idx_hbm, r_idx_hbm, eh_hbm, rvh_hbm, out_hbm,
          u_i, v_i, r_i, ua, va, ra, ub, vb, rb, out_v, sem_a, sem_b):
    wid = lax.axis_index("s") * _NC + lax.axis_index("c")
    base = wid * _BPW

    ci = (pltpu.async_copy(u_idx_hbm.at[pl.ds(base, _BPW)], u_i, sem_a),
          pltpu.async_copy(v_idx_hbm.at[pl.ds(base, _BPW)], v_i, sem_a),
          pltpu.async_copy(r_idx_hbm.at[pl.ds(base, _BPW)], r_i, sem_a))
    zero = jnp.zeros((_L,), jnp.float32)
    for j in range(_BPW // _L):
        out_v[pl.ds(j * _L, _L)] = zero
    for cp in ci:
        cp.wait()

    bufs = [(ua, va, ra, sem_a), (ub, vb, rb, sem_b)]

    def fire(c):
        u_b, v_b, r_b, sem = bufs[c % 2]
        sl = pl.ds(c * _CH, _CH)
        return (pltpu.async_copy(eh_hbm.at[u_i.at[sl]], u_b, sem),
                pltpu.async_copy(eh_hbm.at[v_i.at[sl]], v_b, sem),
                pltpu.async_copy(rvh_hbm.at[r_i.at[sl]], r_b, sem))

    mask15 = lax.iota(jnp.int32, _L) == (_L - 1)
    pending = fire(0)
    for c in range(_NCHUNK):
        nxt = fire(c + 1) if c + 1 < _NCHUNK else None
        for cp in pending:
            cp.wait()
        pending = nxt
        u_b, v_b, r_b, _ = bufs[c % 2]

        def row_fn(r, _, c=c, u_b=u_b, v_b=v_b, r_b=r_b):
            def term(d):
                s = pl.ds(d * _L, _L)
                return u_b[r, s] * v_b[r, s] * r_b[r, s]

            t = [term(d) for d in range(D // _L)]
            acc = (((t[0] + t[1]) + (t[2] + t[3]))
                   + ((t[4] + t[5]) + (t[6] + t[7])))
            pos = jnp.full((_L,), c * _CH + r, jnp.int32)
            plsc.addupdate_scatter(out_v, [pos], plsc.cumsum(acc), mask=mask15)
            return 0

        lax.fori_loop(0, _CH, row_fn, 0)

    for j in range(_BPW // _L):
        out_v[pl.ds(j * _L, _L)] = -out_v[pl.ds(j * _L, _L)]
    pltpu.sync_copy(out_v, out_hbm.at[pl.ds(base, _BPW)])


@jax.jit
def kernel(u_idx, r_idx, v_idx, Eh, rvh):
    k = functools.partial(
        pl.kernel,
        out_type=jax.ShapeDtypeStruct((B,), jnp.float32),
        mesh=plsc.VectorSubcoreMesh(core_axis_name="c", subcore_axis_name="s"),
        scratch_types=[
            pltpu.VMEM((_BPW,), jnp.int32),
            pltpu.VMEM((_BPW,), jnp.int32),
            pltpu.VMEM((_BPW,), jnp.int32),
            pltpu.VMEM((_CH, D), jnp.float32),
            pltpu.VMEM((_CH, D), jnp.float32),
            pltpu.VMEM((_CH, D), jnp.float32),
            pltpu.VMEM((_CH, D), jnp.float32),
            pltpu.VMEM((_CH, D), jnp.float32),
            pltpu.VMEM((_CH, D), jnp.float32),
            pltpu.VMEM((_BPW,), jnp.float32),
            pltpu.SemaphoreType.DMA,
            pltpu.SemaphoreType.DMA,
        ],
        compiler_params=pltpu.CompilerParams(needs_layout_passes=False),
    )(_body)
    return k(u_idx.astype(jnp.int32), v_idx.astype(jnp.int32),
             r_idx.astype(jnp.int32), Eh, rvh)

# --- scband reference (transcript-rebuilt; emitter-appended) ---
"""Pipeline reference for scband-distmult-78623671320968 (READ-ONLY COPY).

The authoritative reference and input builder live on the scoring server;
editing this copy changes nothing except your own understanding.
"""

import jax, jax.numpy as jnp
import numpy as np

V = 100000  # number of entities (len(d.entities))
D = 128     # embedding dim
B = 16384   # batch of triples


def _xavier_uniform(key, shape):
    fan_in, fan_out = shape[0], shape[1]
    bound = float(np.sqrt(6.0 / (fan_in + fan_out)))
    return jax.random.uniform(key, shape, minval=-bound, maxval=bound, dtype=jnp.float32)


def setup_inputs(seed: int = 0) -> dict:
    key = jax.random.key(seed)
    k1, k2, k3, k4, k5 = jax.random.split(key, 5)
    Eh = _xavier_uniform(k1, (V, D))
    rvh = _xavier_uniform(k2, (V, D))
    u_idx = jax.random.randint(k3, (B,), 0, V, dtype=jnp.int64 if jax.config.jax_enable_x64 else jnp.int32)
    r_idx = jax.random.randint(k4, (B,), 0, V, dtype=jnp.int64 if jax.config.jax_enable_x64 else jnp.int32)
    v_idx = jax.random.randint(k5, (B,), 0, V, dtype=jnp.int64 if jax.config.jax_enable_x64 else jnp.int32)
    return {"u_idx": u_idx, "r_idx": r_idx, "v_idx": v_idx, "Eh": Eh, "rvh": rvh}


def reference(u_idx, r_idx, v_idx, Eh, rvh):
    # Note: original torch code indexes Eh.weight directly, which bypasses
    # Embedding's max_norm renormalization, so this is a plain gather.
    u = jnp.take(Eh, u_idx, axis=0)
    v = jnp.take(Eh, v_idx, axis=0)
    rvh_g = jnp.take(rvh, r_idx, axis=0)
    return -jnp.sum(u * v * rvh_g, axis=-1).reshape(-1)

if __name__ == "__main__":
    import jax
    _d = setup_inputs()
    print(jax.jit(kernel)(*tuple(_d.values())))

</pallas_src>

<mosaic_0001>
#map = affine_map<(d0, d1) -> (0)>
#map1 = affine_map<(d0, d1) -> (0, 0)>
module attributes {stable_mosaic.version = 14 : i64} {
  func.func @_body(%arg0: i32, %arg1: i32, %arg2: memref<16384xi32, #tpu.memory_space<hbm>>, %arg3: memref<16384xi32, #tpu.memory_space<hbm>>, %arg4: memref<16384xi32, #tpu.memory_space<hbm>>, %arg5: memref<100000x128xf32, #tpu.memory_space<hbm>>, %arg6: memref<100000x128xf32, #tpu.memory_space<hbm>>, %arg7: memref<16384xf32, #tpu.memory_space<hbm>>, %arg8: memref<512xi32, #tpu.memory_space<vmem>>, %arg9: memref<512xi32, #tpu.memory_space<vmem>>, %arg10: memref<512xi32, #tpu.memory_space<vmem>>, %arg11: memref<64x128xf32, #tpu.memory_space<vmem>>, %arg12: memref<64x128xf32, #tpu.memory_space<vmem>>, %arg13: memref<64x128xf32, #tpu.memory_space<vmem>>, %arg14: memref<64x128xf32, #tpu.memory_space<vmem>>, %arg15: memref<64x128xf32, #tpu.memory_space<vmem>>, %arg16: memref<64x128xf32, #tpu.memory_space<vmem>>, %arg17: memref<512xf32, #tpu.memory_space<vmem>>, %arg18: memref<!tpu.dma_semaphore, #tpu.memory_space<semaphore_mem>>, %arg19: memref<!tpu.dma_semaphore, #tpu.memory_space<semaphore_mem>>) attributes {dimension_semantics = [#tpu.dimension_semantics<core_parallel>, #tpu.dimension_semantics<subcore_parallel>], iteration_bounds = array<i64: 2, 16>, scalar_prefetch = 0 : i64, scratch_operands = 12 : i64, tpu.core_type = #tpu.core_type<sc_vector_subcore>, window_params = [{transform_indices = #map}, {transform_indices = #map}, {transform_indices = #map}, {transform_indices = #map1}, {transform_indices = #map1}, {transform_indices = #map}]} {
    %mul3A = arith.constant 2 : i32
    %mul3A_0 = arith.muli %arg1, %mul3A : i32
    %add3A = arith.addi %mul3A_0, %arg0 : i32
    %mul3A_1 = arith.constant 512 : i32
    %mul3A_2 = arith.muli %add3A, %mul3A_1 : i32
    %dma_start3A = tpu.memref_slice %arg2[%mul3A_2] : memref<16384xi32, #tpu.memory_space<hbm>> -> memref<512xi32, #tpu.memory_space<hbm>>
    %dma_start3A_3 = tpu.memref_slice %arg2[%mul3A_2] : memref<16384xi32, #tpu.memory_space<hbm>> -> memref<512xi32, #tpu.memory_space<hbm>>
    tpu.enqueue_dma source(%dma_start3A_3 : memref<512xi32, #tpu.memory_space<hbm>>) target(%arg8 : memref<512xi32, #tpu.memory_space<vmem>>) target_semaphore(%arg18 : memref<!tpu.dma_semaphore, #tpu.memory_space<semaphore_mem>>)
    %dma_start3A_4 = tpu.memref_slice %arg3[%mul3A_2] : memref<16384xi32, #tpu.memory_space<hbm>> -> memref<512xi32, #tpu.memory_space<hbm>>
    %dma_start3A_5 = tpu.memref_slice %arg3[%mul3A_2] : memref<16384xi32, #tpu.memory_space<hbm>> -> memref<512xi32, #tpu.memory_space<hbm>>
    tpu.enqueue_dma source(%dma_start3A_5 : memref<512xi32, #tpu.memory_space<hbm>>) target(%arg9 : memref<512xi32, #tpu.memory_space<vmem>>) target_semaphore(%arg18 : memref<!tpu.dma_semaphore, #tpu.memory_space<semaphore_mem>>)
    %dma_start3A_6 = tpu.memref_slice %arg4[%mul3A_2] : memref<16384xi32, #tpu.memory_space<hbm>> -> memref<512xi32, #tpu.memory_space<hbm>>
    %dma_start3A_7 = tpu.memref_slice %arg4[%mul3A_2] : memref<16384xi32, #tpu.memory_space<hbm>> -> memref<512xi32, #tpu.memory_space<hbm>>
    tpu.enqueue_dma source(%dma_start3A_7 : memref<512xi32, #tpu.memory_space<hbm>>) target(%arg10 : memref<512xi32, #tpu.memory_space<vmem>>) target_semaphore(%arg18 : memref<!tpu.dma_semaphore, #tpu.memory_space<semaphore_mem>>)
    %broadcast_in_dim3A = arith.constant 0.000000e+00 : f32
    %broadcast_in_dim3A_8 = vector.broadcast %broadcast_in_dim3A : f32 to vector<16xf32>
    %swap3A = arith.constant 0 : index
    %swap3A_9 = tpu.vector_load %arg17[%swap3A] {strides = array<i32>} : memref<512xf32, #tpu.memory_space<vmem>>, vector<16xf32>,
    tpu.vector_store %arg17[%swap3A], %broadcast_in_dim3A_8 {strides = array<i32>} : memref<512xf32, #tpu.memory_space<vmem>>, vector<16xf32>,
    %swap3A_10 = arith.constant 16 : index
    %swap3A_11 = tpu.vector_load %arg17[%swap3A_10] {strides = array<i32>} : memref<512xf32, #tpu.memory_space<vmem>>, vector<16xf32>,
    tpu.vector_store %arg17[%swap3A_10], %broadcast_in_dim3A_8 {strides = array<i32>} : memref<512xf32, #tpu.memory_space<vmem>>, vector<16xf32>,
    %swap3A_12 = arith.constant 32 : index
    %swap3A_13 = tpu.vector_load %arg17[%swap3A_12] {strides = array<i32>} : memref<512xf32, #tpu.memory_space<vmem>>, vector<16xf32>,
    tpu.vector_store %arg17[%swap3A_12], %broadcast_in_dim3A_8 {strides = array<i32>} : memref<512xf32, #tpu.memory_space<vmem>>, vector<16xf32>,
    %swap3A_14 = arith.constant 48 : index
    %swap3A_15 = tpu.vector_load %arg17[%swap3A_14] {strides = array<i32>} : memref<512xf32, #tpu.memory_space<vmem>>, vector<16xf32>,
    tpu.vector_store %arg17[%swap3A_14], %broadcast_in_dim3A_8 {strides = array<i32>} : memref<512xf32, #tpu.memory_space<vmem>>, vector<16xf32>,
    %swap3A_16 = arith.constant 64 : index
    %swap3A_17 = tpu.vector_load %arg17[%swap3A_16] {strides = array<i32>} : memref<512xf32, #tpu.memory_space<vmem>>, vector<16xf32>,
    tpu.vector_store %arg17[%swap3A_16], %broadcast_in_dim3A_8 {strides = array<i32>} : memref<512xf32, #tpu.memory_space<vmem>>, vector<16xf32>,
    %swap3A_18 = arith.constant 80 : index
    %swap3A_19 = tpu.vector_load %arg17[%swap3A_18] {strides = array<i32>} : memref<512xf32, #tpu.memory_space<vmem>>, vector<16xf32>,
    tpu.vector_store %arg17[%swap3A_18], %broadcast_in_dim3A_8 {strides = array<i32>} : memref<512xf32, #tpu.memory_space<vmem>>, vector<16xf32>,
    %swap3A_20 = arith.constant 96 : index
    %swap3A_21 = tpu.vector_load %arg17[%swap3A_20] {strides = array<i32>} : memref<512xf32, #tpu.memory_space<vmem>>, vector<16xf32>,
    tpu.vector_store %arg17[%swap3A_20], %broadcast_in_dim3A_8 {strides = array<i32>} : memref<512xf32, #tpu.memory_space<vmem>>, vector<16xf32>,
    %swap3A_22 = arith.constant 112 : index
    %swap3A_23 = tpu.vector_load %arg17[%swap3A_22] {strides = array<i32>} : memref<512xf32, #tpu.memory_space<vmem>>, vector<16xf32>,
    tpu.vector_store %arg17[%swap3A_22], %broadcast_in_dim3A_8 {strides = array<i32>} : memref<512xf32, #tpu.memory_space<vmem>>, vector<16xf32>,
    %swap3A_24 = arith.constant 128 : index
    %swap3A_25 = tpu.vector_load %arg17[%swap3A_24] {strides = array<i32>} : memref<512xf32, #tpu.memory_space<vmem>>, vector<16xf32>,
    tpu.vector_store %arg17[%swap3A_24], %broadcast_in_dim3A_8 {strides = array<i32>} : memref<512xf32, #tpu.memory_space<vmem>>, vector<16xf32>,
    %swap3A_26 = arith.constant 144 : index
    %swap3A_27 = tpu.vector_load %arg17[%swap3A_26] {strides = array<i32>} : memref<512xf32, #tpu.memory_space<vmem>>, vector<16xf32>,
    tpu.vector_store %arg17[%swap3A_26], %broadcast_in_dim3A_8 {strides = array<i32>} : memref<512xf32, #tpu.memory_space<vmem>>, vector<16xf32>,
    %swap3A_28 = arith.constant 160 : index
    %swap3A_29 = tpu.vector_load %arg17[%swap3A_28] {strides = array<i32>} : memref<512xf32, #tpu.memory_space<vmem>>, vector<16xf32>,
    tpu.vector_store %arg17[%swap3A_28], %broadcast_in_dim3A_8 {strides = array<i32>} : memref<512xf32, #tpu.memory_space<vmem>>, vector<16xf32>,
    %swap3A_30 = arith.constant 176 : index
    %swap3A_31 = tpu.vector_load %arg17[%swap3A_30] {strides = array<i32>} : memref<512xf32, #tpu.memory_space<vmem>>, vector<16xf32>,
    tpu.vector_store %arg17[%swap3A_30], %broadcast_in_dim3A_8 {strides = array<i32>} : memref<512xf32, #tpu.memory_space<vmem>>, vector<16xf32>,
    %swap3A_32 = arith.constant 192 : index
    %swap3A_33 = tpu.vector_load %arg17[%swap3A_32] {strides = array<i32>} : memref<512xf32, #tpu.memory_space<vmem>>, vector<16xf32>,
    tpu.vector_store %arg17[%swap3A_32], %broadcast_in_dim3A_8 {strides = array<i32>} : memref<512xf32, #tpu.memory_space<vmem>>, vector<16xf32>,
    %swap3A_34 = arith.constant 208 : index
    %swap3A_35 = tpu.vector_load %arg17[%swap3A_34] {strides = array<i32>} : memref<512xf32, #tpu.memory_space<vmem>>, vector<16xf32>,
    tpu.vector_store %arg17[%swap3A_34], %broadcast_in_dim3A_8 {strides = array<i32>} : memref<512xf32, #tpu.memory_space<vmem>>, vector<16xf32>,
    %swap3A_36 = arith.constant 224 : index
    %swap3A_37 = tpu.vector_load %arg17[%swap3A_36] {strides = array<i32>} : memref<512xf32, #tpu.memory_space<vmem>>, vector<16xf32>,
    tpu.vector_store %arg17[%swap3A_36], %broadcast_in_dim3A_8 {strides = array<i32>} : memref<512xf32, #tpu.memory_space<vmem>>, vector<16xf32>,
    %swap3A_38 = arith.constant 240 : index
    %swap3A_39 = tpu.vector_load %arg17[%swap3A_38] {strides = array<i32>} : memref<512xf32, #tpu.memory_space<vmem>>, vector<16xf32>,
    tpu.vector_store %arg17[%swap3A_38], %broadcast_in_dim3A_8 {strides = array<i32>} : memref<512xf32, #tpu.memory_space<vmem>>, vector<16xf32>,
    %swap3A_40 = arith.constant 256 : index
    %swap3A_41 = tpu.vector_load %arg17[%swap3A_40] {strides = array<i32>} : memref<512xf32, #tpu.memory_space<vmem>>, vector<16xf32>,
    tpu.vector_store %arg17[%swap3A_40], %broadcast_in_dim3A_8 {strides = array<i32>} : memref<512xf32, #tpu.memory_space<vmem>>, vector<16xf32>,
    %swap3A_42 = arith.constant 272 : index
    %swap3A_43 = tpu.vector_load %arg17[%swap3A_42] {strides = array<i32>} : memref<512xf32, #tpu.memory_space<vmem>>, vector<16xf32>,
    tpu.vector_store %arg17[%swap3A_42], %broadcast_in_dim3A_8 {strides = array<i32>} : memref<512xf32, #tpu.memory_space<vmem>>, vector<16xf32>,
    %swap3A_44 = arith.constant 288 : index
    %swap3A_45 = tpu.vector_load %arg17[%swap3A_44] {strides = array<i32>} : memref<512xf32, #tpu.memory_space<vmem>>, vector<16xf32>,
    tpu.vector_store %arg17[%swap3A_44], %broadcast_in_dim3A_8 {strides = array<i32>} : memref<512xf32, #tpu.memory_space<vmem>>, vector<16xf32>,
    %swap3A_46 = arith.constant 304 : index
    %swap3A_47 = tpu.vector_load %arg17[%swap3A_46] {strides = array<i32>} : memref<512xf32, #tpu.memory_space<vmem>>, vector<16xf32>,
    tpu.vector_store %arg17[%swap3A_46], %broadcast_in_dim3A_8 {strides = array<i32>} : memref<512xf32, #tpu.memory_space<vmem>>, vector<16xf32>,
    %swap3A_48 = arith.constant 320 : index
    %swap3A_49 = tpu.vector_load %arg17[%swap3A_48] {strides = array<i32>} : memref<512xf32, #tpu.memory_space<vmem>>, vector<16xf32>,
    tpu.vector_store %arg17[%swap3A_48], %broadcast_in_dim3A_8 {strides = array<i32>} : memref<512xf32, #tpu.memory_space<vmem>>, vector<16xf32>,
    %swap3A_50 = arith.constant 336 : index
    %swap3A_51 = tpu.vector_load %arg17[%swap3A_50] {strides = array<i32>} : memref<512xf32, #tpu.memory_space<vmem>>, vector<16xf32>,
    tpu.vector_store %arg17[%swap3A_50], %broadcast_in_dim3A_8 {strides = array<i32>} : memref<512xf32, #tpu.memory_space<vmem>>, vector<16xf32>,
    %swap3A_52 = arith.constant 352 : index
    %swap3A_53 = tpu.vector_load %arg17[%swap3A_52] {strides = array<i32>} : memref<512xf32, #tpu.memory_space<vmem>>, vector<16xf32>,
    tpu.vector_store %arg17[%swap3A_52], %broadcast_in_dim3A_8 {strides = array<i32>} : memref<512xf32, #tpu.memory_space<vmem>>, vector<16xf32>,
    %swap3A_54 = arith.constant 368 : index
    %swap3A_55 = tpu.vector_load %arg17[%swap3A_54] {strides = array<i32>} : memref<512xf32, #tpu.memory_space<vmem>>, vector<16xf32>,
    tpu.vector_store %arg17[%swap3A_54], %broadcast_in_dim3A_8 {strides = array<i32>} : memref<512xf32, #tpu.memory_space<vmem>>, vector<16xf32>,
    %swap3A_56 = arith.constant 384 : index
    %swap3A_57 = tpu.vector_load %arg17[%swap3A_56] {strides = array<i32>} : memref<512xf32, #tpu.memory_space<vmem>>, vector<16xf32>,
    tpu.vector_store %arg17[%swap3A_56], %broadcast_in_dim3A_8 {strides = array<i32>} : memref<512xf32, #tpu.memory_space<vmem>>, vector<16xf32>,
    %swap3A_58 = arith.constant 400 : index
    %swap3A_59 = tpu.vector_load %arg17[%swap3A_58] {strides = array<i32>} : memref<512xf32, #tpu.memory_space<vmem>>, vector<16xf32>,
    tpu.vector_store %arg17[%swap3A_58], %broadcast_in_dim3A_8 {strides = array<i32>} : memref<512xf32, #tpu.memory_space<vmem>>, vector<16xf32>,
    %swap3A_60 = arith.constant 416 : index
    %swap3A_61 = tpu.vector_load %arg17[%swap3A_60] {strides = array<i32>} : memref<512xf32, #tpu.memory_space<vmem>>, vector<16xf32>,
    tpu.vector_store %arg17[%swap3A_60], %broadcast_in_dim3A_8 {strides = array<i32>} : memref<512xf32, #tpu.memory_space<vmem>>, vector<16xf32>,
    %swap3A_62 = arith.constant 432 : index
    %swap3A_63 = tpu.vector_load %arg17[%swap3A_62] {strides = array<i32>} : memref<512xf32, #tpu.memory_space<vmem>>, vector<16xf32>,
    tpu.vector_store %arg17[%swap3A_62], %broadcast_in_dim3A_8 {strides = array<i32>} : memref<512xf32, #tpu.memory_space<vmem>>, vector<16xf32>,
    %swap3A_64 = arith.constant 448 : index
    %swap3A_65 = tpu.vector_load %arg17[%swap3A_64] {strides = array<i32>} : memref<512xf32, #tpu.memory_space<vmem>>, vector<16xf32>,
    tpu.vector_store %arg17[%swap3A_64], %broadcast_in_dim3A_8 {strides = array<i32>} : memref<512xf32, #tpu.memory_space<vmem>>, vector<16xf32>,
    %swap3A_66 = arith.constant 464 : index
    %swap3A_67 = tpu.vector_load %arg17[%swap3A_66] {strides = array<i32>} : memref<512xf32, #tpu.memory_space<vmem>>, vector<16xf32>,
    tpu.vector_store %arg17[%swap3A_66], %broadcast_in_dim3A_8 {strides = array<i32>} : memref<512xf32, #tpu.memory_space<vmem>>, vector<16xf32>,
    %swap3A_68 = arith.constant 480 : index
    %swap3A_69 = tpu.vector_load %arg17[%swap3A_68] {strides = array<i32>} : memref<512xf32, #tpu.memory_space<vmem>>, vector<16xf32>,
    tpu.vector_store %arg17[%swap3A_68], %broadcast_in_dim3A_8 {strides = array<i32>} : memref<512xf32, #tpu.memory_space<vmem>>, vector<16xf32>,
    %swap3A_70 = arith.constant 496 : index
    %swap3A_71 = tpu.vector_load %arg17[%swap3A_70] {strides = array<i32>} : memref<512xf32, #tpu.memory_space<vmem>>, vector<16xf32>,
    tpu.vector_store %arg17[%swap3A_70], %broadcast_in_dim3A_8 {strides = array<i32>} : memref<512xf32, #tpu.memory_space<vmem>>, vector<16xf32>,
    %dma_wait3A = tpu.memref_slice %arg2[%mul3A_2] : memref<16384xi32, #tpu.memory_space<hbm>> -> memref<512xi32, #tpu.memory_space<hbm>>
    %dma_wait3A_72 = tpu.memref_slice %arg2[%mul3A_2] : memref<16384xi32, #tpu.memory_space<hbm>> -> memref<512xi32, #tpu.memory_space<hbm>>
    tpu.wait_dma2 semaphore(%arg18 : memref<!tpu.dma_semaphore, #tpu.memory_space<semaphore_mem>>) src(%dma_wait3A_72 : memref<512xi32, #tpu.memory_space<hbm>>) dst(%arg8 : memref<512xi32, #tpu.memory_space<vmem>>)
    %dma_wait3A_73 = tpu.memref_slice %arg3[%mul3A_2] : memref<16384xi32, #tpu.memory_space<hbm>> -> memref<512xi32, #tpu.memory_space<hbm>>
    %dma_wait3A_74 = tpu.memref_slice %arg3[%mul3A_2] : memref<16384xi32, #tpu.memory_space<hbm>> -> memref<512xi32, #tpu.memory_space<hbm>>
    tpu.wait_dma2 semaphore(%arg18 : memref<!tpu.dma_semaphore, #tpu.memory_space<semaphore_mem>>) src(%dma_wait3A_74 : memref<512xi32, #tpu.memory_space<hbm>>) dst(%arg9 : memref<512xi32, #tpu.memory_space<vmem>>)
    %dma_wait3A_75 = tpu.memref_slice %arg4[%mul3A_2] : memref<16384xi32, #tpu.memory_space<hbm>> -> memref<512xi32, #tpu.memory_space<hbm>>
    %dma_wait3A_76 = tpu.memref_slice %arg4[%mul3A_2] : memref<16384xi32, #tpu.memory_space<hbm>> -> memref<512xi32, #tpu.memory_space<hbm>>
    tpu.wait_dma2 semaphore(%arg18 : memref<!tpu.dma_semaphore, #tpu.memory_space<semaphore_mem>>) src(%dma_wait3A_76 : memref<512xi32, #tpu.memory_space<hbm>>) dst(%arg10 : memref<512xi32, #tpu.memory_space<vmem>>)
    %iota3A = tpu.iota {dimensions = array<i32: 0>} : vector<16xi32>
    %eq3A = arith.constant 15 : i32
    %eq3A_77 = vector.broadcast %eq3A : i32 to vector<16xi32>
    %eq3A_78 = arith.cmpi eq, %iota3A, %eq3A_77 : vector<16xi32>
    %dma_start3A_79 = arith.constant 0 : i32
    %dma_start3A_80 = tpu.memref_slice %arg8[%dma_start3A_79] : memref<512xi32, #tpu.memory_space<vmem>> -> memref<64xi32, #tpu.memory_space<vmem>>
    %dma_start3A_81 = arith.constant 0 : i32
    %dma_start3A_82 = arith.constant 0 : i32
    %dma_start3A_83 = tpu.memref_slice %arg5[%dma_start3A_81, %dma_start3A_82] : memref<100000x128xf32, #tpu.memory_space<hbm>> -> memref<100000x128xf32, #tpu.memory_space<hbm>>
    tpu.enqueue_indirect_dma source(%dma_start3A_83 : memref<100000x128xf32, #tpu.memory_space<hbm>>) target(%arg11 : memref<64x128xf32, #tpu.memory_space<vmem>>) offsets(%dma_start3A_80 : memref<64xi32, #tpu.memory_space<vmem>>) semaphore(%arg18 : memref<!tpu.dma_semaphore, #tpu.memory_space<semaphore_mem>>)
    %dma_start3A_84 = arith.constant 0 : i32
    %dma_start3A_85 = tpu.memref_slice %arg9[%dma_start3A_84] : memref<512xi32, #tpu.memory_space<vmem>> -> memref<64xi32, #tpu.memory_space<vmem>>
    %dma_start3A_86 = arith.constant 0 : i32
    %dma_start3A_87 = arith.constant 0 : i32
    %dma_start3A_88 = tpu.memref_slice %arg5[%dma_start3A_86, %dma_start3A_87] : memref<100000x128xf32, #tpu.memory_space<hbm>> -> memref<100000x128xf32, #tpu.memory_space<hbm>>
    tpu.enqueue_indirect_dma source(%dma_start3A_88 : memref<100000x128xf32, #tpu.memory_space<hbm>>) target(%arg12 : memref<64x128xf32, #tpu.memory_space<vmem>>) offsets(%dma_start3A_85 : memref<64xi32, #tpu.memory_space<vmem>>) semaphore(%arg18 : memref<!tpu.dma_semaphore, #tpu.memory_space<semaphore_mem>>)
    %dma_start3A_89 = arith.constant 0 : i32
    %dma_start3A_90 = tpu.memref_slice %arg10[%dma_start3A_89] : memref<512xi32, #tpu.memory_space<vmem>> -> memref<64xi32, #tpu.memory_space<vmem>>
    %dma_start3A_91 = arith.constant 0 : i32
    %dma_start3A_92 = arith.constant 0 : i32
    %dma_start3A_93 = tpu.memref_slice %arg6[%dma_start3A_91, %dma_start3A_92] : memref<100000x128xf32, #tpu.memory_space<hbm>> -> memref<100000x128xf32, #tpu.memory_space<hbm>>
    tpu.enqueue_indirect_dma source(%dma_start3A_93 : memref<100000x128xf32, #tpu.memory_space<hbm>>) target(%arg13 : memref<64x128xf32, #tpu.memory_space<vmem>>) offsets(%dma_start3A_90 : memref<64xi32, #tpu.memory_space<vmem>>) semaphore(%arg18 : memref<!tpu.dma_semaphore, #tpu.memory_space<semaphore_mem>>)
    %dma_start3A_94 = arith.constant 64 : i32
    %dma_start3A_95 = tpu.memref_slice %arg8[%dma_start3A_94] : memref<512xi32, #tpu.memory_space<vmem>> -> memref<64xi32, #tpu.memory_space<vmem>>
    %dma_start3A_96 = arith.constant 0 : i32
    %dma_start3A_97 = arith.constant 0 : i32
    %dma_start3A_98 = tpu.memref_slice %arg5[%dma_start3A_96, %dma_start3A_97] : memref<100000x128xf32, #tpu.memory_space<hbm>> -> memref<100000x128xf32, #tpu.memory_space<hbm>>
    tpu.enqueue_indirect_dma source(%dma_start3A_98 : memref<100000x128xf32, #tpu.memory_space<hbm>>) target(%arg14 : memref<64x128xf32, #tpu.memory_space<vmem>>) offsets(%dma_start3A_95 : memref<64xi32, #tpu.memory_space<vmem>>) semaphore(%arg19 : memref<!tpu.dma_semaphore, #tpu.memory_space<semaphore_mem>>)
    %dma_start3A_99 = arith.constant 64 : i32
    %dma_start3A_100 = tpu.memref_slice %arg9[%dma_start3A_99] : memref<512xi32, #tpu.memory_space<vmem>> -> memref<64xi32, #tpu.memory_space<vmem>>
    %dma_start3A_101 = arith.constant 0 : i32
    %dma_start3A_102 = arith.constant 0 : i32
    %dma_start3A_103 = tpu.memref_slice %arg5[%dma_start3A_101, %dma_start3A_102] : memref<100000x128xf32, #tpu.memory_space<hbm>> -> memref<100000x128xf32, #tpu.memory_space<hbm>>
    tpu.enqueue_indirect_dma source(%dma_start3A_103 : memref<100000x128xf32, #tpu.memory_space<hbm>>) target(%arg15 : memref<64x128xf32, #tpu.memory_space<vmem>>) offsets(%dma_start3A_100 : memref<64xi32, #tpu.memory_space<vmem>>) semaphore(%arg19 : memref<!tpu.dma_semaphore, #tpu.memory_space<semaphore_mem>>)
    %dma_start3A_104 = arith.constant 64 : i32
    %dma_start3A_105 = tpu.memref_slice %arg10[%dma_start3A_104] : memref<512xi32, #tpu.memory_space<vmem>> -> memref<64xi32, #tpu.memory_space<vmem>>
    %dma_start3A_106 = arith.constant 0 : i32
    %dma_start3A_107 = arith.constant 0 : i32
    %dma_start3A_108 = tpu.memref_slice %arg6[%dma_start3A_106, %dma_start3A_107] : memref<100000x128xf32, #tpu.memory_space<hbm>> -> memref<100000x128xf32, #tpu.memory_space<hbm>>
    tpu.enqueue_indirect_dma source(%dma_start3A_108 : memref<100000x128xf32, #tpu.memory_space<hbm>>) target(%arg16 : memref<64x128xf32, #tpu.memory_space<vmem>>) offsets(%dma_start3A_105 : memref<64xi32, #tpu.memory_space<vmem>>) semaphore(%arg19 : memref<!tpu.dma_semaphore, #tpu.memory_space<semaphore_mem>>)
    %dma_wait3A_109 = arith.constant 0 : i32
    %dma_wait3A_110 = tpu.memref_slice %arg8[%dma_wait3A_109] : memref<512xi32, #tpu.memory_space<vmem>> -> memref<64xi32, #tpu.memory_space<vmem>>
    %dma_wait3A_111 = arith.constant 0 : i32
    %dma_wait3A_112 = arith.constant 0 : i32
    %dma_wait3A_113 = tpu.memref_slice %arg5[%dma_wait3A_111, %dma_wait3A_112] : memref<100000x128xf32, #tpu.memory_space<hbm>> -> memref<100000x128xf32, #tpu.memory_space<hbm>>
    tpu.wait_indirect_dma semaphore(%arg18 : memref<!tpu.dma_semaphore, #tpu.memory_space<semaphore_mem>>) src(%dma_wait3A_113 : memref<100000x128xf32, #tpu.memory_space<hbm>>) dst(%arg11 : memref<64x128xf32, #tpu.memory_space<vmem>>)
    %dma_wait3A_114 = arith.constant 0 : i32
    %dma_wait3A_115 = tpu.memref_slice %arg9[%dma_wait3A_114] : memref<512xi32, #tpu.memory_space<vmem>> -> memref<64xi32, #tpu.memory_space<vmem>>
    %dma_wait3A_116 = arith.constant 0 : i32
    %dma_wait3A_117 = arith.constant 0 : i32
    %dma_wait3A_118 = tpu.memref_slice %arg5[%dma_wait3A_116, %dma_wait3A_117] : memref<100000x128xf32, #tpu.memory_space<hbm>> -> memref<100000x128xf32, #tpu.memory_space<hbm>>
    tpu.wait_indirect_dma semaphore(%arg18 : memref<!tpu.dma_semaphore, #tpu.memory_space<semaphore_mem>>) src(%dma_wait3A_118 : memref<100000x128xf32, #tpu.memory_space<hbm>>) dst(%arg12 : memref<64x128xf32, #tpu.memory_space<vmem>>)
    %dma_wait3A_119 = arith.constant 0 : i32
    %dma_wait3A_120 = tpu.memref_slice %arg10[%dma_wait3A_119] : memref<512xi32, #tpu.memory_space<vmem>> -> memref<64xi32, #tpu.memory_space<vmem>>
    %dma_wait3A_121 = arith.constant 0 : i32
    %dma_wait3A_122 = arith.constant 0 : i32
    %dma_wait3A_123 = tpu.memref_slice %arg6[%dma_wait3A_121, %dma_wait3A_122] : memref<100000x128xf32, #tpu.memory_space<hbm>> -> memref<100000x128xf32, #tpu.memory_space<hbm>>
    tpu.wait_indirect_dma semaphore(%arg18 : memref<!tpu.dma_semaphore, #tpu.memory_space<semaphore_mem>>) src(%dma_wait3A_123 : memref<100000x128xf32, #tpu.memory_space<hbm>>) dst(%arg13 : memref<64x128xf32, #tpu.memory_space<vmem>>)
    %scan3A = arith.constant 0 : i32
    %scan3A_124 = arith.constant 0 : i32
    %scan3A_125 = arith.constant 64 : i32
    %scan3A_126 = arith.addi %scan3A_124, %scan3A_125 : i32
    %scan3A_127 = arith.constant 1 : i32
    %scan3A_128 = scf.for %scan3A_596 = %scan3A_124 to %scan3A_126 step %scan3A_127 iter_args(%scan3A_597 = %scan3A) -> (i32)  : i32 {
      %get3A_598 = arith.index_cast %scan3A_596 : i32 to index
      %get3A_599 = arith.constant 0 : index
      %get3A_600 = tpu.vector_load %arg11[%get3A_598, %get3A_599] {strides = array<i32>} : memref<64x128xf32, #tpu.memory_space<vmem>>, vector<16xf32>,
      %get3A_601 = arith.index_cast %scan3A_596 : i32 to index
      %get3A_602 = arith.constant 0 : index
      %get3A_603 = tpu.vector_load %arg12[%get3A_601, %get3A_602] {strides = array<i32>} : memref<64x128xf32, #tpu.memory_space<vmem>>, vector<16xf32>,
      %mul3A_604 = arith.mulf %get3A_600, %get3A_603 : vector<16xf32>
      %get3A_605 = arith.index_cast %scan3A_596 : i32 to index
      %get3A_606 = arith.constant 0 : index
      %get3A_607 = tpu.vector_load %arg13[%get3A_605, %get3A_606] {strides = array<i32>} : memref<64x128xf32, #tpu.memory_space<vmem>>, vector<16xf32>,
      %mul3A_608 = arith.mulf %mul3A_604, %get3A_607 : vector<16xf32>
      %get3A_609 = arith.index_cast %scan3A_596 : i32 to index
      %get3A_610 = arith.constant 16 : index
      %get3A_611 = tpu.vector_load %arg11[%get3A_609, %get3A_610] {strides = array<i32>} : memref<64x128xf32, #tpu.memory_space<vmem>>, vector<16xf32>,
      %get3A_612 = arith.index_cast %scan3A_596 : i32 to index
      %get3A_613 = arith.constant 16 : index
      %get3A_614 = tpu.vector_load %arg12[%get3A_612, %get3A_613] {strides = array<i32>} : memref<64x128xf32, #tpu.memory_space<vmem>>, vector<16xf32>,
      %mul3A_615 = arith.mulf %get3A_611, %get3A_614 : vector<16xf32>
      %get3A_616 = arith.index_cast %scan3A_596 : i32 to index
      %get3A_617 = arith.constant 16 : index
      %get3A_618 = tpu.vector_load %arg13[%get3A_616, %get3A_617] {strides = array<i32>} : memref<64x128xf32, #tpu.memory_space<vmem>>, vector<16xf32>,
      %mul3A_619 = arith.mulf %mul3A_615, %get3A_618 : vector<16xf32>
      %get3A_620 = arith.index_cast %scan3A_596 : i32 to index
      %get3A_621 = arith.constant 32 : index
      %get3A_622 = tpu.vector_load %arg11[%get3A_620, %get3A_621] {strides = array<i32>} : memref<64x128xf32, #tpu.memory_space<vmem>>, vector<16xf32>,
      %get3A_623 = arith.index_cast %scan3A_596 : i32 to index
      %get3A_624 = arith.constant 32 : index
      %get3A_625 = tpu.vector_load %arg12[%get3A_623, %get3A_624] {strides = array<i32>} : memref<64x128xf32, #tpu.memory_space<vmem>>, vector<16xf32>,
      %mul3A_626 = arith.mulf %get3A_622, %get3A_625 : vector<16xf32>
      %get3A_627 = arith.index_cast %scan3A_596 : i32 to index
      %get3A_628 = arith.constant 32 : index
      %get3A_629 = tpu.vector_load %arg13[%get3A_627, %get3A_628] {strides = array<i32>} : memref<64x128xf32, #tpu.memory_space<vmem>>, vector<16xf32>,
      %mul3A_630 = arith.mulf %mul3A_626, %get3A_629 : vector<16xf32>
      %get3A_631 = arith.index_cast %scan3A_596 : i32 to index
      %get3A_632 = arith.constant 48 : index
      %get3A_633 = tpu.vector_load %arg11[%get3A_631, %get3A_632] {strides = array<i32>} : memref<64x128xf32, #tpu.memory_space<vmem>>, vector<16xf32>,
      %get3A_634 = arith.index_cast %scan3A_596 : i32 to index
      %get3A_635 = arith.constant 48 : index
      %get3A_636 = tpu.vector_load %arg12[%get3A_634, %get3A_635] {strides = array<i32>} : memref<64x128xf32, #tpu.memory_space<vmem>>, vector<16xf32>,
      %mul3A_637 = arith.mulf %get3A_633, %get3A_636 : vector<16xf32>
      %get3A_638 = arith.index_cast %scan3A_596 : i32 to index
      %get3A_639 = arith.constant 48 : index
      %get3A_640 = tpu.vector_load %arg13[%get3A_638, %get3A_639] {strides = array<i32>} : memref<64x128xf32, #tpu.memory_space<vmem>>, vector<16xf32>,
      %mul3A_641 = arith.mulf %mul3A_637, %get3A_640 : vector<16xf32>
      %get3A_642 = arith.index_cast %scan3A_596 : i32 to index
      %get3A_643 = arith.constant 64 : index
      %get3A_644 = tpu.vector_load %arg11[%get3A_642, %get3A_643] {strides = array<i32>} : memref<64x128xf32, #tpu.memory_space<vmem>>, vector<16xf32>,
      %get3A_645 = arith.index_cast %scan3A_596 : i32 to index
      %get3A_646 = arith.constant 64 : index
      %get3A_647 = tpu.vector_load %arg12[%get3A_645, %get3A_646] {strides = array<i32>} : memref<64x128xf32, #tpu.memory_space<vmem>>, vector<16xf32>,
      %mul3A_648 = arith.mulf %get3A_644, %get3A_647 : vector<16xf32>
      %get3A_649 = arith.index_cast %scan3A_596 : i32 to index
      %get3A_650 = arith.constant 64 : index
      %get3A_651 = tpu.vector_load %arg13[%get3A_649, %get3A_650] {strides = array<i32>} : memref<64x128xf32, #tpu.memory_space<vmem>>, vector<16xf32>,
      %mul3A_652 = arith.mulf %mul3A_648, %get3A_651 : vector<16xf32>
      %get3A_653 = arith.index_cast %scan3A_596 : i32 to index
      %get3A_654 = arith.constant 80 : index
      %get3A_655 = tpu.vector_load %arg11[%get3A_653, %get3A_654] {strides = array<i32>} : memref<64x128xf32, #tpu.memory_space<vmem>>, vector<16xf32>,
      %get3A_656 = arith.index_cast %scan3A_596 : i32 to index
      %get3A_657 = arith.constant 80 : index
      %get3A_658 = tpu.vector_load %arg12[%get3A_656, %get3A_657] {strides = array<i32>} : memref<64x128xf32, #tpu.memory_space<vmem>>, vector<16xf32>,
      %mul3A_659 = arith.mulf %get3A_655, %get3A_658 : vector<16xf32>
      %get3A_660 = arith.index_cast %scan3A_596 : i32 to index
      %get3A_661 = arith.constant 80 : index
      %get3A_662 = tpu.vector_load %arg13[%get3A_660, %get3A_661] {strides = array<i32>} : memref<64x128xf32, #tpu.memory_space<vmem>>, vector<16xf32>,
      %mul3A_663 = arith.mulf %mul3A_659, %get3A_662 : vector<16xf32>
      %get3A_664 = arith.index_cast %scan3A_596 : i32 to index
      %get3A_665 = arith.constant 96 : index
      %get3A_666 = tpu.vector_load %arg11[%get3A_664, %get3A_665] {strides = array<i32>} : memref<64x128xf32, #tpu.memory_space<vmem>>, vector<16xf32>,
      %get3A_667 = arith.index_cast %scan3A_596 : i32 to index
      %get3A_668 = arith.constant 96 : index
      %get3A_669 = tpu.vector_load %arg12[%get3A_667, %get3A_668] {strides = array<i32>} : memref<64x128xf32, #tpu.memory_space<vmem>>, vector<16xf32>,
      %mul3A_670 = arith.mulf %get3A_666, %get3A_669 : vector<16xf32>
      %get3A_671 = arith.index_cast %scan3A_596 : i32 to index
      %get3A_672 = arith.constant 96 : index
      %get3A_673 = tpu.vector_load %arg13[%get3A_671, %get3A_672] {strides = array<i32>} : memref<64x128xf32, #tpu.memory_space<vmem>>, vector<16xf32>,
      %mul3A_674 = arith.mulf %mul3A_670, %get3A_673 : vector<16xf32>
      %get3A_675 = arith.index_cast %scan3A_596 : i32 to index
      %get3A_676 = arith.constant 112 : index
      %get3A_677 = tpu.vector_load %arg11[%get3A_675, %get3A_676] {strides = array<i32>} : memref<64x128xf32, #tpu.memory_space<vmem>>, vector<16xf32>,
      %get3A_678 = arith.index_cast %scan3A_596 : i32 to index
      %get3A_679 = arith.constant 112 : index
      %get3A_680 = tpu.vector_load %arg12[%get3A_678, %get3A_679] {strides = array<i32>} : memref<64x128xf32, #tpu.memory_space<vmem>>, vector<16xf32>,
      %mul3A_681 = arith.mulf %get3A_677, %get3A_680 : vector<16xf32>
      %get3A_682 = arith.index_cast %scan3A_596 : i32 to index
      %get3A_683 = arith.constant 112 : index
      %get3A_684 = tpu.vector_load %arg13[%get3A_682, %get3A_683] {strides = array<i32>} : memref<64x128xf32, #tpu.memory_space<vmem>>, vector<16xf32>,
      %mul3A_685 = arith.mulf %mul3A_681, %get3A_684 : vector<16xf32>
      %add3A_686 = arith.addf %mul3A_608, %mul3A_619 : vector<16xf32>
      %add3A_687 = arith.addf %mul3A_630, %mul3A_641 : vector<16xf32>
      %add3A_688 = arith.addf %add3A_686, %add3A_687 : vector<16xf32>
      %add3A_689 = arith.addf %mul3A_652, %mul3A_663 : vector<16xf32>
      %add3A_690 = arith.addf %mul3A_674, %mul3A_685 : vector<16xf32>
      %add3A_691 = arith.addf %add3A_689, %add3A_690 : vector<16xf32>
      %add3A_692 = arith.addf %add3A_688, %add3A_691 : vector<16xf32>
      %add3A_693 = arith.constant 0 : i32
      %add3A_694 = arith.addi %add3A_693, %scan3A_596 : i32
      %broadcast_in_dim3A_695 = vector.broadcast %add3A_694 : i32 to vector<16xi32>
      %broadcast_in_dim3A_696 = arith.constant true
      %broadcast_in_dim3A_697 = vector.broadcast %broadcast_in_dim3A_696 : i1 to vector<16xi1>
      %masked_cumsum3A = tpu.scan <sum>, %add3A_692 masked %broadcast_in_dim3A_697 : vector<16xf32>, vector<16xi1> -> vector<16xf32>
      tpu.vector_store_idx %arg17[%broadcast_in_dim3A_695], %masked_cumsum3A masked %eq3A_78 {add = true} : memref<512xf32, #tpu.memory_space<vmem>>[vector<16xi32>], vector<16xf32>, vector<16xi1>
      %scan3A_698 = arith.constant 0 : i32
      scf.yield %scan3A_698 : i32
    }
    %scan3A_129 = arith.constant 64 : i32
    %dma_start3A_130 = arith.constant 128 : i32
    %dma_start3A_131 = tpu.memref_slice %arg8[%dma_start3A_130] : memref<512xi32, #tpu.memory_space<vmem>> -> memref<64xi32, #tpu.memory_space<vmem>>
    %dma_start3A_132 = arith.constant 0 : i32
    %dma_start3A_133 = arith.constant 0 : i32
    %dma_start3A_134 = tpu.memref_slice %arg5[%dma_start3A_132, %dma_start3A_133] : memref<100000x128xf32, #tpu.memory_space<hbm>> -> memref<100000x128xf32, #tpu.memory_space<hbm>>
    tpu.enqueue_indirect_dma source(%dma_start3A_134 : memref<100000x128xf32, #tpu.memory_space<hbm>>) target(%arg11 : memref<64x128xf32, #tpu.memory_space<vmem>>) offsets(%dma_start3A_131 : memref<64xi32, #tpu.memory_space<vmem>>) semaphore(%arg18 : memref<!tpu.dma_semaphore, #tpu.memory_space<semaphore_mem>>)
    %dma_start3A_135 = arith.constant 128 : i32
    %dma_start3A_136 = tpu.memref_slice %arg9[%dma_start3A_135] : memref<512xi32, #tpu.memory_space<vmem>> -> memref<64xi32, #tpu.memory_space<vmem>>
    %dma_start3A_137 = arith.constant 0 : i32
    %dma_start3A_138 = arith.constant 0 : i32
    %dma_start3A_139 = tpu.memref_slice %arg5[%dma_start3A_137, %dma_start3A_138] : memref<100000x128xf32, #tpu.memory_space<hbm>> -> memref<100000x128xf32, #tpu.memory_space<hbm>>
    tpu.enqueue_indirect_dma source(%dma_start3A_139 : memref<100000x128xf32, #tpu.memory_space<hbm>>) target(%arg12 : memref<64x128xf32, #tpu.memory_space<vmem>>) offsets(%dma_start3A_136 : memref<64xi32, #tpu.memory_space<vmem>>) semaphore(%arg18 : memref<!tpu.dma_semaphore, #tpu.memory_space<semaphore_mem>>)
    %dma_start3A_140 = arith.constant 128 : i32
    %dma_start3A_141 = tpu.memref_slice %arg10[%dma_start3A_140] : memref<512xi32, #tpu.memory_space<vmem>> -> memref<64xi32, #tpu.memory_space<vmem>>
    %dma_start3A_142 = arith.constant 0 : i32
    %dma_start3A_143 = arith.constant 0 : i32
    %dma_start3A_144 = tpu.memref_slice %arg6[%dma_start3A_142, %dma_start3A_143] : memref<100000x128xf32, #tpu.memory_space<hbm>> -> memref<100000x128xf32, #tpu.memory_space<hbm>>
    tpu.enqueue_indirect_dma source(%dma_start3A_144 : memref<100000x128xf32, #tpu.memory_space<hbm>>) target(%arg13 : memref<64x128xf32, #tpu.memory_space<vmem>>) offsets(%dma_start3A_141 : memref<64xi32, #tpu.memory_space<vmem>>) semaphore(%arg18 : memref<!tpu.dma_semaphore, #tpu.memory_space<semaphore_mem>>)
    %dma_wait3A_145 = arith.constant 64 : i32
    %dma_wait3A_146 = tpu.memref_slice %arg8[%dma_wait3A_145] : memref<512xi32, #tpu.memory_space<vmem>> -> memref<64xi32, #tpu.memory_space<vmem>>
    %dma_wait3A_147 = arith.constant 0 : i32
    %dma_wait3A_148 = arith.constant 0 : i32
    %dma_wait3A_149 = tpu.memref_slice %arg5[%dma_wait3A_147, %dma_wait3A_148] : memref<100000x128xf32, #tpu.memory_space<hbm>> -> memref<100000x128xf32, #tpu.memory_space<hbm>>
    tpu.wait_indirect_dma semaphore(%arg19 : memref<!tpu.dma_semaphore, #tpu.memory_space<semaphore_mem>>) src(%dma_wait3A_149 : memref<100000x128xf32, #tpu.memory_space<hbm>>) dst(%arg14 : memref<64x128xf32, #tpu.memory_space<vmem>>)
    %dma_wait3A_150 = arith.constant 64 : i32
    %dma_wait3A_151 = tpu.memref_slice %arg9[%dma_wait3A_150] : memref<512xi32, #tpu.memory_space<vmem>> -> memref<64xi32, #tpu.memory_space<vmem>>
    %dma_wait3A_152 = arith.constant 0 : i32
    %dma_wait3A_153 = arith.constant 0 : i32
    %dma_wait3A_154 = tpu.memref_slice %arg5[%dma_wait3A_152, %dma_wait3A_153] : memref<100000x128xf32, #tpu.memory_space<hbm>> -> memref<100000x128xf32, #tpu.memory_space<hbm>>
    tpu.wait_indirect_dma semaphore(%arg19 : memref<!tpu.dma_semaphore, #tpu.memory_space<semaphore_mem>>) src(%dma_wait3A_154 : memref<100000x128xf32, #tpu.memory_space<hbm>>) dst(%arg15 : memref<64x128xf32, #tpu.memory_space<vmem>>)
    %dma_wait3A_155 = arith.constant 64 : i32
    %dma_wait3A_156 = tpu.memref_slice %arg10[%dma_wait3A_155] : memref<512xi32, #tpu.memory_space<vmem>> -> memref<64xi32, #tpu.memory_space<vmem>>
    %dma_wait3A_157 = arith.constant 0 : i32
    %dma_wait3A_158 = arith.constant 0 : i32
    %dma_wait3A_159 = tpu.memref_slice %arg6[%dma_wait3A_157, %dma_wait3A_158] : memref<100000x128xf32, #tpu.memory_space<hbm>> -> memref<100000x128xf32, #tpu.memory_space<hbm>>
    tpu.wait_indirect_dma semaphore(%arg19 : memref<!tpu.dma_semaphore, #tpu.memory_space<semaphore_mem>>) src(%dma_wait3A_159 : memref<100000x128xf32, #tpu.memory_space<hbm>>) dst(%arg16 : memref<64x128xf32, #tpu.memory_space<vmem>>)
    %scan3A_160 = arith.constant 0 : i32
    %scan3A_161 = arith.constant 0 : i32
    %scan3A_162 = arith.constant 64 : i32
    %scan3A_163 = arith.addi %scan3A_161, %scan3A_162 : i32
    %scan3A_164 = arith.constant 1 : i32
    %scan3A_165 = scf.for %scan3A_596 = %scan3A_161 to %scan3A_163 step %scan3A_164 iter_args(%scan3A_597 = %scan3A_160) -> (i32)  : i32 {
      %get3A_598 = arith.index_cast %scan3A_596 : i32 to index
      %get3A_599 = arith.constant 0 : index
      %get3A_600 = tpu.vector_load %arg14[%get3A_598, %get3A_599] {strides = array<i32>} : memref<64x128xf32, #tpu.memory_space<vmem>>, vector<16xf32>,
      %get3A_601 = arith.index_cast %scan3A_596 : i32 to index
      %get3A_602 = arith.constant 0 : index
      %get3A_603 = tpu.vector_load %arg15[%get3A_601, %get3A_602] {strides = array<i32>} : memref<64x128xf32, #tpu.memory_space<vmem>>, vector<16xf32>,
      %mul3A_604 = arith.mulf %get3A_600, %get3A_603 : vector<16xf32>
      %get3A_605 = arith.index_cast %scan3A_596 : i32 to index
      %get3A_606 = arith.constant 0 : index
      %get3A_607 = tpu.vector_load %arg16[%get3A_605, %get3A_606] {strides = array<i32>} : memref<64x128xf32, #tpu.memory_space<vmem>>, vector<16xf32>,
      %mul3A_608 = arith.mulf %mul3A_604, %get3A_607 : vector<16xf32>
      %get3A_609 = arith.index_cast %scan3A_596 : i32 to index
      %get3A_610 = arith.constant 16 : index
      %get3A_611 = tpu.vector_load %arg14[%get3A_609, %get3A_610] {strides = array<i32>} : memref<64x128xf32, #tpu.memory_space<vmem>>, vector<16xf32>,
      %get3A_612 = arith.index_cast %scan3A_596 : i32 to index
      %get3A_613 = arith.constant 16 : index
      %get3A_614 = tpu.vector_load %arg15[%get3A_612, %get3A_613] {strides = array<i32>} : memref<64x128xf32, #tpu.memory_space<vmem>>, vector<16xf32>,
      %mul3A_615 = arith.mulf %get3A_611, %get3A_614 : vector<16xf32>
      %get3A_616 = arith.index_cast %scan3A_596 : i32 to index
      %get3A_617 = arith.constant 16 : index
      %get3A_618 = tpu.vector_load %arg16[%get3A_616, %get3A_617] {strides = array<i32>} : memref<64x128xf32, #tpu.memory_space<vmem>>, vector<16xf32>,
      %mul3A_619 = arith.mulf %mul3A_615, %get3A_618 : vector<16xf32>
      %get3A_620 = arith.index_cast %scan3A_596 : i32 to index
      %get3A_621 = arith.constant 32 : index
      %get3A_622 = tpu.vector_load %arg14[%get3A_620, %get3A_621] {strides = array<i32>} : memref<64x128xf32, #tpu.memory_space<vmem>>, vector<16xf32>,
      %get3A_623 = arith.index_cast %scan3A_596 : i32 to index
      %get3A_624 = arith.constant 32 : index
      %get3A_625 = tpu.vector_load %arg15[%get3A_623, %get3A_624] {strides = array<i32>} : memref<64x128xf32, #tpu.memory_space<vmem>>, vector<16xf32>,
      %mul3A_626 = arith.mulf %get3A_622, %get3A_625 : vector<16xf32>
      %get3A_627 = arith.index_cast %scan3A_596 : i32 to index
      %get3A_628 = arith.constant 32 : index
      %get3A_629 = tpu.vector_load %arg16[%get3A_627, %get3A_628] {strides = array<i32>} : memref<64x128xf32, #tpu.memory_space<vmem>>, vector<16xf32>,
      %mul3A_630 = arith.mulf %mul3A_626, %get3A_629 : vector<16xf32>
      %get3A_631 = arith.index_cast %scan3A_596 : i32 to index
      %get3A_632 = arith.constant 48 : index
      %get3A_633 = tpu.vector_load %arg14[%get3A_631, %get3A_632] {strides = array<i32>} : memref<64x128xf32, #tpu.memory_space<vmem>>, vector<16xf32>,
      %get3A_634 = arith.index_cast %scan3A_596 : i32 to index
      %get3A_635 = arith.constant 48 : index
      %get3A_636 = tpu.vector_load %arg15[%get3A_634, %get3A_635] {strides = array<i32>} : memref<64x128xf32, #tpu.memory_space<vmem>>, vector<16xf32>,
      %mul3A_637 = arith.mulf %get3A_633, %get3A_636 : vector<16xf32>
      %get3A_638 = arith.index_cast %scan3A_596 : i32 to index
      %get3A_639 = arith.constant 48 : index
      %get3A_640 = tpu.vector_load %arg16[%get3A_638, %get3A_639] {strides = array<i32>} : memref<64x128xf32, #tpu.memory_space<vmem>>, vector<16xf32>,
      %mul3A_641 = arith.mulf %mul3A_637, %get3A_640 : vector<16xf32>
      %get3A_642 = arith.index_cast %scan3A_596 : i32 to index
      %get3A_643 = arith.constant 64 : index
      %get3A_644 = tpu.vector_load %arg14[%get3A_642, %get3A_643] {strides = array<i32>} : memref<64x128xf32, #tpu.memory_space<vmem>>, vector<16xf32>,
      %get3A_645 = arith.index_cast %scan3A_596 : i32 to index
      %get3A_646 = arith.constant 64 : index
      %get3A_647 = tpu.vector_load %arg15[%get3A_645, %get3A_646] {strides = array<i32>} : memref<64x128xf32, #tpu.memory_space<vmem>>, vector<16xf32>,
      %mul3A_648 = arith.mulf %get3A_644, %get3A_647 : vector<16xf32>
      %get3A_649 = arith.index_cast %scan3A_596 : i32 to index
      %get3A_650 = arith.constant 64 : index
      %get3A_651 = tpu.vector_load %arg16[%get3A_649, %get3A_650] {strides = array<i32>} : memref<64x128xf32, #tpu.memory_space<vmem>>, vector<16xf32>,
      %mul3A_652 = arith.mulf %mul3A_648, %get3A_651 : vector<16xf32>
      %get3A_653 = arith.index_cast %scan3A_596 : i32 to index
      %get3A_654 = arith.constant 80 : index
      %get3A_655 = tpu.vector_load %arg14[%get3A_653, %get3A_654] {strides = array<i32>} : memref<64x128xf32, #tpu.memory_space<vmem>>, vector<16xf32>,
      %get3A_656 = arith.index_cast %scan3A_596 : i32 to index
      %get3A_657 = arith.constant 80 : index
      %get3A_658 = tpu.vector_load %arg15[%get3A_656, %get3A_657] {strides = array<i32>} : memref<64x128xf32, #tpu.memory_space<vmem>>, vector<16xf32>,
      %mul3A_659 = arith.mulf %get3A_655, %get3A_658 : vector<16xf32>
      %get3A_660 = arith.index_cast %scan3A_596 : i32 to index
      %get3A_661 = arith.constant 80 : index
      %get3A_662 = tpu.vector_load %arg16[%get3A_660, %get3A_661] {strides = array<i32>} : memref<64x128xf32, #tpu.memory_space<vmem>>, vector<16xf32>,
      %mul3A_663 = arith.mulf %mul3A_659, %get3A_662 : vector<16xf32>
      %get3A_664 = arith.index_cast %scan3A_596 : i32 to index
      %get3A_665 = arith.constant 96 : index
      %get3A_666 = tpu.vector_load %arg14[%get3A_664, %get3A_665] {strides = array<i32>} : memref<64x128xf32, #tpu.memory_space<vmem>>, vector<16xf32>,
      %get3A_667 = arith.index_cast %scan3A_596 : i32 to index
      %get3A_668 = arith.constant 96 : index
      %get3A_669 = tpu.vector_load %arg15[%get3A_667, %get3A_668] {strides = array<i32>} : memref<64x128xf32, #tpu.memory_space<vmem>>, vector<16xf32>,
      %mul3A_670 = arith.mulf %get3A_666, %get3A_669 : vector<16xf32>
      %get3A_671 = arith.index_cast %scan3A_596 : i32 to index
      %get3A_672 = arith.constant 96 : index
      %get3A_673 = tpu.vector_load %arg16[%get3A_671, %get3A_672] {strides = array<i32>} : memref<64x128xf32, #tpu.memory_space<vmem>>, vector<16xf32>,
      %mul3A_674 = arith.mulf %mul3A_670, %get3A_673 : vector<16xf32>
      %get3A_675 = arith.index_cast %scan3A_596 : i32 to index
      %get3A_676 = arith.constant 112 : index
      %get3A_677 = tpu.vector_load %arg14[%get3A_675, %get3A_676] {strides = array<i32>} : memref<64x128xf32, #tpu.memory_space<vmem>>, vector<16xf32>,
      %get3A_678 = arith.index_cast %scan3A_596 : i32 to index
      %get3A_679 = arith.constant 112 : index
      %get3A_680 = tpu.vector_load %arg15[%get3A_678, %get3A_679] {strides = array<i32>} : memref<64x128xf32, #tpu.memory_space<vmem>>, vector<16xf32>,
      %mul3A_681 = arith.mulf %get3A_677, %get3A_680 : vector<16xf32>
      %get3A_682 = arith.index_cast %scan3A_596 : i32 to index
      %get3A_683 = arith.constant 112 : index
      %get3A_684 = tpu.vector_load %arg16[%get3A_682, %get3A_683] {strides = array<i32>} : memref<64x128xf32, #tpu.memory_space<vmem>>, vector<16xf32>,
      %mul3A_685 = arith.mulf %mul3A_681, %get3A_684 : vector<16xf32>
      %add3A_686 = arith.addf %mul3A_608, %mul3A_619 : vector<16xf32>
      %add3A_687 = arith.addf %mul3A_630, %mul3A_641 : vector<16xf32>
      %add3A_688 = arith.addf %add3A_686, %add3A_687 : vector<16xf32>
      %add3A_689 = arith.addf %mul3A_652, %mul3A_663 : vector<16xf32>
      %add3A_690 = arith.addf %mul3A_674, %mul3A_685 : vector<16xf32>
      %add3A_691 = arith.addf %add3A_689, %add3A_690 : vector<16xf32>
      %add3A_692 = arith.addf %add3A_688, %add3A_691 : vector<16xf32>
      %add3A_693 = arith.constant 64 : i32
      %add3A_694 = arith.addi %add3A_693, %scan3A_596 : i32
      %broadcast_in_dim3A_695 = vector.broadcast %add3A_694 : i32 to vector<16xi32>
      %broadcast_in_dim3A_696 = arith.constant true
      %broadcast_in_dim3A_697 = vector.broadcast %broadcast_in_dim3A_696 : i1 to vector<16xi1>
      %masked_cumsum3A = tpu.scan <sum>, %add3A_692 masked %broadcast_in_dim3A_697 : vector<16xf32>, vector<16xi1> -> vector<16xf32>
      tpu.vector_store_idx %arg17[%broadcast_in_dim3A_695], %masked_cumsum3A masked %eq3A_78 {add = true} : memref<512xf32, #tpu.memory_space<vmem>>[vector<16xi32>], vector<16xf32>, vector<16xi1>
      %scan3A_698 = arith.constant 0 : i32
      scf.yield %scan3A_698 : i32
    }
    %scan3A_166 = arith.constant 64 : i32
    %dma_start3A_167 = arith.constant 192 : i32
    %dma_start3A_168 = tpu.memref_slice %arg8[%dma_start3A_167] : memref<512xi32, #tpu.memory_space<vmem>> -> memref<64xi32, #tpu.memory_space<vmem>>
    %dma_start3A_169 = arith.constant 0 : i32
    %dma_start3A_170 = arith.constant 0 : i32
    %dma_start3A_171 = tpu.memref_slice %arg5[%dma_start3A_169, %dma_start3A_170] : memref<100000x128xf32, #tpu.memory_space<hbm>> -> memref<100000x128xf32, #tpu.memory_space<hbm>>
    tpu.enqueue_indirect_dma source(%dma_start3A_171 : memref<100000x128xf32, #tpu.memory_space<hbm>>) target(%arg14 : memref<64x128xf32, #tpu.memory_space<vmem>>) offsets(%dma_start3A_168 : memref<64xi32, #tpu.memory_space<vmem>>) semaphore(%arg19 : memref<!tpu.dma_semaphore, #tpu.memory_space<semaphore_mem>>)
    %dma_start3A_172 = arith.constant 192 : i32
    %dma_start3A_173 = tpu.memref_slice %arg9[%dma_start3A_172] : memref<512xi32, #tpu.memory_space<vmem>> -> memref<64xi32, #tpu.memory_space<vmem>>
    %dma_start3A_174 = arith.constant 0 : i32
    %dma_start3A_175 = arith.constant 0 : i32
    %dma_start3A_176 = tpu.memref_slice %arg5[%dma_start3A_174, %dma_start3A_175] : memref<100000x128xf32, #tpu.memory_space<hbm>> -> memref<100000x128xf32, #tpu.memory_space<hbm>>
    tpu.enqueue_indirect_dma source(%dma_start3A_176 : memref<100000x128xf32, #tpu.memory_space<hbm>>) target(%arg15 : memref<64x128xf32, #tpu.memory_space<vmem>>) offsets(%dma_start3A_173 : memref<64xi32, #tpu.memory_space<vmem>>) semaphore(%arg19 : memref<!tpu.dma_semaphore, #tpu.memory_space<semaphore_mem>>)
    %dma_start3A_177 = arith.constant 192 : i32
    %dma_start3A_178 = tpu.memref_slice %arg10[%dma_start3A_177] : memref<512xi32, #tpu.memory_space<vmem>> -> memref<64xi32, #tpu.memory_space<vmem>>
    %dma_start3A_179 = arith.constant 0 : i32
    %dma_start3A_180 = arith.constant 0 : i32
    %dma_start3A_181 = tpu.memref_slice %arg6[%dma_start3A_179, %dma_start3A_180] : memref<100000x128xf32, #tpu.memory_space<hbm>> -> memref<100000x128xf32, #tpu.memory_space<hbm>>
    tpu.enqueue_indirect_dma source(%dma_start3A_181 : memref<100000x128xf32, #tpu.memory_space<hbm>>) target(%arg16 : memref<64x128xf32, #tpu.memory_space<vmem>>) offsets(%dma_start3A_178 : memref<64xi32, #tpu.memory_space<vmem>>) semaphore(%arg19 : memref<!tpu.dma_semaphore, #tpu.memory_space<semaphore_mem>>)
    %dma_wait3A_182 = arith.constant 128 : i32
    %dma_wait3A_183 = tpu.memref_slice %arg8[%dma_wait3A_182] : memref<512xi32, #tpu.memory_space<vmem>> -> memref<64xi32, #tpu.memory_space<vmem>>
    %dma_wait3A_184 = arith.constant 0 : i32
    %dma_wait3A_185 = arith.constant 0 : i32
    %dma_wait3A_186 = tpu.memref_slice %arg5[%dma_wait3A_184, %dma_wait3A_185] : memref<100000x128xf32, #tpu.memory_space<hbm>> -> memref<100000x128xf32, #tpu.memory_space<hbm>>
    tpu.wait_indirect_dma semaphore(%arg18 : memref<!tpu.dma_semaphore, #tpu.memory_space<semaphore_mem>>) src(%dma_wait3A_186 : memref<100000x128xf32, #tpu.memory_space<hbm>>) dst(%arg11 : memref<64x128xf32, #tpu.memory_space<vmem>>)
    %dma_wait3A_187 = arith.constant 128 : i32
    %dma_wait3A_188 = tpu.memref_slice %arg9[%dma_wait3A_187] : memref<512xi32, #tpu.memory_space<vmem>> -> memref<64xi32, #tpu.memory_space<vmem>>
    %dma_wait3A_189 = arith.constant 0 : i32
    %dma_wait3A_190 = arith.constant 0 : i32
    %dma_wait3A_191 = tpu.memref_slice %arg5[%dma_wait3A_189, %dma_wait3A_190] : memref<100000x128xf32, #tpu.memory_space<hbm>> -> memref<100000x128xf32, #tpu.memory_space<hbm>>
    tpu.wait_indirect_dma semaphore(%arg18 : memref<!tpu.dma_semaphore, #tpu.memory_space<semaphore_mem>>) src(%dma_wait3A_191 : memref<100000x128xf32, #tpu.memory_space<hbm>>) dst(%arg12 : memref<64x128xf32, #tpu.memory_space<vmem>>)
    %dma_wait3A_192 = arith.constant 128 : i32
    %dma_wait3A_193 = tpu.memref_slice %arg10[%dma_wait3A_192] : memref<512xi32, #tpu.memory_space<vmem>> -> memref<64xi32, #tpu.memory_space<vmem>>
    %dma_wait3A_194 = arith.constant 0 : i32
    %dma_wait3A_195 = arith.constant 0 : i32
    %dma_wait3A_196 = tpu.memref_slice %arg6[%dma_wait3A_194, %dma_wait3A_195] : memref<100000x128xf32, #tpu.memory_space<hbm>> -> memref<100000x128xf32, #tpu.memory_space<hbm>>
    tpu.wait_indirect_dma semaphore(%arg18 : memref<!tpu.dma_semaphore, #tpu.memory_space<semaphore_mem>>) src(%dma_wait3A_196 : memref<100000x128xf32, #tpu.memory_space<hbm>>) dst(%arg13 : memref<64x128xf32, #tpu.memory_space<vmem>>)
    %scan3A_197 = arith.constant 0 : i32
    %scan3A_198 = arith.constant 0 : i32
    %scan3A_199 = arith.constant 64 : i32
    %scan3A_200 = arith.addi %scan3A_198, %scan3A_199 : i32
    %scan3A_201 = arith.constant 1 : i32
    %scan3A_202 = scf.for %scan3A_596 = %scan3A_198 to %scan3A_200 step %scan3A_201 iter_args(%scan3A_597 = %scan3A_197) -> (i32)  : i32 {
      %get3A_598 = arith.index_cast %scan3A_596 : i32 to index
      %get3A_599 = arith.constant 0 : index
      %get3A_600 = tpu.vector_load %arg11[%get3A_598, %get3A_599] {strides = array<i32>} : memref<64x128xf32, #tpu.memory_space<vmem>>, vector<16xf32>,
      %get3A_601 = arith.index_cast %scan3A_596 : i32 to index
      %get3A_602 = arith.constant 0 : index
      %get3A_603 = tpu.vector_load %arg12[%get3A_601, %get3A_602] {strides = array<i32>} : memref<64x128xf32, #tpu.memory_space<vmem>>, vector<16xf32>,
      %mul3A_604 = arith.mulf %get3A_600, %get3A_603 : vector<16xf32>
      %get3A_605 = arith.index_cast %scan3A_596 : i32 to index
      %get3A_606 = arith.constant 0 : index
      %get3A_607 = tpu.vector_load %arg13[%get3A_605, %get3A_606] {strides = array<i32>} : memref<64x128xf32, #tpu.memory_space<vmem>>, vector<16xf32>,
      %mul3A_608 = arith.mulf %mul3A_604, %get3A_607 : vector<16xf32>
      %get3A_609 = arith.index_cast %scan3A_596 : i32 to index
      %get3A_610 = arith.constant 16 : index
      %get3A_611 = tpu.vector_load %arg11[%get3A_609, %get3A_610] {strides = array<i32>} : memref<64x128xf32, #tpu.memory_space<vmem>>, vector<16xf32>,
      %get3A_612 = arith.index_cast %scan3A_596 : i32 to index
      %get3A_613 = arith.constant 16 : index
      %get3A_614 = tpu.vector_load %arg12[%get3A_612, %get3A_613] {strides = array<i32>} : memref<64x128xf32, #tpu.memory_space<vmem>>, vector<16xf32>,
      %mul3A_615 = arith.mulf %get3A_611, %get3A_614 : vector<16xf32>
      %get3A_616 = arith.index_cast %scan3A_596 : i32 to index
      %get3A_617 = arith.constant 16 : index
      %get3A_618 = tpu.vector_load %arg13[%get3A_616, %get3A_617] {strides = array<i32>} : memref<64x128xf32, #tpu.memory_space<vmem>>, vector<16xf32>,
      %mul3A_619 = arith.mulf %mul3A_615, %get3A_618 : vector<16xf32>
      %get3A_620 = arith.index_cast %scan3A_596 : i32 to index
      %get3A_621 = arith.constant 32 : index
      %get3A_622 = tpu.vector_load %arg11[%get3A_620, %get3A_621] {strides = array<i32>} : memref<64x128xf32, #tpu.memory_space<vmem>>, vector<16xf32>,
      %get3A_623 = arith.index_cast %scan3A_596 : i32 to index
      %get3A_624 = arith.constant 32 : index
      %get3A_625 = tpu.vector_load %arg12[%get3A_623, %get3A_624] {strides = array<i32>} : memref<64x128xf32, #tpu.memory_space<vmem>>, vector<16xf32>,
      %mul3A_626 = arith.mulf %get3A_622, %get3A_625 : vector<16xf32>
      %get3A_627 = arith.index_cast %scan3A_596 : i32 to index
      %get3A_628 = arith.constant 32 : index
      %get3A_629 = tpu.vector_load %arg13[%get3A_627, %get3A_628] {strides = array<i32>} : memref<64x128xf32, #tpu.memory_space<vmem>>, vector<16xf32>,
      %mul3A_630 = arith.mulf %mul3A_626, %get3A_629 : vector<16xf32>
      %get3A_631 = arith.index_cast %scan3A_596 : i32 to index
      %get3A_632 = arith.constant 48 : index
      %get3A_633 = tpu.vector_load %arg11[%get3A_631, %get3A_632] {strides = array<i32>} : memref<64x128xf32, #tpu.memory_space<vmem>>, vector<16xf32>,
      %get3A_634 = arith.index_cast %scan3A_596 : i32 to index
      %get3A_635 = arith.constant 48 : index
      %get3A_636 = tpu.vector_load %arg12[%get3A_634, %get3A_635] {strides = array<i32>} : memref<64x128xf32, #tpu.memory_space<vmem>>, vector<16xf32>,
      %mul3A_637 = arith.mulf %get3A_633, %get3A_636 : vector<16xf32>
      %get3A_638 = arith.index_cast %scan3A_596 : i32 to index
      %get3A_639 = arith.constant 48 : index
      %get3A_640 = tpu.vector_load %arg13[%get3A_638, %get3A_639] {strides = array<i32>} : memref<64x128xf32, #tpu.memory_space<vmem>>, vector<16xf32>,
      %mul3A_641 = arith.mulf %mul3A_637, %get3A_640 : vector<16xf32>
      %get3A_642 = arith.index_cast %scan3A_596 : i32 to index
      %get3A_643 = arith.constant 64 : index
      %get3A_644 = tpu.vector_load %arg11[%get3A_642, %get3A_643] {strides = array<i32>} : memref<64x128xf32, #tpu.memory_space<vmem>>, vector<16xf32>,
      %get3A_645 = arith.index_cast %scan3A_596 : i32 to index
      %get3A_646 = arith.constant 64 : index
      %get3A_647 = tpu.vector_load %arg12[%get3A_645, %get3A_646] {strides = array<i32>} : memref<64x128xf32, #tpu.memory_space<vmem>>, vector<16xf32>,
      %mul3A_648 = arith.mulf %get3A_644, %get3A_647 : vector<16xf32>
      %get3A_649 = arith.index_cast %scan3A_596 : i32 to index
      %get3A_650 = arith.constant 64 : index
      %get3A_651 = tpu.vector_load %arg13[%get3A_649, %get3A_650] {strides = array<i32>} : memref<64x128xf32, #tpu.memory_space<vmem>>, vector<16xf32>,
      %mul3A_652 = arith.mulf %mul3A_648, %get3A_651 : vector<16xf32>
      %get3A_653 = arith.index_cast %scan3A_596 : i32 to index
      %get3A_654 = arith.constant 80 : index
      %get3A_655 = tpu.vector_load %arg11[%get3A_653, %get3A_654] {strides = array<i32>} : memref<64x128xf32, #tpu.memory_space<vmem>>, vector<16xf32>,
      %get3A_656 = arith.index_cast %scan3A_596 : i32 to index
      %get3A_657 = arith.constant 80 : index
      %get3A_658 = tpu.vector_load %arg12[%get3A_656, %get3A_657] {strides = array<i32>} : memref<64x128xf32, #tpu.memory_space<vmem>>, vector<16xf32>,
      %mul3A_659 = arith.mulf %get3A_655, %get3A_658 : vector<16xf32>
      %get3A_660 = arith.index_cast %scan3A_596 : i32 to index
      %get3A_661 = arith.constant 80 : index
      %get3A_662 = tpu.vector_load %arg13[%get3A_660, %get3A_661] {strides = array<i32>} : memref<64x128xf32, #tpu.memory_space<vmem>>, vector<16xf32>,
      %mul3A_663 = arith.mulf %mul3A_659, %get3A_662 : vector<16xf32>
      %get3A_664 = arith.index_cast %scan3A_596 : i32 to index
      %get3A_665 = arith.constant 96 : index
      %get3A_666 = tpu.vector_load %arg11[%get3A_664, %get3A_665] {strides = array<i32>} : memref<64x128xf32, #tpu.memory_space<vmem>>, vector<16xf32>,
      %get3A_667 = arith.index_cast %scan3A_596 : i32 to index
      %get3A_668 = arith.constant 96 : index
      %get3A_669 = tpu.vector_load %arg12[%get3A_667, %get3A_668] {strides = array<i32>} : memref<64x128xf32, #tpu.memory_space<vmem>>, vector<16xf32>,
      %mul3A_670 = arith.mulf %get3A_666, %get3A_669 : vector<16xf32>
      %get3A_671 = arith.index_cast %scan3A_596 : i32 to index
      %get3A_672 = arith.constant 96 : index
      %get3A_673 = tpu.vector_load %arg13[%get3A_671, %get3A_672] {strides = array<i32>} : memref<64x128xf32, #tpu.memory_space<vmem>>, vector<16xf32>,
      %mul3A_674 = arith.mulf %mul3A_670, %get3A_673 : vector<16xf32>
      %get3A_675 = arith.index_cast %scan3A_596 : i32 to index
      %get3A_676 = arith.constant 112 : index
      %get3A_677 = tpu.vector_load %arg11[%get3A_675, %get3A_676] {strides = array<i32>} : memref<64x128xf32, #tpu.memory_space<vmem>>, vector<16xf32>,
      %get3A_678 = arith.index_cast %scan3A_596 : i32 to index
      %get3A_679 = arith.constant 112 : index
      %get3A_680 = tpu.vector_load %arg12[%get3A_678, %get3A_679] {strides = array<i32>} : memref<64x128xf32, #tpu.memory_space<vmem>>, vector<16xf32>,
      %mul3A_681 = arith.mulf %get3A_677, %get3A_680 : vector<16xf32>
      %get3A_682 = arith.index_cast %scan3A_596 : i32 to index
      %get3A_683 = arith.constant 112 : index
      %get3A_684 = tpu.vector_load %arg13[%get3A_682, %get3A_683] {strides = array<i32>} : memref<64x128xf32, #tpu.memory_space<vmem>>, vector<16xf32>,
      %mul3A_685 = arith.mulf %mul3A_681, %get3A_684 : vector<16xf32>
      %add3A_686 = arith.addf %mul3A_608, %mul3A_619 : vector<16xf32>
      %add3A_687 = arith.addf %mul3A_630, %mul3A_641 : vector<16xf32>
      %add3A_688 = arith.addf %add3A_686, %add3A_687 : vector<16xf32>
      %add3A_689 = arith.addf %mul3A_652, %mul3A_663 : vector<16xf32>
      %add3A_690 = arith.addf %mul3A_674, %mul3A_685 : vector<16xf32>
      %add3A_691 = arith.addf %add3A_689, %add3A_690 : vector<16xf32>
      %add3A_692 = arith.addf %add3A_688, %add3A_691 : vector<16xf32>
      %add3A_693 = arith.constant 128 : i32
      %add3A_694 = arith.addi %add3A_693, %scan3A_596 : i32
      %broadcast_in_dim3A_695 = vector.broadcast %add3A_694 : i32 to vector<16xi32>
      %broadcast_in_dim3A_696 = arith.constant true
      %broadcast_in_dim3A_697 = vector.broadcast %broadcast_in_dim3A_696 : i1 to vector<16xi1>
      %masked_cumsum3A = tpu.scan <sum>, %add3A_692 masked %broadcast_in_dim3A_697 : vector<16xf32>, vector<16xi1> -> vector<16xf32>
      tpu.vector_store_idx %arg17[%broadcast_in_dim3A_695], %masked_cumsum3A masked %eq3A_78 {add = true} : memref<512xf32, #tpu.memory_space<vmem>>[vector<16xi32>], vector<16xf32>, vector<16xi1>
      %scan3A_698 = arith.constant 0 : i32
      scf.yield %scan3A_698 : i32
    }
    %scan3A_203 = arith.constant 64 : i32
    %dma_start3A_204 = arith.constant 256 : i32
    %dma_start3A_205 = tpu.memref_slice %arg8[%dma_start3A_204] : memref<512xi32, #tpu.memory_space<vmem>> -> memref<64xi32, #tpu.memory_space<vmem>>
    %dma_start3A_206 = arith.constant 0 : i32
    %dma_start3A_207 = arith.constant 0 : i32
    %dma_start3A_208 = tpu.memref_slice %arg5[%dma_start3A_206, %dma_start3A_207] : memref<100000x128xf32, #tpu.memory_space<hbm>> -> memref<100000x128xf32, #tpu.memory_space<hbm>>
    tpu.enqueue_indirect_dma source(%dma_start3A_208 : memref<100000x128xf32, #tpu.memory_space<hbm>>) target(%arg11 : memref<64x128xf32, #tpu.memory_space<vmem>>) offsets(%dma_start3A_205 : memref<64xi32, #tpu.memory_space<vmem>>) semaphore(%arg18 : memref<!tpu.dma_semaphore, #tpu.memory_space<semaphore_mem>>)
    %dma_start3A_209 = arith.constant 256 : i32
    %dma_start3A_210 = tpu.memref_slice %arg9[%dma_start3A_209] : memref<512xi32, #tpu.memory_space<vmem>> -> memref<64xi32, #tpu.memory_space<vmem>>
    %dma_start3A_211 = arith.constant 0 : i32
    %dma_start3A_212 = arith.constant 0 : i32
    %dma_start3A_213 = tpu.memref_slice %arg5[%dma_start3A_211, %dma_start3A_212] : memref<100000x128xf32, #tpu.memory_space<hbm>> -> memref<100000x128xf32, #tpu.memory_space<hbm>>
    tpu.enqueue_indirect_dma source(%dma_start3A_213 : memref<100000x128xf32, #tpu.memory_space<hbm>>) target(%arg12 : memref<64x128xf32, #tpu.memory_space<vmem>>) offsets(%dma_start3A_210 : memref<64xi32, #tpu.memory_space<vmem>>) semaphore(%arg18 : memref<!tpu.dma_semaphore, #tpu.memory_space<semaphore_mem>>)
    %dma_start3A_214 = arith.constant 256 : i32
    %dma_start3A_215 = tpu.memref_slice %arg10[%dma_start3A_214] : memref<512xi32, #tpu.memory_space<vmem>> -> memref<64xi32, #tpu.memory_space<vmem>>
    %dma_start3A_216 = arith.constant 0 : i32
    %dma_start3A_217 = arith.constant 0 : i32
    %dma_start3A_218 = tpu.memref_slice %arg6[%dma_start3A_216, %dma_start3A_217] : memref<100000x128xf32, #tpu.memory_space<hbm>> -> memref<100000x128xf32, #tpu.memory_space<hbm>>
    tpu.enqueue_indirect_dma source(%dma_start3A_218 : memref<100000x128xf32, #tpu.memory_space<hbm>>) target(%arg13 : memref<64x128xf32, #tpu.memory_space<vmem>>) offsets(%dma_start3A_215 : memref<64xi32, #tpu.memory_space<vmem>>) semaphore(%arg18 : memref<!tpu.dma_semaphore, #tpu.memory_space<semaphore_mem>>)
    %dma_wait3A_219 = arith.constant 192 : i32
    %dma_wait3A_220 = tpu.memref_slice %arg8[%dma_wait3A_219] : memref<512xi32, #tpu.memory_space<vmem>> -> memref<64xi32, #tpu.memory_space<vmem>>
    %dma_wait3A_221 = arith.constant 0 : i32
    %dma_wait3A_222 = arith.constant 0 : i32
    %dma_wait3A_223 = tpu.memref_slice %arg5[%dma_wait3A_221, %dma_wait3A_222] : memref<100000x128xf32, #tpu.memory_space<hbm>> -> memref<100000x128xf32, #tpu.memory_space<hbm>>
    tpu.wait_indirect_dma semaphore(%arg19 : memref<!tpu.dma_semaphore, #tpu.memory_space<semaphore_mem>>) src(%dma_wait3A_223 : memref<100000x128xf32, #tpu.memory_space<hbm>>) dst(%arg14 : memref<64x128xf32, #tpu.memory_space<vmem>>)
    %dma_wait3A_224 = arith.constant 192 : i32
    %dma_wait3A_225 = tpu.memref_slice %arg9[%dma_wait3A_224] : memref<512xi32, #tpu.memory_space<vmem>> -> memref<64xi32, #tpu.memory_space<vmem>>
    %dma_wait3A_226 = arith.constant 0 : i32
    %dma_wait3A_227 = arith.constant 0 : i32
    %dma_wait3A_228 = tpu.memref_slice %arg5[%dma_wait3A_226, %dma_wait3A_227] : memref<100000x128xf32, #tpu.memory_space<hbm>> -> memref<100000x128xf32, #tpu.memory_space<hbm>>
    tpu.wait_indirect_dma semaphore(%arg19 : memref<!tpu.dma_semaphore, #tpu.memory_space<semaphore_mem>>) src(%dma_wait3A_228 : memref<100000x128xf32, #tpu.memory_space<hbm>>) dst(%arg15 : memref<64x128xf32, #tpu.memory_space<vmem>>)
    %dma_wait3A_229 = arith.constant 192 : i32
    %dma_wait3A_230 = tpu.memref_slice %arg10[%dma_wait3A_229] : memref<512xi32, #tpu.memory_space<vmem>> -> memref<64xi32, #tpu.memory_space<vmem>>
    %dma_wait3A_231 = arith.constant 0 : i32
    %dma_wait3A_232 = arith.constant 0 : i32
    %dma_wait3A_233 = tpu.memref_slice %arg6[%dma_wait3A_231, %dma_wait3A_232] : memref<100000x128xf32, #tpu.memory_space<hbm>> -> memref<100000x128xf32, #tpu.memory_space<hbm>>
    tpu.wait_indirect_dma semaphore(%arg19 : memref<!tpu.dma_semaphore, #tpu.memory_space<semaphore_mem>>) src(%dma_wait3A_233 : memref<100000x128xf32, #tpu.memory_space<hbm>>) dst(%arg16 : memref<64x128xf32, #tpu.memory_space<vmem>>)
    %scan3A_234 = arith.constant 0 : i32
    %scan3A_235 = arith.constant 0 : i32
    %scan3A_236 = arith.constant 64 : i32
    %scan3A_237 = arith.addi %scan3A_235, %scan3A_236 : i32
    %scan3A_238 = arith.constant 1 : i32
    %scan3A_239 = scf.for %scan3A_596 = %scan3A_235 to %scan3A_237 step %scan3A_238 iter_args(%scan3A_597 = %scan3A_234) -> (i32)  : i32 {
      %get3A_598 = arith.index_cast %scan3A_596 : i32 to index
      %get3A_599 = arith.constant 0 : index
      %get3A_600 = tpu.vector_load %arg14[%get3A_598, %get3A_599] {strides = array<i32>} : memref<64x128xf32, #tpu.memory_space<vmem>>, vector<16xf32>,
      %get3A_601 = arith.index_cast %scan3A_596 : i32 to index
      %get3A_602 = arith.constant 0 : index
      %get3A_603 = tpu.vector_load %arg15[%get3A_601, %get3A_602] {strides = array<i32>} : memref<64x128xf32, #tpu.memory_space<vmem>>, vector<16xf32>,
      %mul3A_604 = arith.mulf %get3A_600, %get3A_603 : vector<16xf32>
      %get3A_605 = arith.index_cast %scan3A_596 : i32 to index
      %get3A_606 = arith.constant 0 : index
      %get3A_607 = tpu.vector_load %arg16[%get3A_605, %get3A_606] {strides = array<i32>} : memref<64x128xf32, #tpu.memory_space<vmem>>, vector<16xf32>,
      %mul3A_608 = arith.mulf %mul3A_604, %get3A_607 : vector<16xf32>
      %get3A_609 = arith.index_cast %scan3A_596 : i32 to index
      %get3A_610 = arith.constant 16 : index
      %get3A_611 = tpu.vector_load %arg14[%get3A_609, %get3A_610] {strides = array<i32>} : memref<64x128xf32, #tpu.memory_space<vmem>>, vector<16xf32>,
      %get3A_612 = arith.index_cast %scan3A_596 : i32 to index
      %get3A_613 = arith.constant 16 : index
      %get3A_614 = tpu.vector_load %arg15[%get3A_612, %get3A_613] {strides = array<i32>} : memref<64x128xf32, #tpu.memory_space<vmem>>, vector<16xf32>,
      %mul3A_615 = arith.mulf %get3A_611, %get3A_614 : vector<16xf32>
      %get3A_616 = arith.index_cast %scan3A_596 : i32 to index
      %get3A_617 = arith.constant 16 : index
      %get3A_618 = tpu.vector_load %arg16[%get3A_616, %get3A_617] {strides = array<i32>} : memref<64x128xf32, #tpu.memory_space<vmem>>, vector<16xf32>,
      %mul3A_619 = arith.mulf %mul3A_615, %get3A_618 : vector<16xf32>
      %get3A_620 = arith.index_cast %scan3A_596 : i32 to index
      %get3A_621 = arith.constant 32 : index
      %get3A_622 = tpu.vector_load %arg14[%get3A_620, %get3A_621] {strides = array<i32>} : memref<64x128xf32, #tpu.memory_space<vmem>>, vector<16xf32>,
      %get3A_623 = arith.index_cast %scan3A_596 : i32 to index
      %get3A_624 = arith.constant 32 : index
      %get3A_625 = tpu.vector_load %arg15[%get3A_623, %get3A_624] {strides = array<i32>} : memref<64x128xf32, #tpu.memory_space<vmem>>, vector<16xf32>,
      %mul3A_626 = arith.mulf %get3A_622, %get3A_625 : vector<16xf32>
      %get3A_627 = arith.index_cast %scan3A_596 : i32 to index
      %get3A_628 = arith.constant 32 : index
      %get3A_629 = tpu.vector_load %arg16[%get3A_627, %get3A_628] {strides = array<i32>} : memref<64x128xf32, #tpu.memory_space<vmem>>, vector<16xf32>,
      %mul3A_630 = arith.mulf %mul3A_626, %get3A_629 : vector<16xf32>
      %get3A_631 = arith.index_cast %scan3A_596 : i32 to index
      %get3A_632 = arith.constant 48 : index
      %get3A_633 = tpu.vector_load %arg14[%get3A_631, %get3A_632] {strides = array<i32>} : memref<64x128xf32, #tpu.memory_space<vmem>>, vector<16xf32>,
      %get3A_634 = arith.index_cast %scan3A_596 : i32 to index
      %get3A_635 = arith.constant 48 : index
      %get3A_636 = tpu.vector_load %arg15[%get3A_634, %get3A_635] {strides = array<i32>} : memref<64x128xf32, #tpu.memory_space<vmem>>, vector<16xf32>,
      %mul3A_637 = arith.mulf %get3A_633, %get3A_636 : vector<16xf32>
      %get3A_638 = arith.index_cast %scan3A_596 : i32 to index
      %get3A_639 = arith.constant 48 : index
      %get3A_640 = tpu.vector_load %arg16[%get3A_638, %get3A_639] {strides = array<i32>} : memref<64x128xf32, #tpu.memory_space<vmem>>, vector<16xf32>,
      %mul3A_641 = arith.mulf %mul3A_637, %get3A_640 : vector<16xf32>
      %get3A_642 = arith.index_cast %scan3A_596 : i32 to index
      %get3A_643 = arith.constant 64 : index
      %get3A_644 = tpu.vector_load %arg14[%get3A_642, %get3A_643] {strides = array<i32>} : memref<64x128xf32, #tpu.memory_space<vmem>>, vector<16xf32>,
      %get3A_645 = arith.index_cast %scan3A_596 : i32 to index
      %get3A_646 = arith.constant 64 : index
      %get3A_647 = tpu.vector_load %arg15[%get3A_645, %get3A_646] {strides = array<i32>} : memref<64x128xf32, #tpu.memory_space<vmem>>, vector<16xf32>,
      %mul3A_648 = arith.mulf %get3A_644, %get3A_647 : vector<16xf32>
      %get3A_649 = arith.index_cast %scan3A_596 : i32 to index
      %get3A_650 = arith.constant 64 : index
      %get3A_651 = tpu.vector_load %arg16[%get3A_649, %get3A_650] {strides = array<i32>} : memref<64x128xf32, #tpu.memory_space<vmem>>, vector<16xf32>,
      %mul3A_652 = arith.mulf %mul3A_648, %get3A_651 : vector<16xf32>
      %get3A_653 = arith.index_cast %scan3A_596 : i32 to index
      %get3A_654 = arith.constant 80 : index
      %get3A_655 = tpu.vector_load %arg14[%get3A_653, %get3A_654] {strides = array<i32>} : memref<64x128xf32, #tpu.memory_space<vmem>>, vector<16xf32>,
      %get3A_656 = arith.index_cast %scan3A_596 : i32 to index
      %get3A_657 = arith.constant 80 : index
      %get3A_658 = tpu.vector_load %arg15[%get3A_656, %get3A_657] {strides = array<i32>} : memref<64x128xf32, #tpu.memory_space<vmem>>, vector<16xf32>,
      %mul3A_659 = arith.mulf %get3A_655, %get3A_658 : vector<16xf32>
      %get3A_660 = arith.index_cast %scan3A_596 : i32 to index
      %get3A_661 = arith.constant 80 : index
      %get3A_662 = tpu.vector_load %arg16[%get3A_660, %get3A_661] {strides = array<i32>} : memref<64x128xf32, #tpu.memory_space<vmem>>, vector<16xf32>,
      %mul3A_663 = arith.mulf %mul3A_659, %get3A_662 : vector<16xf32>
      %get3A_664 = arith.index_cast %scan3A_596 : i32 to index
      %get3A_665 = arith.constant 96 : index
      %get3A_666 = tpu.vector_load %arg14[%get3A_664, %get3A_665] {strides = array<i32>} : memref<64x128xf32, #tpu.memory_space<vmem>>, vector<16xf32>,
      %get3A_667 = arith.index_cast %scan3A_596 : i32 to index
      %get3A_668 = arith.constant 96 : index
      %get3A_669 = tpu.vector_load %arg15[%get3A_667, %get3A_668] {strides = array<i32>} : memref<64x128xf32, #tpu.memory_space<vmem>>, vector<16xf32>,
      %mul3A_670 = arith.mulf %get3A_666, %get3A_669 : vector<16xf32>
      %get3A_671 = arith.index_cast %scan3A_596 : i32 to index
      %get3A_672 = arith.constant 96 : index
      %get3A_673 = tpu.vector_load %arg16[%get3A_671, %get3A_672] {strides = array<i32>} : memref<64x128xf32, #tpu.memory_space<vmem>>, vector<16xf32>,
      %mul3A_674 = arith.mulf %mul3A_670, %get3A_673 : vector<16xf32>
      %get3A_675 = arith.index_cast %scan3A_596 : i32 to index
      %get3A_676 = arith.constant 112 : index
      %get3A_677 = tpu.vector_load %arg14[%get3A_675, %get3A_676] {strides = array<i32>} : memref<64x128xf32, #tpu.memory_space<vmem>>, vector<16xf32>,
      %get3A_678 = arith.index_cast %scan3A_596 : i32 to index
      %get3A_679 = arith.constant 112 : index
      %get3A_680 = tpu.vector_load %arg15[%get3A_678, %get3A_679] {strides = array<i32>} : memref<64x128xf32, #tpu.memory_space<vmem>>, vector<16xf32>,
      %mul3A_681 = arith.mulf %get3A_677, %get3A_680 : vector<16xf32>
      %get3A_682 = arith.index_cast %scan3A_596 : i32 to index
      %get3A_683 = arith.constant 112 : index
      %get3A_684 = tpu.vector_load %arg16[%get3A_682, %get3A_683] {strides = array<i32>} : memref<64x128xf32, #tpu.memory_space<vmem>>, vector<16xf32>,
      %mul3A_685 = arith.mulf %mul3A_681, %get3A_684 : vector<16xf32>
      %add3A_686 = arith.addf %mul3A_608, %mul3A_619 : vector<16xf32>
      %add3A_687 = arith.addf %mul3A_630, %mul3A_641 : vector<16xf32>
      %add3A_688 = arith.addf %add3A_686, %add3A_687 : vector<16xf32>
      %add3A_689 = arith.addf %mul3A_652, %mul3A_663 : vector<16xf32>
      %add3A_690 = arith.addf %mul3A_674, %mul3A_685 : vector<16xf32>
      %add3A_691 = arith.addf %add3A_689, %add3A_690 : vector<16xf32>
      %add3A_692 = arith.addf %add3A_688, %add3A_691 : vector<16xf32>
      %add3A_693 = arith.constant 192 : i32
      %add3A_694 = arith.addi %add3A_693, %scan3A_596 : i32
      %broadcast_in_dim3A_695 = vector.broadcast %add3A_694 : i32 to vector<16xi32>
      %broadcast_in_dim3A_696 = arith.constant true
      %broadcast_in_dim3A_697 = vector.broadcast %broadcast_in_dim3A_696 : i1 to vector<16xi1>
      %masked_cumsum3A = tpu.scan <sum>, %add3A_692 masked %broadcast_in_dim3A_697 : vector<16xf32>, vector<16xi1> -> vector<16xf32>
      tpu.vector_store_idx %arg17[%broadcast_in_dim3A_695], %masked_cumsum3A masked %eq3A_78 {add = true} : memref<512xf32, #tpu.memory_space<vmem>>[vector<16xi32>], vector<16xf32>, vector<16xi1>
      %scan3A_698 = arith.constant 0 : i32
      scf.yield %scan3A_698 : i32
    }
    %scan3A_240 = arith.constant 64 : i32
    %dma_start3A_241 = arith.constant 320 : i32
    %dma_start3A_242 = tpu.memref_slice %arg8[%dma_start3A_241] : memref<512xi32, #tpu.memory_space<vmem>> -> memref<64xi32, #tpu.memory_space<vmem>>
    %dma_start3A_243 = arith.constant 0 : i32
    %dma_start3A_244 = arith.constant 0 : i32
    %dma_start3A_245 = tpu.memref_slice %arg5[%dma_start3A_243, %dma_start3A_244] : memref<100000x128xf32, #tpu.memory_space<hbm>> -> memref<100000x128xf32, #tpu.memory_space<hbm>>
    tpu.enqueue_indirect_dma source(%dma_start3A_245 : memref<100000x128xf32, #tpu.memory_space<hbm>>) target(%arg14 : memref<64x128xf32, #tpu.memory_space<vmem>>) offsets(%dma_start3A_242 : memref<64xi32, #tpu.memory_space<vmem>>) semaphore(%arg19 : memref<!tpu.dma_semaphore, #tpu.memory_space<semaphore_mem>>)
    %dma_start3A_246 = arith.constant 320 : i32
    %dma_start3A_247 = tpu.memref_slice %arg9[%dma_start3A_246] : memref<512xi32, #tpu.memory_space<vmem>> -> memref<64xi32, #tpu.memory_space<vmem>>
    %dma_start3A_248 = arith.constant 0 : i32
    %dma_start3A_249 = arith.constant 0 : i32
    %dma_start3A_250 = tpu.memref_slice %arg5[%dma_start3A_248, %dma_start3A_249] : memref<100000x128xf32, #tpu.memory_space<hbm>> -> memref<100000x128xf32, #tpu.memory_space<hbm>>
    tpu.enqueue_indirect_dma source(%dma_start3A_250 : memref<100000x128xf32, #tpu.memory_space<hbm>>) target(%arg15 : memref<64x128xf32, #tpu.memory_space<vmem>>) offsets(%dma_start3A_247 : memref<64xi32, #tpu.memory_space<vmem>>) semaphore(%arg19 : memref<!tpu.dma_semaphore, #tpu.memory_space<semaphore_mem>>)
    %dma_start3A_251 = arith.constant 320 : i32
    %dma_start3A_252 = tpu.memref_slice %arg10[%dma_start3A_251] : memref<512xi32, #tpu.memory_space<vmem>> -> memref<64xi32, #tpu.memory_space<vmem>>
    %dma_start3A_253 = arith.constant 0 : i32
    %dma_start3A_254 = arith.constant 0 : i32
    %dma_start3A_255 = tpu.memref_slice %arg6[%dma_start3A_253, %dma_start3A_254] : memref<100000x128xf32, #tpu.memory_space<hbm>> -> memref<100000x128xf32, #tpu.memory_space<hbm>>
    tpu.enqueue_indirect_dma source(%dma_start3A_255 : memref<100000x128xf32, #tpu.memory_space<hbm>>) target(%arg16 : memref<64x128xf32, #tpu.memory_space<vmem>>) offsets(%dma_start3A_252 : memref<64xi32, #tpu.memory_space<vmem>>) semaphore(%arg19 : memref<!tpu.dma_semaphore, #tpu.memory_space<semaphore_mem>>)
    %dma_wait3A_256 = arith.constant 256 : i32
    %dma_wait3A_257 = tpu.memref_slice %arg8[%dma_wait3A_256] : memref<512xi32, #tpu.memory_space<vmem>> -> memref<64xi32, #tpu.memory_space<vmem>>
    %dma_wait3A_258 = arith.constant 0 : i32
    %dma_wait3A_259 = arith.constant 0 : i32
    %dma_wait3A_260 = tpu.memref_slice %arg5[%dma_wait3A_258, %dma_wait3A_259] : memref<100000x128xf32, #tpu.memory_space<hbm>> -> memref<100000x128xf32, #tpu.memory_space<hbm>>
    tpu.wait_indirect_dma semaphore(%arg18 : memref<!tpu.dma_semaphore, #tpu.memory_space<semaphore_mem>>) src(%dma_wait3A_260 : memref<100000x128xf32, #tpu.memory_space<hbm>>) dst(%arg11 : memref<64x128xf32, #tpu.memory_space<vmem>>)
    %dma_wait3A_261 = arith.constant 256 : i32
    %dma_wait3A_262 = tpu.memref_slice %arg9[%dma_wait3A_261] : memref<512xi32, #tpu.memory_space<vmem>> -> memref<64xi32, #tpu.memory_space<vmem>>
    %dma_wait3A_263 = arith.constant 0 : i32
    %dma_wait3A_264 = arith.constant 0 : i32
    %dma_wait3A_265 = tpu.memref_slice %arg5[%dma_wait3A_263, %dma_wait3A_264] : memref<100000x128xf32, #tpu.memory_space<hbm>> -> memref<100000x128xf32, #tpu.memory_space<hbm>>
    tpu.wait_indirect_dma semaphore(%arg18 : memref<!tpu.dma_semaphore, #tpu.memory_space<semaphore_mem>>) src(%dma_wait3A_265 : memref<100000x128xf32, #tpu.memory_space<hbm>>) dst(%arg12 : memref<64x128xf32, #tpu.memory_space<vmem>>)
    %dma_wait3A_266 = arith.constant 256 : i32
    %dma_wait3A_267 = tpu.memref_slice %arg10[%dma_wait3A_266] : memref<512xi32, #tpu.memory_space<vmem>> -> memref<64xi32, #tpu.memory_space<vmem>>
    %dma_wait3A_268 = arith.constant 0 : i32
    %dma_wait3A_269 = arith.constant 0 : i32
    %dma_wait3A_270 = tpu.memref_slice %arg6[%dma_wait3A_268, %dma_wait3A_269] : memref<100000x128xf32, #tpu.memory_space<hbm>> -> memref<100000x128xf32, #tpu.memory_space<hbm>>
    tpu.wait_indirect_dma semaphore(%arg18 : memref<!tpu.dma_semaphore, #tpu.memory_space<semaphore_mem>>) src(%dma_wait3A_270 : memref<100000x128xf32, #tpu.memory_space<hbm>>) dst(%arg13 : memref<64x128xf32, #tpu.memory_space<vmem>>)
    %scan3A_271 = arith.constant 0 : i32
    %scan3A_272 = arith.constant 0 : i32
    %scan3A_273 = arith.constant 64 : i32
    %scan3A_274 = arith.addi %scan3A_272, %scan3A_273 : i32
    %scan3A_275 = arith.constant 1 : i32
    %scan3A_276 = scf.for %scan3A_596 = %scan3A_272 to %scan3A_274 step %scan3A_275 iter_args(%scan3A_597 = %scan3A_271) -> (i32)  : i32 {
      %get3A_598 = arith.index_cast %scan3A_596 : i32 to index
      %get3A_599 = arith.constant 0 : index
      %get3A_600 = tpu.vector_load %arg11[%get3A_598, %get3A_599] {strides = array<i32>} : memref<64x128xf32, #tpu.memory_space<vmem>>, vector<16xf32>,
      %get3A_601 = arith.index_cast %scan3A_596 : i32 to index
      %get3A_602 = arith.constant 0 : index
      %get3A_603 = tpu.vector_load %arg12[%get3A_601, %get3A_602] {strides = array<i32>} : memref<64x128xf32, #tpu.memory_space<vmem>>, vector<16xf32>,
      %mul3A_604 = arith.mulf %get3A_600, %get3A_603 : vector<16xf32>
      %get3A_605 = arith.index_cast %scan3A_596 : i32 to index
      %get3A_606 = arith.constant 0 : index
      %get3A_607 = tpu.vector_load %arg13[%get3A_605, %get3A_606] {strides = array<i32>} : memref<64x128xf32, #tpu.memory_space<vmem>>, vector<16xf32>,
      %mul3A_608 = arith.mulf %mul3A_604, %get3A_607 : vector<16xf32>
      %get3A_609 = arith.index_cast %scan3A_596 : i32 to index
      %get3A_610 = arith.constant 16 : index
      %get3A_611 = tpu.vector_load %arg11[%get3A_609, %get3A_610] {strides = array<i32>} : memref<64x128xf32, #tpu.memory_space<vmem>>, vector<16xf32>,
      %get3A_612 = arith.index_cast %scan3A_596 : i32 to index
      %get3A_613 = arith.constant 16 : index
      %get3A_614 = tpu.vector_load %arg12[%get3A_612, %get3A_613] {strides = array<i32>} : memref<64x128xf32, #tpu.memory_space<vmem>>, vector<16xf32>,
      %mul3A_615 = arith.mulf %get3A_611, %get3A_614 : vector<16xf32>
      %get3A_616 = arith.index_cast %scan3A_596 : i32 to index
      %get3A_617 = arith.constant 16 : index
      %get3A_618 = tpu.vector_load %arg13[%get3A_616, %get3A_617] {strides = array<i32>} : memref<64x128xf32, #tpu.memory_space<vmem>>, vector<16xf32>,
      %mul3A_619 = arith.mulf %mul3A_615, %get3A_618 : vector<16xf32>
      %get3A_620 = arith.index_cast %scan3A_596 : i32 to index
      %get3A_621 = arith.constant 32 : index
      %get3A_622 = tpu.vector_load %arg11[%get3A_620, %get3A_621] {strides = array<i32>} : memref<64x128xf32, #tpu.memory_space<vmem>>, vector<16xf32>,
      %get3A_623 = arith.index_cast %scan3A_596 : i32 to index
      %get3A_624 = arith.constant 32 : index
      %get3A_625 = tpu.vector_load %arg12[%get3A_623, %get3A_624] {strides = array<i32>} : memref<64x128xf32, #tpu.memory_space<vmem>>, vector<16xf32>,
      %mul3A_626 = arith.mulf %get3A_622, %get3A_625 : vector<16xf32>
      %get3A_627 = arith.index_cast %scan3A_596 : i32 to index
      %get3A_628 = arith.constant 32 : index
      %get3A_629 = tpu.vector_load %arg13[%get3A_627, %get3A_628] {strides = array<i32>} : memref<64x128xf32, #tpu.memory_space<vmem>>, vector<16xf32>,
      %mul3A_630 = arith.mulf %mul3A_626, %get3A_629 : vector<16xf32>
      %get3A_631 = arith.index_cast %scan3A_596 : i32 to index
      %get3A_632 = arith.constant 48 : index
      %get3A_633 = tpu.vector_load %arg11[%get3A_631, %get3A_632] {strides = array<i32>} : memref<64x128xf32, #tpu.memory_space<vmem>>, vector<16xf32>,
      %get3A_634 = arith.index_cast %scan3A_596 : i32 to index
      %get3A_635 = arith.constant 48 : index
      %get3A_636 = tpu.vector_load %arg12[%get3A_634, %get3A_635] {strides = array<i32>} : memref<64x128xf32, #tpu.memory_space<vmem>>, vector<16xf32>,
      %mul3A_637 = arith.mulf %get3A_633, %get3A_636 : vector<16xf32>
      %get3A_638 = arith.index_cast %scan3A_596 : i32 to index
      %get3A_639 = arith.constant 48 : index
      %get3A_640 = tpu.vector_load %arg13[%get3A_638, %get3A_639] {strides = array<i32>} : memref<64x128xf32, #tpu.memory_space<vmem>>, vector<16xf32>,
      %mul3A_641 = arith.mulf %mul3A_637, %get3A_640 : vector<16xf32>
      %get3A_642 = arith.index_cast %scan3A_596 : i32 to index
      %get3A_643 = arith.constant 64 : index
      %get3A_644 = tpu.vector_load %arg11[%get3A_642, %get3A_643] {strides = array<i32>} : memref<64x128xf32, #tpu.memory_space<vmem>>, vector<16xf32>,
      %get3A_645 = arith.index_cast %scan3A_596 : i32 to index
      %get3A_646 = arith.constant 64 : index
      %get3A_647 = tpu.vector_load %arg12[%get3A_645, %get3A_646] {strides = array<i32>} : memref<64x128xf32, #tpu.memory_space<vmem>>, vector<16xf32>,
      %mul3A_648 = arith.mulf %get3A_644, %get3A_647 : vector<16xf32>
      %get3A_649 = arith.index_cast %scan3A_596 : i32 to index
      %get3A_650 = arith.constant 64 : index
      %get3A_651 = tpu.vector_load %arg13[%get3A_649, %get3A_650] {strides = array<i32>} : memref<64x128xf32, #tpu.memory_space<vmem>>, vector<16xf32>,
      %mul3A_652 = arith.mulf %mul3A_648, %get3A_651 : vector<16xf32>
      %get3A_653 = arith.index_cast %scan3A_596 : i32 to index
      %get3A_654 = arith.constant 80 : index
      %get3A_655 = tpu.vector_load %arg11[%get3A_653, %get3A_654] {strides = array<i32>} : memref<64x128xf32, #tpu.memory_space<vmem>>, vector<16xf32>,
      %get3A_656 = arith.index_cast %scan3A_596 : i32 to index
      %get3A_657 = arith.constant 80 : index
      %get3A_658 = tpu.vector_load %arg12[%get3A_656, %get3A_657] {strides = array<i32>} : memref<64x128xf32, #tpu.memory_space<vmem>>, vector<16xf32>,
      %mul3A_659 = arith.mulf %get3A_655, %get3A_658 : vector<16xf32>
      %get3A_660 = arith.index_cast %scan3A_596 : i32 to index
      %get3A_661 = arith.constant 80 : index
      %get3A_662 = tpu.vector_load %arg13[%get3A_660, %get3A_661] {strides = array<i32>} : memref<64x128xf32, #tpu.memory_space<vmem>>, vector<16xf32>,
      %mul3A_663 = arith.mulf %mul3A_659, %get3A_662 : vector<16xf32>
      %get3A_664 = arith.index_cast %scan3A_596 : i32 to index
      %get3A_665 = arith.constant 96 : index
      %get3A_666 = tpu.vector_load %arg11[%get3A_664, %get3A_665] {strides = array<i32>} : memref<64x128xf32, #tpu.memory_space<vmem>>, vector<16xf32>,
      %get3A_667 = arith.index_cast %scan3A_596 : i32 to index
      %get3A_668 = arith.constant 96 : index
      %get3A_669 = tpu.vector_load %arg12[%get3A_667, %get3A_668] {strides = array<i32>} : memref<64x128xf32, #tpu.memory_space<vmem>>, vector<16xf32>,
      %mul3A_670 = arith.mulf %get3A_666, %get3A_669 : vector<16xf32>
      %get3A_671 = arith.index_cast %scan3A_596 : i32 to index
      %get3A_672 = arith.constant 96 : index
      %get3A_673 = tpu.vector_load %arg13[%get3A_671, %get3A_672] {strides = array<i32>} : memref<64x128xf32, #tpu.memory_space<vmem>>, vector<16xf32>,
      %mul3A_674 = arith.mulf %mul3A_670, %get3A_673 : vector<16xf32>
      %get3A_675 = arith.index_cast %scan3A_596 : i32 to index
      %get3A_676 = arith.constant 112 : index
      %get3A_677 = tpu.vector_load %arg11[%get3A_675, %get3A_676] {strides = array<i32>} : memref<64x128xf32, #tpu.memory_space<vmem>>, vector<16xf32>,
      %get3A_678 = arith.index_cast %scan3A_596 : i32 to index
      %get3A_679 = arith.constant 112 : index
      %get3A_680 = tpu.vector_load %arg12[%get3A_678, %get3A_679] {strides = array<i32>} : memref<64x128xf32, #tpu.memory_space<vmem>>, vector<16xf32>,
      %mul3A_681 = arith.mulf %get3A_677, %get3A_680 : vector<16xf32>
      %get3A_682 = arith.index_cast %scan3A_596 : i32 to index
      %get3A_683 = arith.constant 112 : index
      %get3A_684 = tpu.vector_load %arg13[%get3A_682, %get3A_683] {strides = array<i32>} : memref<64x128xf32, #tpu.memory_space<vmem>>, vector<16xf32>,
      %mul3A_685 = arith.mulf %mul3A_681, %get3A_684 : vector<16xf32>
      %add3A_686 = arith.addf %mul3A_608, %mul3A_619 : vector<16xf32>
      %add3A_687 = arith.addf %mul3A_630, %mul3A_641 : vector<16xf32>
      %add3A_688 = arith.addf %add3A_686, %add3A_687 : vector<16xf32>
      %add3A_689 = arith.addf %mul3A_652, %mul3A_663 : vector<16xf32>
      %add3A_690 = arith.addf %mul3A_674, %mul3A_685 : vector<16xf32>
      %add3A_691 = arith.addf %add3A_689, %add3A_690 : vector<16xf32>
      %add3A_692 = arith.addf %add3A_688, %add3A_691 : vector<16xf32>
      %add3A_693 = arith.constant 256 : i32
      %add3A_694 = arith.addi %add3A_693, %scan3A_596 : i32
      %broadcast_in_dim3A_695 = vector.broadcast %add3A_694 : i32 to vector<16xi32>
      %broadcast_in_dim3A_696 = arith.constant true
      %broadcast_in_dim3A_697 = vector.broadcast %broadcast_in_dim3A_696 : i1 to vector<16xi1>
      %masked_cumsum3A = tpu.scan <sum>, %add3A_692 masked %broadcast_in_dim3A_697 : vector<16xf32>, vector<16xi1> -> vector<16xf32>
      tpu.vector_store_idx %arg17[%broadcast_in_dim3A_695], %masked_cumsum3A masked %eq3A_78 {add = true} : memref<512xf32, #tpu.memory_space<vmem>>[vector<16xi32>], vector<16xf32>, vector<16xi1>
      %scan3A_698 = arith.constant 0 : i32
      scf.yield %scan3A_698 : i32
    }
    %scan3A_277 = arith.constant 64 : i32
    %dma_start3A_278 = arith.constant 384 : i32
    %dma_start3A_279 = tpu.memref_slice %arg8[%dma_start3A_278] : memref<512xi32, #tpu.memory_space<vmem>> -> memref<64xi32, #tpu.memory_space<vmem>>
    %dma_start3A_280 = arith.constant 0 : i32
    %dma_start3A_281 = arith.constant 0 : i32
    %dma_start3A_282 = tpu.memref_slice %arg5[%dma_start3A_280, %dma_start3A_281] : memref<100000x128xf32, #tpu.memory_space<hbm>> -> memref<100000x128xf32, #tpu.memory_space<hbm>>
    tpu.enqueue_indirect_dma source(%dma_start3A_282 : memref<100000x128xf32, #tpu.memory_space<hbm>>) target(%arg11 : memref<64x128xf32, #tpu.memory_space<vmem>>) offsets(%dma_start3A_279 : memref<64xi32, #tpu.memory_space<vmem>>) semaphore(%arg18 : memref<!tpu.dma_semaphore, #tpu.memory_space<semaphore_mem>>)
    %dma_start3A_283 = arith.constant 384 : i32
    %dma_start3A_284 = tpu.memref_slice %arg9[%dma_start3A_283] : memref<512xi32, #tpu.memory_space<vmem>> -> memref<64xi32, #tpu.memory_space<vmem>>
    %dma_start3A_285 = arith.constant 0 : i32
    %dma_start3A_286 = arith.constant 0 : i32
    %dma_start3A_287 = tpu.memref_slice %arg5[%dma_start3A_285, %dma_start3A_286] : memref<100000x128xf32, #tpu.memory_space<hbm>> -> memref<100000x128xf32, #tpu.memory_space<hbm>>
    tpu.enqueue_indirect_dma source(%dma_start3A_287 : memref<100000x128xf32, #tpu.memory_space<hbm>>) target(%arg12 : memref<64x128xf32, #tpu.memory_space<vmem>>) offsets(%dma_start3A_284 : memref<64xi32, #tpu.memory_space<vmem>>) semaphore(%arg18 : memref<!tpu.dma_semaphore, #tpu.memory_space<semaphore_mem>>)
    %dma_start3A_288 = arith.constant 384 : i32
    %dma_start3A_289 = tpu.memref_slice %arg10[%dma_start3A_288] : memref<512xi32, #tpu.memory_space<vmem>> -> memref<64xi32, #tpu.memory_space<vmem>>
    %dma_start3A_290 = arith.constant 0 : i32
    %dma_start3A_291 = arith.constant 0 : i32
    %dma_start3A_292 = tpu.memref_slice %arg6[%dma_start3A_290, %dma_start3A_291] : memref<100000x128xf32, #tpu.memory_space<hbm>> -> memref<100000x128xf32, #tpu.memory_space<hbm>>
    tpu.enqueue_indirect_dma source(%dma_start3A_292 : memref<100000x128xf32, #tpu.memory_space<hbm>>) target(%arg13 : memref<64x128xf32, #tpu.memory_space<vmem>>) offsets(%dma_start3A_289 : memref<64xi32, #tpu.memory_space<vmem>>) semaphore(%arg18 : memref<!tpu.dma_semaphore, #tpu.memory_space<semaphore_mem>>)
    %dma_wait3A_293 = arith.constant 320 : i32
    %dma_wait3A_294 = tpu.memref_slice %arg8[%dma_wait3A_293] : memref<512xi32, #tpu.memory_space<vmem>> -> memref<64xi32, #tpu.memory_space<vmem>>
    %dma_wait3A_295 = arith.constant 0 : i32
    %dma_wait3A_296 = arith.constant 0 : i32
    %dma_wait3A_297 = tpu.memref_slice %arg5[%dma_wait3A_295, %dma_wait3A_296] : memref<100000x128xf32, #tpu.memory_space<hbm>> -> memref<100000x128xf32, #tpu.memory_space<hbm>>
    tpu.wait_indirect_dma semaphore(%arg19 : memref<!tpu.dma_semaphore, #tpu.memory_space<semaphore_mem>>) src(%dma_wait3A_297 : memref<100000x128xf32, #tpu.memory_space<hbm>>) dst(%arg14 : memref<64x128xf32, #tpu.memory_space<vmem>>)
    %dma_wait3A_298 = arith.constant 320 : i32
    %dma_wait3A_299 = tpu.memref_slice %arg9[%dma_wait3A_298] : memref<512xi32, #tpu.memory_space<vmem>> -> memref<64xi32, #tpu.memory_space<vmem>>
    %dma_wait3A_300 = arith.constant 0 : i32
    %dma_wait3A_301 = arith.constant 0 : i32
    %dma_wait3A_302 = tpu.memref_slice %arg5[%dma_wait3A_300, %dma_wait3A_301] : memref<100000x128xf32, #tpu.memory_space<hbm>> -> memref<100000x128xf32, #tpu.memory_space<hbm>>
    tpu.wait_indirect_dma semaphore(%arg19 : memref<!tpu.dma_semaphore, #tpu.memory_space<semaphore_mem>>) src(%dma_wait3A_302 : memref<100000x128xf32, #tpu.memory_space<hbm>>) dst(%arg15 : memref<64x128xf32, #tpu.memory_space<vmem>>)
    %dma_wait3A_303 = arith.constant 320 : i32
    %dma_wait3A_304 = tpu.memref_slice %arg10[%dma_wait3A_303] : memref<512xi32, #tpu.memory_space<vmem>> -> memref<64xi32, #tpu.memory_space<vmem>>
    %dma_wait3A_305 = arith.constant 0 : i32
    %dma_wait3A_306 = arith.constant 0 : i32
    %dma_wait3A_307 = tpu.memref_slice %arg6[%dma_wait3A_305, %dma_wait3A_306] : memref<100000x128xf32, #tpu.memory_space<hbm>> -> memref<100000x128xf32, #tpu.memory_space<hbm>>
    tpu.wait_indirect_dma semaphore(%arg19 : memref<!tpu.dma_semaphore, #tpu.memory_space<semaphore_mem>>) src(%dma_wait3A_307 : memref<100000x128xf32, #tpu.memory_space<hbm>>) dst(%arg16 : memref<64x128xf32, #tpu.memory_space<vmem>>)
    %scan3A_308 = arith.constant 0 : i32
    %scan3A_309 = arith.constant 0 : i32
    %scan3A_310 = arith.constant 64 : i32
    %scan3A_311 = arith.addi %scan3A_309, %scan3A_310 : i32
    %scan3A_312 = arith.constant 1 : i32
    %scan3A_313 = scf.for %scan3A_596 = %scan3A_309 to %scan3A_311 step %scan3A_312 iter_args(%scan3A_597 = %scan3A_308) -> (i32)  : i32 {
      %get3A_598 = arith.index_cast %scan3A_596 : i32 to index
      %get3A_599 = arith.constant 0 : index
      %get3A_600 = tpu.vector_load %arg14[%get3A_598, %get3A_599] {strides = array<i32>} : memref<64x128xf32, #tpu.memory_space<vmem>>, vector<16xf32>,
      %get3A_601 = arith.index_cast %scan3A_596 : i32 to index
      %get3A_602 = arith.constant 0 : index
      %get3A_603 = tpu.vector_load %arg15[%get3A_601, %get3A_602] {strides = array<i32>} : memref<64x128xf32, #tpu.memory_space<vmem>>, vector<16xf32>,
      %mul3A_604 = arith.mulf %get3A_600, %get3A_603 : vector<16xf32>
      %get3A_605 = arith.index_cast %scan3A_596 : i32 to index
      %get3A_606 = arith.constant 0 : index
      %get3A_607 = tpu.vector_load %arg16[%get3A_605, %get3A_606] {strides = array<i32>} : memref<64x128xf32, #tpu.memory_space<vmem>>, vector<16xf32>,
      %mul3A_608 = arith.mulf %mul3A_604, %get3A_607 : vector<16xf32>
      %get3A_609 = arith.index_cast %scan3A_596 : i32 to index
      %get3A_610 = arith.constant 16 : index
      %get3A_611 = tpu.vector_load %arg14[%get3A_609, %get3A_610] {strides = array<i32>} : memref<64x128xf32, #tpu.memory_space<vmem>>, vector<16xf32>,
      %get3A_612 = arith.index_cast %scan3A_596 : i32 to index
      %get3A_613 = arith.constant 16 : index
      %get3A_614 = tpu.vector_load %arg15[%get3A_612, %get3A_613] {strides = array<i32>} : memref<64x128xf32, #tpu.memory_space<vmem>>, vector<16xf32>,
      %mul3A_615 = arith.mulf %get3A_611, %get3A_614 : vector<16xf32>
      %get3A_616 = arith.index_cast %scan3A_596 : i32 to index
      %get3A_617 = arith.constant 16 : index
      %get3A_618 = tpu.vector_load %arg16[%get3A_616, %get3A_617] {strides = array<i32>} : memref<64x128xf32, #tpu.memory_space<vmem>>, vector<16xf32>,
      %mul3A_619 = arith.mulf %mul3A_615, %get3A_618 : vector<16xf32>
      %get3A_620 = arith.index_cast %scan3A_596 : i32 to index
      %get3A_621 = arith.constant 32 : index
      %get3A_622 = tpu.vector_load %arg14[%get3A_620, %get3A_621] {strides = array<i32>} : memref<64x128xf32, #tpu.memory_space<vmem>>, vector<16xf32>,
      %get3A_623 = arith.index_cast %scan3A_596 : i32 to index
      %get3A_624 = arith.constant 32 : index
      %get3A_625 = tpu.vector_load %arg15[%get3A_623, %get3A_624] {strides = array<i32>} : memref<64x128xf32, #tpu.memory_space<vmem>>, vector<16xf32>,
      %mul3A_626 = arith.mulf %get3A_622, %get3A_625 : vector<16xf32>
      %get3A_627 = arith.index_cast %scan3A_596 : i32 to index
      %get3A_628 = arith.constant 32 : index
      %get3A_629 = tpu.vector_load %arg16[%get3A_627, %get3A_628] {strides = array<i32>} : memref<64x128xf32, #tpu.memory_space<vmem>>, vector<16xf32>,
      %mul3A_630 = arith.mulf %mul3A_626, %get3A_629 : vector<16xf32>
      %get3A_631 = arith.index_cast %scan3A_596 : i32 to index
      %get3A_632 = arith.constant 48 : index
      %get3A_633 = tpu.vector_load %arg14[%get3A_631, %get3A_632] {strides = array<i32>} : memref<64x128xf32, #tpu.memory_space<vmem>>, vector<16xf32>,
      %get3A_634 = arith.index_cast %scan3A_596 : i32 to index
      %get3A_635 = arith.constant 48 : index
      %get3A_636 = tpu.vector_load %arg15[%get3A_634, %get3A_635] {strides = array<i32>} : memref<64x128xf32, #tpu.memory_space<vmem>>, vector<16xf32>,
      %mul3A_637 = arith.mulf %get3A_633, %get3A_636 : vector<16xf32>
      %get3A_638 = arith.index_cast %scan3A_596 : i32 to index
      %get3A_639 = arith.constant 48 : index
      %get3A_640 = tpu.vector_load %arg16[%get3A_638, %get3A_639] {strides = array<i32>} : memref<64x128xf32, #tpu.memory_space<vmem>>, vector<16xf32>,
      %mul3A_641 = arith.mulf %mul3A_637, %get3A_640 : vector<16xf32>
      %get3A_642 = arith.index_cast %scan3A_596 : i32 to index
      %get3A_643 = arith.constant 64 : index
      %get3A_644 = tpu.vector_load %arg14[%get3A_642, %get3A_643] {strides = array<i32>} : memref<64x128xf32, #tpu.memory_space<vmem>>, vector<16xf32>,
      %get3A_645 = arith.index_cast %scan3A_596 : i32 to index
      %get3A_646 = arith.constant 64 : index
      %get3A_647 = tpu.vector_load %arg15[%get3A_645, %get3A_646] {strides = array<i32>} : memref<64x128xf32, #tpu.memory_space<vmem>>, vector<16xf32>,
      %mul3A_648 = arith.mulf %get3A_644, %get3A_647 : vector<16xf32>
      %get3A_649 = arith.index_cast %scan3A_596 : i32 to index
      %get3A_650 = arith.constant 64 : index
      %get3A_651 = tpu.vector_load %arg16[%get3A_649, %get3A_650] {strides = array<i32>} : memref<64x128xf32, #tpu.memory_space<vmem>>, vector<16xf32>,
      %mul3A_652 = arith.mulf %mul3A_648, %get3A_651 : vector<16xf32>
      %get3A_653 = arith.index_cast %scan3A_596 : i32 to index
      %get3A_654 = arith.constant 80 : index
      %get3A_655 = tpu.vector_load %arg14[%get3A_653, %get3A_654] {strides = array<i32>} : memref<64x128xf32, #tpu.memory_space<vmem>>, vector<16xf32>,
      %get3A_656 = arith.index_cast %scan3A_596 : i32 to index
      %get3A_657 = arith.constant 80 : index
      %get3A_658 = tpu.vector_load %arg15[%get3A_656, %get3A_657] {strides = array<i32>} : memref<64x128xf32, #tpu.memory_space<vmem>>, vector<16xf32>,
      %mul3A_659 = arith.mulf %get3A_655, %get3A_658 : vector<16xf32>
      %get3A_660 = arith.index_cast %scan3A_596 : i32 to index
      %get3A_661 = arith.constant 80 : index
      %get3A_662 = tpu.vector_load %arg16[%get3A_660, %get3A_661] {strides = array<i32>} : memref<64x128xf32, #tpu.memory_space<vmem>>, vector<16xf32>,
      %mul3A_663 = arith.mulf %mul3A_659, %get3A_662 : vector<16xf32>
      %get3A_664 = arith.index_cast %scan3A_596 : i32 to index
      %get3A_665 = arith.constant 96 : index
      %get3A_666 = tpu.vector_load %arg14[%get3A_664, %get3A_665] {strides = array<i32>} : memref<64x128xf32, #tpu.memory_space<vmem>>, vector<16xf32>,
      %get3A_667 = arith.index_cast %scan3A_596 : i32 to index
      %get3A_668 = arith.constant 96 : index
      %get3A_669 = tpu.vector_load %arg15[%get3A_667, %get3A_668] {strides = array<i32>} : memref<64x128xf32, #tpu.memory_space<vmem>>, vector<16xf32>,
      %mul3A_670 = arith.mulf %get3A_666, %get3A_669 : vector<16xf32>
      %get3A_671 = arith.index_cast %scan3A_596 : i32 to index
      %get3A_672 = arith.constant 96 : index
      %get3A_673 = tpu.vector_load %arg16[%get3A_671, %get3A_672] {strides = array<i32>} : memref<64x128xf32, #tpu.memory_space<vmem>>, vector<16xf32>,
      %mul3A_674 = arith.mulf %mul3A_670, %get3A_673 : vector<16xf32>
      %get3A_675 = arith.index_cast %scan3A_596 : i32 to index
      %get3A_676 = arith.constant 112 : index
      %get3A_677 = tpu.vector_load %arg14[%get3A_675, %get3A_676] {strides = array<i32>} : memref<64x128xf32, #tpu.memory_space<vmem>>, vector<16xf32>,
      %get3A_678 = arith.index_cast %scan3A_596 : i32 to index
      %get3A_679 = arith.constant 112 : index
      %get3A_680 = tpu.vector_load %arg15[%get3A_678, %get3A_679] {strides = array<i32>} : memref<64x128xf32, #tpu.memory_space<vmem>>, vector<16xf32>,
      %mul3A_681 = arith.mulf %get3A_677, %get3A_680 : vector<16xf32>
      %get3A_682 = arith.index_cast %scan3A_596 : i32 to index
      %get3A_683 = arith.constant 112 : index
      %get3A_684 = tpu.vector_load %arg16[%get3A_682, %get3A_683] {strides = array<i32>} : memref<64x128xf32, #tpu.memory_space<vmem>>, vector<16xf32>,
      %mul3A_685 = arith.mulf %mul3A_681, %get3A_684 : vector<16xf32>
      %add3A_686 = arith.addf %mul3A_608, %mul3A_619 : vector<16xf32>
      %add3A_687 = arith.addf %mul3A_630, %mul3A_641 : vector<16xf32>
      %add3A_688 = arith.addf %add3A_686, %add3A_687 : vector<16xf32>
      %add3A_689 = arith.addf %mul3A_652, %mul3A_663 : vector<16xf32>
      %add3A_690 = arith.addf %mul3A_674, %mul3A_685 : vector<16xf32>
      %add3A_691 = arith.addf %add3A_689, %add3A_690 : vector<16xf32>
      %add3A_692 = arith.addf %add3A_688, %add3A_691 : vector<16xf32>
      %add3A_693 = arith.constant 320 : i32
      %add3A_694 = arith.addi %add3A_693, %scan3A_596 : i32
      %broadcast_in_dim3A_695 = vector.broadcast %add3A_694 : i32 to vector<16xi32>
      %broadcast_in_dim3A_696 = arith.constant true
      %broadcast_in_dim3A_697 = vector.broadcast %broadcast_in_dim3A_696 : i1 to vector<16xi1>
      %masked_cumsum3A = tpu.scan <sum>, %add3A_692 masked %broadcast_in_dim3A_697 : vector<16xf32>, vector<16xi1> -> vector<16xf32>
      tpu.vector_store_idx %arg17[%broadcast_in_dim3A_695], %masked_cumsum3A masked %eq3A_78 {add = true} : memref<512xf32, #tpu.memory_space<vmem>>[vector<16xi32>], vector<16xf32>, vector<16xi1>
      %scan3A_698 = arith.constant 0 : i32
      scf.yield %scan3A_698 : i32
    }
    %scan3A_314 = arith.constant 64 : i32
    %dma_start3A_315 = arith.constant 448 : i32
    %dma_start3A_316 = tpu.memref_slice %arg8[%dma_start3A_315] : memref<512xi32, #tpu.memory_space<vmem>> -> memref<64xi32, #tpu.memory_space<vmem>>
    %dma_start3A_317 = arith.constant 0 : i32
    %dma_start3A_318 = arith.constant 0 : i32
    %dma_start3A_319 = tpu.memref_slice %arg5[%dma_start3A_317, %dma_start3A_318] : memref<100000x128xf32, #tpu.memory_space<hbm>> -> memref<100000x128xf32, #tpu.memory_space<hbm>>
    tpu.enqueue_indirect_dma source(%dma_start3A_319 : memref<100000x128xf32, #tpu.memory_space<hbm>>) target(%arg14 : memref<64x128xf32, #tpu.memory_space<vmem>>) offsets(%dma_start3A_316 : memref<64xi32, #tpu.memory_space<vmem>>) semaphore(%arg19 : memref<!tpu.dma_semaphore, #tpu.memory_space<semaphore_mem>>)
    %dma_start3A_320 = arith.constant 448 : i32
    %dma_start3A_321 = tpu.memref_slice %arg9[%dma_start3A_320] : memref<512xi32, #tpu.memory_space<vmem>> -> memref<64xi32, #tpu.memory_space<vmem>>
    %dma_start3A_322 = arith.constant 0 : i32
    %dma_start3A_323 = arith.constant 0 : i32
    %dma_start3A_324 = tpu.memref_slice %arg5[%dma_start3A_322, %dma_start3A_323] : memref<100000x128xf32, #tpu.memory_space<hbm>> -> memref<100000x128xf32, #tpu.memory_space<hbm>>
    tpu.enqueue_indirect_dma source(%dma_start3A_324 : memref<100000x128xf32, #tpu.memory_space<hbm>>) target(%arg15 : memref<64x128xf32, #tpu.memory_space<vmem>>) offsets(%dma_start3A_321 : memref<64xi32, #tpu.memory_space<vmem>>) semaphore(%arg19 : memref<!tpu.dma_semaphore, #tpu.memory_space<semaphore_mem>>)
    %dma_start3A_325 = arith.constant 448 : i32
    %dma_start3A_326 = tpu.memref_slice %arg10[%dma_start3A_325] : memref<512xi32, #tpu.memory_space<vmem>> -> memref<64xi32, #tpu.memory_space<vmem>>
    %dma_start3A_327 = arith.constant 0 : i32
    %dma_start3A_328 = arith.constant 0 : i32
    %dma_start3A_329 = tpu.memref_slice %arg6[%dma_start3A_327, %dma_start3A_328] : memref<100000x128xf32, #tpu.memory_space<hbm>> -> memref<100000x128xf32, #tpu.memory_space<hbm>>
    tpu.enqueue_indirect_dma source(%dma_start3A_329 : memref<100000x128xf32, #tpu.memory_space<hbm>>) target(%arg16 : memref<64x128xf32, #tpu.memory_space<vmem>>) offsets(%dma_start3A_326 : memref<64xi32, #tpu.memory_space<vmem>>) semaphore(%arg19 : memref<!tpu.dma_semaphore, #tpu.memory_space<semaphore_mem>>)
    %dma_wait3A_330 = arith.constant 384 : i32
    %dma_wait3A_331 = tpu.memref_slice %arg8[%dma_wait3A_330] : memref<512xi32, #tpu.memory_space<vmem>> -> memref<64xi32, #tpu.memory_space<vmem>>
    %dma_wait3A_332 = arith.constant 0 : i32
    %dma_wait3A_333 = arith.constant 0 : i32
    %dma_wait3A_334 = tpu.memref_slice %arg5[%dma_wait3A_332, %dma_wait3A_333] : memref<100000x128xf32, #tpu.memory_space<hbm>> -> memref<100000x128xf32, #tpu.memory_space<hbm>>
    tpu.wait_indirect_dma semaphore(%arg18 : memref<!tpu.dma_semaphore, #tpu.memory_space<semaphore_mem>>) src(%dma_wait3A_334 : memref<100000x128xf32, #tpu.memory_space<hbm>>) dst(%arg11 : memref<64x128xf32, #tpu.memory_space<vmem>>)
    %dma_wait3A_335 = arith.constant 384 : i32
    %dma_wait3A_336 = tpu.memref_slice %arg9[%dma_wait3A_335] : memref<512xi32, #tpu.memory_space<vmem>> -> memref<64xi32, #tpu.memory_space<vmem>>
    %dma_wait3A_337 = arith.constant 0 : i32
    %dma_wait3A_338 = arith.constant 0 : i32
    %dma_wait3A_339 = tpu.memref_slice %arg5[%dma_wait3A_337, %dma_wait3A_338] : memref<100000x128xf32, #tpu.memory_space<hbm>> -> memref<100000x128xf32, #tpu.memory_space<hbm>>
    tpu.wait_indirect_dma semaphore(%arg18 : memref<!tpu.dma_semaphore, #tpu.memory_space<semaphore_mem>>) src(%dma_wait3A_339 : memref<100000x128xf32, #tpu.memory_space<hbm>>) dst(%arg12 : memref<64x128xf32, #tpu.memory_space<vmem>>)
    %dma_wait3A_340 = arith.constant 384 : i32
    %dma_wait3A_341 = tpu.memref_slice %arg10[%dma_wait3A_340] : memref<512xi32, #tpu.memory_space<vmem>> -> memref<64xi32, #tpu.memory_space<vmem>>
    %dma_wait3A_342 = arith.constant 0 : i32
    %dma_wait3A_343 = arith.constant 0 : i32
    %dma_wait3A_344 = tpu.memref_slice %arg6[%dma_wait3A_342, %dma_wait3A_343] : memref<100000x128xf32, #tpu.memory_space<hbm>> -> memref<100000x128xf32, #tpu.memory_space<hbm>>
    tpu.wait_indirect_dma semaphore(%arg18 : memref<!tpu.dma_semaphore, #tpu.memory_space<semaphore_mem>>) src(%dma_wait3A_344 : memref<100000x128xf32, #tpu.memory_space<hbm>>) dst(%arg13 : memref<64x128xf32, #tpu.memory_space<vmem>>)
    %scan3A_345 = arith.constant 0 : i32
    %scan3A_346 = arith.constant 0 : i32
    %scan3A_347 = arith.constant 64 : i32
    %scan3A_348 = arith.addi %scan3A_346, %scan3A_347 : i32
    %scan3A_349 = arith.constant 1 : i32
    %scan3A_350 = scf.for %scan3A_596 = %scan3A_346 to %scan3A_348 step %scan3A_349 iter_args(%scan3A_597 = %scan3A_345) -> (i32)  : i32 {
      %get3A_598 = arith.index_cast %scan3A_596 : i32 to index
      %get3A_599 = arith.constant 0 : index
      %get3A_600 = tpu.vector_load %arg11[%get3A_598, %get3A_599] {strides = array<i32>} : memref<64x128xf32, #tpu.memory_space<vmem>>, vector<16xf32>,
      %get3A_601 = arith.index_cast %scan3A_596 : i32 to index
      %get3A_602 = arith.constant 0 : index
      %get3A_603 = tpu.vector_load %arg12[%get3A_601, %get3A_602] {strides = array<i32>} : memref<64x128xf32, #tpu.memory_space<vmem>>, vector<16xf32>,
      %mul3A_604 = arith.mulf %get3A_600, %get3A_603 : vector<16xf32>
      %get3A_605 = arith.index_cast %scan3A_596 : i32 to index
      %get3A_606 = arith.constant 0 : index
      %get3A_607 = tpu.vector_load %arg13[%get3A_605, %get3A_606] {strides = array<i32>} : memref<64x128xf32, #tpu.memory_space<vmem>>, vector<16xf32>,
      %mul3A_608 = arith.mulf %mul3A_604, %get3A_607 : vector<16xf32>
      %get3A_609 = arith.index_cast %scan3A_596 : i32 to index
      %get3A_610 = arith.constant 16 : index
      %get3A_611 = tpu.vector_load %arg11[%get3A_609, %get3A_610] {strides = array<i32>} : memref<64x128xf32, #tpu.memory_space<vmem>>, vector<16xf32>,
      %get3A_612 = arith.index_cast %scan3A_596 : i32 to index
      %get3A_613 = arith.constant 16 : index
      %get3A_614 = tpu.vector_load %arg12[%get3A_612, %get3A_613] {strides = array<i32>} : memref<64x128xf32, #tpu.memory_space<vmem>>, vector<16xf32>,
      %mul3A_615 = arith.mulf %get3A_611, %get3A_614 : vector<16xf32>
      %get3A_616 = arith.index_cast %scan3A_596 : i32 to index
      %get3A_617 = arith.constant 16 : index
      %get3A_618 = tpu.vector_load %arg13[%get3A_616, %get3A_617] {strides = array<i32>} : memref<64x128xf32, #tpu.memory_space<vmem>>, vector<16xf32>,
      %mul3A_619 = arith.mulf %mul3A_615, %get3A_618 : vector<16xf32>
      %get3A_620 = arith.index_cast %scan3A_596 : i32 to index
      %get3A_621 = arith.constant 32 : index
      %get3A_622 = tpu.vector_load %arg11[%get3A_620, %get3A_621] {strides = array<i32>} : memref<64x128xf32, #tpu.memory_space<vmem>>, vector<16xf32>,
      %get3A_623 = arith.index_cast %scan3A_596 : i32 to index
      %get3A_624 = arith.constant 32 : index
      %get3A_625 = tpu.vector_load %arg12[%get3A_623, %get3A_624] {strides = array<i32>} : memref<64x128xf32, #tpu.memory_space<vmem>>, vector<16xf32>,
      %mul3A_626 = arith.mulf %get3A_622, %get3A_625 : vector<16xf32>
      %get3A_627 = arith.index_cast %scan3A_596 : i32 to index
      %get3A_628 = arith.constant 32 : index
      %get3A_629 = tpu.vector_load %arg13[%get3A_627, %get3A_628] {strides = array<i32>} : memref<64x128xf32, #tpu.memory_space<vmem>>, vector<16xf32>,
      %mul3A_630 = arith.mulf %mul3A_626, %get3A_629 : vector<16xf32>
      %get3A_631 = arith.index_cast %scan3A_596 : i32 to index
      %get3A_632 = arith.constant 48 : index
      %get3A_633 = tpu.vector_load %arg11[%get3A_631, %get3A_632] {strides = array<i32>} : memref<64x128xf32, #tpu.memory_space<vmem>>, vector<16xf32>,
      %get3A_634 = arith.index_cast %scan3A_596 : i32 to index
      %get3A_635 = arith.constant 48 : index
      %get3A_636 = tpu.vector_load %arg12[%get3A_634, %get3A_635] {strides = array<i32>} : memref<64x128xf32, #tpu.memory_space<vmem>>, vector<16xf32>,
      %mul3A_637 = arith.mulf %get3A_633, %get3A_636 : vector<16xf32>
      %get3A_638 = arith.index_cast %scan3A_596 : i32 to index
      %get3A_639 = arith.constant 48 : index
      %get3A_640 = tpu.vector_load %arg13[%get3A_638, %get3A_639] {strides = array<i32>} : memref<64x128xf32, #tpu.memory_space<vmem>>, vector<16xf32>,
      %mul3A_641 = arith.mulf %mul3A_637, %get3A_640 : vector<16xf32>
      %get3A_642 = arith.index_cast %scan3A_596 : i32 to index
      %get3A_643 = arith.constant 64 : index
      %get3A_644 = tpu.vector_load %arg11[%get3A_642, %get3A_643] {strides = array<i32>} : memref<64x128xf32, #tpu.memory_space<vmem>>, vector<16xf32>,
      %get3A_645 = arith.index_cast %scan3A_596 : i32 to index
      %get3A_646 = arith.constant 64 : index
      %get3A_647 = tpu.vector_load %arg12[%get3A_645, %get3A_646] {strides = array<i32>} : memref<64x128xf32, #tpu.memory_space<vmem>>, vector<16xf32>,
      %mul3A_648 = arith.mulf %get3A_644, %get3A_647 : vector<16xf32>
      %get3A_649 = arith.index_cast %scan3A_596 : i32 to index
      %get3A_650 = arith.constant 64 : index
      %get3A_651 = tpu.vector_load %arg13[%get3A_649, %get3A_650] {strides = array<i32>} : memref<64x128xf32, #tpu.memory_space<vmem>>, vector<16xf32>,
      %mul3A_652 = arith.mulf %mul3A_648, %get3A_651 : vector<16xf32>
      %get3A_653 = arith.index_cast %scan3A_596 : i32 to index
      %get3A_654 = arith.constant 80 : index
      %get3A_655 = tpu.vector_load %arg11[%get3A_653, %get3A_654] {strides = array<i32>} : memref<64x128xf32, #tpu.memory_space<vmem>>, vector<16xf32>,
      %get3A_656 = arith.index_cast %scan3A_596 : i32 to index
      %get3A_657 = arith.constant 80 : index
      %get3A_658 = tpu.vector_load %arg12[%get3A_656, %get3A_657] {strides = array<i32>} : memref<64x128xf32, #tpu.memory_space<vmem>>, vector<16xf32>,
      %mul3A_659 = arith.mulf %get3A_655, %get3A_658 : vector<16xf32>
      %get3A_660 = arith.index_cast %scan3A_596 : i32 to index
      %get3A_661 = arith.constant 80 : index
      %get3A_662 = tpu.vector_load %arg13[%get3A_660, %get3A_661] {strides = array<i32>} : memref<64x128xf32, #tpu.memory_space<vmem>>, vector<16xf32>,
      %mul3A_663 = arith.mulf %mul3A_659, %get3A_662 : vector<16xf32>
      %get3A_664 = arith.index_cast %scan3A_596 : i32 to index
      %get3A_665 = arith.constant 96 : index
      %get3A_666 = tpu.vector_load %arg11[%get3A_664, %get3A_665] {strides = array<i32>} : memref<64x128xf32, #tpu.memory_space<vmem>>, vector<16xf32>,
      %get3A_667 = arith.index_cast %scan3A_596 : i32 to index
      %get3A_668 = arith.constant 96 : index
      %get3A_669 = tpu.vector_load %arg12[%get3A_667, %get3A_668] {strides = array<i32>} : memref<64x128xf32, #tpu.memory_space<vmem>>, vector<16xf32>,
      %mul3A_670 = arith.mulf %get3A_666, %get3A_669 : vector<16xf32>
      %get3A_671 = arith.index_cast %scan3A_596 : i32 to index
      %get3A_672 = arith.constant 96 : index
      %get3A_673 = tpu.vector_load %arg13[%get3A_671, %get3A_672] {strides = array<i32>} : memref<64x128xf32, #tpu.memory_space<vmem>>, vector<16xf32>,
      %mul3A_674 = arith.mulf %mul3A_670, %get3A_673 : vector<16xf32>
      %get3A_675 = arith.index_cast %scan3A_596 : i32 to index
      %get3A_676 = arith.constant 112 : index
      %get3A_677 = tpu.vector_load %arg11[%get3A_675, %get3A_676] {strides = array<i32>} : memref<64x128xf32, #tpu.memory_space<vmem>>, vector<16xf32>,
      %get3A_678 = arith.index_cast %scan3A_596 : i32 to index
      %get3A_679 = arith.constant 112 : index
      %get3A_680 = tpu.vector_load %arg12[%get3A_678, %get3A_679] {strides = array<i32>} : memref<64x128xf32, #tpu.memory_space<vmem>>, vector<16xf32>,
      %mul3A_681 = arith.mulf %get3A_677, %get3A_680 : vector<16xf32>
      %get3A_682 = arith.index_cast %scan3A_596 : i32 to index
      %get3A_683 = arith.constant 112 : index
      %get3A_684 = tpu.vector_load %arg13[%get3A_682, %get3A_683] {strides = array<i32>} : memref<64x128xf32, #tpu.memory_space<vmem>>, vector<16xf32>,
      %mul3A_685 = arith.mulf %mul3A_681, %get3A_684 : vector<16xf32>
      %add3A_686 = arith.addf %mul3A_608, %mul3A_619 : vector<16xf32>
      %add3A_687 = arith.addf %mul3A_630, %mul3A_641 : vector<16xf32>
      %add3A_688 = arith.addf %add3A_686, %add3A_687 : vector<16xf32>
      %add3A_689 = arith.addf %mul3A_652, %mul3A_663 : vector<16xf32>
      %add3A_690 = arith.addf %mul3A_674, %mul3A_685 : vector<16xf32>
      %add3A_691 = arith.addf %add3A_689, %add3A_690 : vector<16xf32>
      %add3A_692 = arith.addf %add3A_688, %add3A_691 : vector<16xf32>
      %add3A_693 = arith.constant 384 : i32
      %add3A_694 = arith.addi %add3A_693, %scan3A_596 : i32
      %broadcast_in_dim3A_695 = vector.broadcast %add3A_694 : i32 to vector<16xi32>
      %broadcast_in_dim3A_696 = arith.constant true
      %broadcast_in_dim3A_697 = vector.broadcast %broadcast_in_dim3A_696 : i1 to vector<16xi1>
      %masked_cumsum3A = tpu.scan <sum>, %add3A_692 masked %broadcast_in_dim3A_697 : vector<16xf32>, vector<16xi1> -> vector<16xf32>
      tpu.vector_store_idx %arg17[%broadcast_in_dim3A_695], %masked_cumsum3A masked %eq3A_78 {add = true} : memref<512xf32, #tpu.memory_space<vmem>>[vector<16xi32>], vector<16xf32>, vector<16xi1>
      %scan3A_698 = arith.constant 0 : i32
      scf.yield %scan3A_698 : i32
    }
    %scan3A_351 = arith.constant 64 : i32
    %dma_wait3A_352 = arith.constant 448 : i32
    %dma_wait3A_353 = tpu.memref_slice %arg8[%dma_wait3A_352] : memref<512xi32, #tpu.memory_space<vmem>> -> memref<64xi32, #tpu.memory_space<vmem>>
    %dma_wait3A_354 = arith.constant 0 : i32
    %dma_wait3A_355 = arith.constant 0 : i32
    %dma_wait3A_356 = tpu.memref_slice %arg5[%dma_wait3A_354, %dma_wait3A_355] : memref<100000x128xf32, #tpu.memory_space<hbm>> -> memref<100000x128xf32, #tpu.memory_space<hbm>>
    tpu.wait_indirect_dma semaphore(%arg19 : memref<!tpu.dma_semaphore, #tpu.memory_space<semaphore_mem>>) src(%dma_wait3A_356 : memref<100000x128xf32, #tpu.memory_space<hbm>>) dst(%arg14 : memref<64x128xf32, #tpu.memory_space<vmem>>)
    %dma_wait3A_357 = arith.constant 448 : i32
    %dma_wait3A_358 = tpu.memref_slice %arg9[%dma_wait3A_357] : memref<512xi32, #tpu.memory_space<vmem>> -> memref<64xi32, #tpu.memory_space<vmem>>
    %dma_wait3A_359 = arith.constant 0 : i32
    %dma_wait3A_360 = arith.constant 0 : i32
    %dma_wait3A_361 = tpu.memref_slice %arg5[%dma_wait3A_359, %dma_wait3A_360] : memref<100000x128xf32, #tpu.memory_space<hbm>> -> memref<100000x128xf32, #tpu.memory_space<hbm>>
    tpu.wait_indirect_dma semaphore(%arg19 : memref<!tpu.dma_semaphore, #tpu.memory_space<semaphore_mem>>) src(%dma_wait3A_361 : memref<100000x128xf32, #tpu.memory_space<hbm>>) dst(%arg15 : memref<64x128xf32, #tpu.memory_space<vmem>>)
    %dma_wait3A_362 = arith.constant 448 : i32
    %dma_wait3A_363 = tpu.memref_slice %arg10[%dma_wait3A_362] : memref<512xi32, #tpu.memory_space<vmem>> -> memref<64xi32, #tpu.memory_space<vmem>>
    %dma_wait3A_364 = arith.constant 0 : i32
    %dma_wait3A_365 = arith.constant 0 : i32
    %dma_wait3A_366 = tpu.memref_slice %arg6[%dma_wait3A_364, %dma_wait3A_365] : memref<100000x128xf32, #tpu.memory_space<hbm>> -> memref<100000x128xf32, #tpu.memory_space<hbm>>
    tpu.wait_indirect_dma semaphore(%arg19 : memref<!tpu.dma_semaphore, #tpu.memory_space<semaphore_mem>>) src(%dma_wait3A_366 : memref<100000x128xf32, #tpu.memory_space<hbm>>) dst(%arg16 : memref<64x128xf32, #tpu.memory_space<vmem>>)
    %scan3A_367 = arith.constant 0 : i32
    %scan3A_368 = arith.constant 0 : i32
    %scan3A_369 = arith.constant 64 : i32
    %scan3A_370 = arith.addi %scan3A_368, %scan3A_369 : i32
    %scan3A_371 = arith.constant 1 : i32
    %scan3A_372 = scf.for %scan3A_596 = %scan3A_368 to %scan3A_370 step %scan3A_371 iter_args(%scan3A_597 = %scan3A_367) -> (i32)  : i32 {
      %get3A_598 = arith.index_cast %scan3A_596 : i32 to index
      %get3A_599 = arith.constant 0 : index
      %get3A_600 = tpu.vector_load %arg14[%get3A_598, %get3A_599] {strides = array<i32>} : memref<64x128xf32, #tpu.memory_space<vmem>>, vector<16xf32>,
      %get3A_601 = arith.index_cast %scan3A_596 : i32 to index
      %get3A_602 = arith.constant 0 : index
      %get3A_603 = tpu.vector_load %arg15[%get3A_601, %get3A_602] {strides = array<i32>} : memref<64x128xf32, #tpu.memory_space<vmem>>, vector<16xf32>,
      %mul3A_604 = arith.mulf %get3A_600, %get3A_603 : vector<16xf32>
      %get3A_605 = arith.index_cast %scan3A_596 : i32 to index
      %get3A_606 = arith.constant 0 : index
      %get3A_607 = tpu.vector_load %arg16[%get3A_605, %get3A_606] {strides = array<i32>} : memref<64x128xf32, #tpu.memory_space<vmem>>, vector<16xf32>,
      %mul3A_608 = arith.mulf %mul3A_604, %get3A_607 : vector<16xf32>
      %get3A_609 = arith.index_cast %scan3A_596 : i32 to index
      %get3A_610 = arith.constant 16 : index
      %get3A_611 = tpu.vector_load %arg14[%get3A_609, %get3A_610] {strides = array<i32>} : memref<64x128xf32, #tpu.memory_space<vmem>>, vector<16xf32>,
      %get3A_612 = arith.index_cast %scan3A_596 : i32 to index
      %get3A_613 = arith.constant 16 : index
      %get3A_614 = tpu.vector_load %arg15[%get3A_612, %get3A_613] {strides = array<i32>} : memref<64x128xf32, #tpu.memory_space<vmem>>, vector<16xf32>,
      %mul3A_615 = arith.mulf %get3A_611, %get3A_614 : vector<16xf32>
      %get3A_616 = arith.index_cast %scan3A_596 : i32 to index
      %get3A_617 = arith.constant 16 : index
      %get3A_618 = tpu.vector_load %arg16[%get3A_616, %get3A_617] {strides = array<i32>} : memref<64x128xf32, #tpu.memory_space<vmem>>, vector<16xf32>,
      %mul3A_619 = arith.mulf %mul3A_615, %get3A_618 : vector<16xf32>
      %get3A_620 = arith.index_cast %scan3A_596 : i32 to index
      %get3A_621 = arith.constant 32 : index
      %get3A_622 = tpu.vector_load %arg14[%get3A_620, %get3A_621] {strides = array<i32>} : memref<64x128xf32, #tpu.memory_space<vmem>>, vector<16xf32>,
      %get3A_623 = arith.index_cast %scan3A_596 : i32 to index
      %get3A_624 = arith.constant 32 : index
      %get3A_625 = tpu.vector_load %arg15[%get3A_623, %get3A_624] {strides = array<i32>} : memref<64x128xf32, #tpu.memory_space<vmem>>, vector<16xf32>,
      %mul3A_626 = arith.mulf %get3A_622, %get3A_625 : vector<16xf32>
      %get3A_627 = arith.index_cast %scan3A_596 : i32 to index
      %get3A_628 = arith.constant 32 : index
      %get3A_629 = tpu.vector_load %arg16[%get3A_627, %get3A_628] {strides = array<i32>} : memref<64x128xf32, #tpu.memory_space<vmem>>, vector<16xf32>,
      %mul3A_630 = arith.mulf %mul3A_626, %get3A_629 : vector<16xf32>
      %get3A_631 = arith.index_cast %scan3A_596 : i32 to index
      %get3A_632 = arith.constant 48 : index
      %get3A_633 = tpu.vector_load %arg14[%get3A_631, %get3A_632] {strides = array<i32>} : memref<64x128xf32, #tpu.memory_space<vmem>>, vector<16xf32>,
      %get3A_634 = arith.index_cast %scan3A_596 : i32 to index
      %get3A_635 = arith.constant 48 : index
      %get3A_636 = tpu.vector_load %arg15[%get3A_634, %get3A_635] {strides = array<i32>} : memref<64x128xf32, #tpu.memory_space<vmem>>, vector<16xf32>,
      %mul3A_637 = arith.mulf %get3A_633, %get3A_636 : vector<16xf32>
      %get3A_638 = arith.index_cast %scan3A_596 : i32 to index
      %get3A_639 = arith.constant 48 : index
      %get3A_640 = tpu.vector_load %arg16[%get3A_638, %get3A_639] {strides = array<i32>} : memref<64x128xf32, #tpu.memory_space<vmem>>, vector<16xf32>,
      %mul3A_641 = arith.mulf %mul3A_637, %get3A_640 : vector<16xf32>
      %get3A_642 = arith.index_cast %scan3A_596 : i32 to index
      %get3A_643 = arith.constant 64 : index
      %get3A_644 = tpu.vector_load %arg14[%get3A_642, %get3A_643] {strides = array<i32>} : memref<64x128xf32, #tpu.memory_space<vmem>>, vector<16xf32>,
      %get3A_645 = arith.index_cast %scan3A_596 : i32 to index
      %get3A_646 = arith.constant 64 : index
      %get3A_647 = tpu.vector_load %arg15[%get3A_645, %get3A_646] {strides = array<i32>} : memref<64x128xf32, #tpu.memory_space<vmem>>, vector<16xf32>,
      %mul3A_648 = arith.mulf %get3A_644, %get3A_647 : vector<16xf32>
      %get3A_649 = arith.index_cast %scan3A_596 : i32 to index
      %get3A_650 = arith.constant 64 : index
      %get3A_651 = tpu.vector_load %arg16[%get3A_649, %get3A_650] {strides = array<i32>} : memref<64x128xf32, #tpu.memory_space<vmem>>, vector<16xf32>,
      %mul3A_652 = arith.mulf %mul3A_648, %get3A_651 : vector<16xf32>
      %get3A_653 = arith.index_cast %scan3A_596 : i32 to index
      %get3A_654 = arith.constant 80 : index
      %get3A_655 = tpu.vector_load %arg14[%get3A_653, %get3A_654] {strides = array<i32>} : memref<64x128xf32, #tpu.memory_space<vmem>>, vector<16xf32>,
      %get3A_656 = arith.index_cast %scan3A_596 : i32 to index
      %get3A_657 = arith.constant 80 : index
      %get3A_658 = tpu.vector_load %arg15[%get3A_656, %get3A_657] {strides = array<i32>} : memref<64x128xf32, #tpu.memory_space<vmem>>, vector<16xf32>,
      %mul3A_659 = arith.mulf %get3A_655, %get3A_658 : vector<16xf32>
      %get3A_660 = arith.index_cast %scan3A_596 : i32 to index
      %get3A_661 = arith.constant 80 : index
      %get3A_662 = tpu.vector_load %arg16[%get3A_660, %get3A_661] {strides = array<i32>} : memref<64x128xf32, #tpu.memory_space<vmem>>, vector<16xf32>,
      %mul3A_663 = arith.mulf %mul3A_659, %get3A_662 : vector<16xf32>
      %get3A_664 = arith.index_cast %scan3A_596 : i32 to index
      %get3A_665 = arith.constant 96 : index
      %get3A_666 = tpu.vector_load %arg14[%get3A_664, %get3A_665] {strides = array<i32>} : memref<64x128xf32, #tpu.memory_space<vmem>>, vector<16xf32>,
      %get3A_667 = arith.index_cast %scan3A_596 : i32 to index
      %get3A_668 = arith.constant 96 : index
      %get3A_669 = tpu.vector_load %arg15[%get3A_667, %get3A_668] {strides = array<i32>} : memref<64x128xf32, #tpu.memory_space<vmem>>, vector<16xf32>,
      %mul3A_670 = arith.mulf %get3A_666, %get3A_669 : vector<16xf32>
      %get3A_671 = arith.index_cast %scan3A_596 : i32 to index
      %get3A_672 = arith.constant 96 : index
      %get3A_673 = tpu.vector_load %arg16[%get3A_671, %get3A_672] {strides = array<i32>} : memref<64x128xf32, #tpu.memory_space<vmem>>, vector<16xf32>,
      %mul3A_674 = arith.mulf %mul3A_670, %get3A_673 : vector<16xf32>
      %get3A_675 = arith.index_cast %scan3A_596 : i32 to index
      %get3A_676 = arith.constant 112 : index
      %get3A_677 = tpu.vector_load %arg14[%get3A_675, %get3A_676] {strides = array<i32>} : memref<64x128xf32, #tpu.memory_space<vmem>>, vector<16xf32>,
      %get3A_678 = arith.index_cast %scan3A_596 : i32 to index
      %get3A_679 = arith.constant 112 : index
      %get3A_680 = tpu.vector_load %arg15[%get3A_678, %get3A_679] {strides = array<i32>} : memref<64x128xf32, #tpu.memory_space<vmem>>, vector<16xf32>,
      %mul3A_681 = arith.mulf %get3A_677, %get3A_680 : vector<16xf32>
      %get3A_682 = arith.index_cast %scan3A_596 : i32 to index
      %get3A_683 = arith.constant 112 : index
      %get3A_684 = tpu.vector_load %arg16[%get3A_682, %get3A_683] {strides = array<i32>} : memref<64x128xf32, #tpu.memory_space<vmem>>, vector<16xf32>,
      %mul3A_685 = arith.mulf %mul3A_681, %get3A_684 : vector<16xf32>
      %add3A_686 = arith.addf %mul3A_608, %mul3A_619 : vector<16xf32>
      %add3A_687 = arith.addf %mul3A_630, %mul3A_641 : vector<16xf32>
      %add3A_688 = arith.addf %add3A_686, %add3A_687 : vector<16xf32>
      %add3A_689 = arith.addf %mul3A_652, %mul3A_663 : vector<16xf32>
      %add3A_690 = arith.addf %mul3A_674, %mul3A_685 : vector<16xf32>
      %add3A_691 = arith.addf %add3A_689, %add3A_690 : vector<16xf32>
      %add3A_692 = arith.addf %add3A_688, %add3A_691 : vector<16xf32>
      %add3A_693 = arith.constant 448 : i32
      %add3A_694 = arith.addi %add3A_693, %scan3A_596 : i32
      %broadcast_in_dim3A_695 = vector.broadcast %add3A_694 : i32 to vector<16xi32>
      %broadcast_in_dim3A_696 = arith.constant true
      %broadcast_in_dim3A_697 = vector.broadcast %broadcast_in_dim3A_696 : i1 to vector<16xi1>
      %masked_cumsum3A = tpu.scan <sum>, %add3A_692 masked %broadcast_in_dim3A_697 : vector<16xf32>, vector<16xi1> -> vector<16xf32>
      tpu.vector_store_idx %arg17[%broadcast_in_dim3A_695], %masked_cumsum3A masked %eq3A_78 {add = true} : memref<512xf32, #tpu.memory_space<vmem>>[vector<16xi32>], vector<16xf32>, vector<16xi1>
      %scan3A_698 = arith.constant 0 : i32
      scf.yield %scan3A_698 : i32
    }
    %scan3A_373 = arith.constant 64 : i32
    %get3A = arith.constant 0 : index
    %get3A_374 = tpu.vector_load %arg17[%get3A] {strides = array<i32>} : memref<512xf32, #tpu.memory_space<vmem>>, vector<16xf32>,
    %neg3A = arith.constant 0.000000e+00 : f32
    %neg3A_375 = vector.broadcast %neg3A : f32 to vector<16xf32>
    %neg3A_376 = arith.subf %neg3A_375, %get3A_374 : vector<16xf32>
    %swap3A_377 = arith.constant 0 : index
    %swap3A_378 = tpu.vector_load %arg17[%swap3A_377] {strides = array<i32>} : memref<512xf32, #tpu.memory_space<vmem>>, vector<16xf32>,
    tpu.vector_store %arg17[%swap3A_377], %neg3A_376 {strides = array<i32>} : memref<512xf32, #tpu.memory_space<vmem>>, vector<16xf32>,
    %get3A_379 = arith.constant 16 : index
    %get3A_380 = tpu.vector_load %arg17[%get3A_379] {strides = array<i32>} : memref<512xf32, #tpu.memory_space<vmem>>, vector<16xf32>,
    %neg3A_381 = arith.constant 0.000000e+00 : f32
    %neg3A_382 = vector.broadcast %neg3A_381 : f32 to vector<16xf32>
    %neg3A_383 = arith.subf %neg3A_382, %get3A_380 : vector<16xf32>
    %swap3A_384 = arith.constant 16 : index
    %swap3A_385 = tpu.vector_load %arg17[%swap3A_384] {strides = array<i32>} : memref<512xf32, #tpu.memory_space<vmem>>, vector<16xf32>,
    tpu.vector_store %arg17[%swap3A_384], %neg3A_383 {strides = array<i32>} : memref<512xf32, #tpu.memory_space<vmem>>, vector<16xf32>,
    %get3A_386 = arith.constant 32 : index
    %get3A_387 = tpu.vector_load %arg17[%get3A_386] {strides = array<i32>} : memref<512xf32, #tpu.memory_space<vmem>>, vector<16xf32>,
    %neg3A_388 = arith.constant 0.000000e+00 : f32
    %neg3A_389 = vector.broadcast %neg3A_388 : f32 to vector<16xf32>
    %neg3A_390 = arith.subf %neg3A_389, %get3A_387 : vector<16xf32>
    %swap3A_391 = arith.constant 32 : index
    %swap3A_392 = tpu.vector_load %arg17[%swap3A_391] {strides = array<i32>} : memref<512xf32, #tpu.memory_space<vmem>>, vector<16xf32>,
    tpu.vector_store %arg17[%swap3A_391], %neg3A_390 {strides = array<i32>} : memref<512xf32, #tpu.memory_space<vmem>>, vector<16xf32>,
    %get3A_393 = arith.constant 48 : index
    %get3A_394 = tpu.vector_load %arg17[%get3A_393] {strides = array<i32>} : memref<512xf32, #tpu.memory_space<vmem>>, vector<16xf32>,
    %neg3A_395 = arith.constant 0.000000e+00 : f32
    %neg3A_396 = vector.broadcast %neg3A_395 : f32 to vector<16xf32>
    %neg3A_397 = arith.subf %neg3A_396, %get3A_394 : vector<16xf32>
    %swap3A_398 = arith.constant 48 : index
    %swap3A_399 = tpu.vector_load %arg17[%swap3A_398] {strides = array<i32>} : memref<512xf32, #tpu.memory_space<vmem>>, vector<16xf32>,
    tpu.vector_store %arg17[%swap3A_398], %neg3A_397 {strides = array<i32>} : memref<512xf32, #tpu.memory_space<vmem>>, vector<16xf32>,
    %get3A_400 = arith.constant 64 : index
    %get3A_401 = tpu.vector_load %arg17[%get3A_400] {strides = array<i32>} : memref<512xf32, #tpu.memory_space<vmem>>, vector<16xf32>,
    %neg3A_402 = arith.constant 0.000000e+00 : f32
    %neg3A_403 = vector.broadcast %neg3A_402 : f32 to vector<16xf32>
    %neg3A_404 = arith.subf %neg3A_403, %get3A_401 : vector<16xf32>
    %swap3A_405 = arith.constant 64 : index
    %swap3A_406 = tpu.vector_load %arg17[%swap3A_405] {strides = array<i32>} : memref<512xf32, #tpu.memory_space<vmem>>, vector<16xf32>,
    tpu.vector_store %arg17[%swap3A_405], %neg3A_404 {strides = array<i32>} : memref<512xf32, #tpu.memory_space<vmem>>, vector<16xf32>,
    %get3A_407 = arith.constant 80 : index
    %get3A_408 = tpu.vector_load %arg17[%get3A_407] {strides = array<i32>} : memref<512xf32, #tpu.memory_space<vmem>>, vector<16xf32>,
    %neg3A_409 = arith.constant 0.000000e+00 : f32
    %neg3A_410 = vector.broadcast %neg3A_409 : f32 to vector<16xf32>
    %neg3A_411 = arith.subf %neg3A_410, %get3A_408 : vector<16xf32>
    %swap3A_412 = arith.constant 80 : index
    %swap3A_413 = tpu.vector_load %arg17[%swap3A_412] {strides = array<i32>} : memref<512xf32, #tpu.memory_space<vmem>>, vector<16xf32>,
    tpu.vector_store %arg17[%swap3A_412], %neg3A_411 {strides = array<i32>} : memref<512xf32, #tpu.memory_space<vmem>>, vector<16xf32>,
    %get3A_414 = arith.constant 96 : index
    %get3A_415 = tpu.vector_load %arg17[%get3A_414] {strides = array<i32>} : memref<512xf32, #tpu.memory_space<vmem>>, vector<16xf32>,
    %neg3A_416 = arith.constant 0.000000e+00 : f32
    %neg3A_417 = vector.broadcast %neg3A_416 : f32 to vector<16xf32>
    %neg3A_418 = arith.subf %neg3A_417, %get3A_415 : vector<16xf32>
    %swap3A_419 = arith.constant 96 : index
    %swap3A_420 = tpu.vector_load %arg17[%swap3A_419] {strides = array<i32>} : memref<512xf32, #tpu.memory_space<vmem>>, vector<16xf32>,
    tpu.vector_store %arg17[%swap3A_419], %neg3A_418 {strides = array<i32>} : memref<512xf32, #tpu.memory_space<vmem>>, vector<16xf32>,
    %get3A_421 = arith.constant 112 : index
    %get3A_422 = tpu.vector_load %arg17[%get3A_421] {strides = array<i32>} : memref<512xf32, #tpu.memory_space<vmem>>, vector<16xf32>,
    %neg3A_423 = arith.constant 0.000000e+00 : f32
    %neg3A_424 = vector.broadcast %neg3A_423 : f32 to vector<16xf32>
    %neg3A_425 = arith.subf %neg3A_424, %get3A_422 : vector<16xf32>
    %swap3A_426 = arith.constant 112 : index
    %swap3A_427 = tpu.vector_load %arg17[%swap3A_426] {strides = array<i32>} : memref<512xf32, #tpu.memory_space<vmem>>, vector<16xf32>,
    tpu.vector_store %arg17[%swap3A_426], %neg3A_425 {strides = array<i32>} : memref<512xf32, #tpu.memory_space<vmem>>, vector<16xf32>,
    %get3A_428 = arith.constant 128 : index
    %get3A_429 = tpu.vector_load %arg17[%get3A_428] {strides = array<i32>} : memref<512xf32, #tpu.memory_space<vmem>>, vector<16xf32>,
    %neg3A_430 = arith.constant 0.000000e+00 : f32
    %neg3A_431 = vector.broadcast %neg3A_430 : f32 to vector<16xf32>
    %neg3A_432 = arith.subf %neg3A_431, %get3A_429 : vector<16xf32>
    %swap3A_433 = arith.constant 128 : index
    %swap3A_434 = tpu.vector_load %arg17[%swap3A_433] {strides = array<i32>} : memref<512xf32, #tpu.memory_space<vmem>>, vector<16xf32>,
    tpu.vector_store %arg17[%swap3A_433], %neg3A_432 {strides = array<i32>} : memref<512xf32, #tpu.memory_space<vmem>>, vector<16xf32>,
    %get3A_435 = arith.constant 144 : index
    %get3A_436 = tpu.vector_load %arg17[%get3A_435] {strides = array<i32>} : memref<512xf32, #tpu.memory_space<vmem>>, vector<16xf32>,
    %neg3A_437 = arith.constant 0.000000e+00 : f32
    %neg3A_438 = vector.broadcast %neg3A_437 : f32 to vector<16xf32>
    %neg3A_439 = arith.subf %neg3A_438, %get3A_436 : vector<16xf32>
    %swap3A_440 = arith.constant 144 : index
    %swap3A_441 = tpu.vector_load %arg17[%swap3A_440] {strides = array<i32>} : memref<512xf32, #tpu.memory_space<vmem>>, vector<16xf32>,
    tpu.vector_store %arg17[%swap3A_440], %neg3A_439 {strides = array<i32>} : memref<512xf32, #tpu.memory_space<vmem>>, vector<16xf32>,
    %get3A_442 = arith.constant 160 : index
    %get3A_443 = tpu.vector_load %arg17[%get3A_442] {strides = array<i32>} : memref<512xf32, #tpu.memory_space<vmem>>, vector<16xf32>,
    %neg3A_444 = arith.constant 0.000000e+00 : f32
    %neg3A_445 = vector.broadcast %neg3A_444 : f32 to vector<16xf32>
    %neg3A_446 = arith.subf %neg3A_445, %get3A_443 : vector<16xf32>
    %swap3A_447 = arith.constant 160 : index
    %swap3A_448 = tpu.vector_load %arg17[%swap3A_447] {strides = array<i32>} : memref<512xf32, #tpu.memory_space<vmem>>, vector<16xf32>,
    tpu.vector_store %arg17[%swap3A_447], %neg3A_446 {strides = array<i32>} : memref<512xf32, #tpu.memory_space<vmem>>, vector<16xf32>,
    %get3A_449 = arith.constant 176 : index
    %get3A_450 = tpu.vector_load %arg17[%get3A_449] {strides = array<i32>} : memref<512xf32, #tpu.memory_space<vmem>>, vector<16xf32>,
    %neg3A_451 = arith.constant 0.000000e+00 : f32
    %neg3A_452 = vector.broadcast %neg3A_451 : f32 to vector<16xf32>
    %neg3A_453 = arith.subf %neg3A_452, %get3A_450 : vector<16xf32>
    %swap3A_454 = arith.constant 176 : index
    %swap3A_455 = tpu.vector_load %arg17[%swap3A_454] {strides = array<i32>} : memref<512xf32, #tpu.memory_space<vmem>>, vector<16xf32>,
    tpu.vector_store %arg17[%swap3A_454], %neg3A_453 {strides = array<i32>} : memref<512xf32, #tpu.memory_space<vmem>>, vector<16xf32>,
    %get3A_456 = arith.constant 192 : index
    %get3A_457 = tpu.vector_load %arg17[%get3A_456] {strides = array<i32>} : memref<512xf32, #tpu.memory_space<vmem>>, vector<16xf32>,
    %neg3A_458 = arith.constant 0.000000e+00 : f32
    %neg3A_459 = vector.broadcast %neg3A_458 : f32 to vector<16xf32>
    %neg3A_460 = arith.subf %neg3A_459, %get3A_457 : vector<16xf32>
    %swap3A_461 = arith.constant 192 : index
    %swap3A_462 = tpu.vector_load %arg17[%swap3A_461] {strides = array<i32>} : memref<512xf32, #tpu.memory_space<vmem>>, vector<16xf32>,
    tpu.vector_store %arg17[%swap3A_461], %neg3A_460 {strides = array<i32>} : memref<512xf32, #tpu.memory_space<vmem>>, vector<16xf32>,
    %get3A_463 = arith.constant 208 : index
    %get3A_464 = tpu.vector_load %arg17[%get3A_463] {strides = array<i32>} : memref<512xf32, #tpu.memory_space<vmem>>, vector<16xf32>,
    %neg3A_465 = arith.constant 0.000000e+00 : f32
    %neg3A_466 = vector.broadcast %neg3A_465 : f32 to vector<16xf32>
    %neg3A_467 = arith.subf %neg3A_466, %get3A_464 : vector<16xf32>
    %swap3A_468 = arith.constant 208 : index
    %swap3A_469 = tpu.vector_load %arg17[%swap3A_468] {strides = array<i32>} : memref<512xf32, #tpu.memory_space<vmem>>, vector<16xf32>,
    tpu.vector_store %arg17[%swap3A_468], %neg3A_467 {strides = array<i32>} : memref<512xf32, #tpu.memory_space<vmem>>, vector<16xf32>,
    %get3A_470 = arith.constant 224 : index
    %get3A_471 = tpu.vector_load %arg17[%get3A_470] {strides = array<i32>} : memref<512xf32, #tpu.memory_space<vmem>>, vector<16xf32>,
    %neg3A_472 = arith.constant 0.000000e+00 : f32
    %neg3A_473 = vector.broadcast %neg3A_472 : f32 to vector<16xf32>
    %neg3A_474 = arith.subf %neg3A_473, %get3A_471 : vector<16xf32>
    %swap3A_475 = arith.constant 224 : index
    %swap3A_476 = tpu.vector_load %arg17[%swap3A_475] {strides = array<i32>} : memref<512xf32, #tpu.memory_space<vmem>>, vector<16xf32>,
    tpu.vector_store %arg17[%swap3A_475], %neg3A_474 {strides = array<i32>} : memref<512xf32, #tpu.memory_space<vmem>>, vector<16xf32>,
    %get3A_477 = arith.constant 240 : index
    %get3A_478 = tpu.vector_load %arg17[%get3A_477] {strides = array<i32>} : memref<512xf32, #tpu.memory_space<vmem>>, vector<16xf32>,
    %neg3A_479 = arith.constant 0.000000e+00 : f32
    %neg3A_480 = vector.broadcast %neg3A_479 : f32 to vector<16xf32>
    %neg3A_481 = arith.subf %neg3A_480, %get3A_478 : vector<16xf32>
    %swap3A_482 = arith.constant 240 : index
    %swap3A_483 = tpu.vector_load %arg17[%swap3A_482] {strides = array<i32>} : memref<512xf32, #tpu.memory_space<vmem>>, vector<16xf32>,
    tpu.vector_store %arg17[%swap3A_482], %neg3A_481 {strides = array<i32>} : memref<512xf32, #tpu.memory_space<vmem>>, vector<16xf32>,
    %get3A_484 = arith.constant 256 : index
    %get3A_485 = tpu.vector_load %arg17[%get3A_484] {strides = array<i32>} : memref<512xf32, #tpu.memory_space<vmem>>, vector<16xf32>,
    %neg3A_486 = arith.constant 0.000000e+00 : f32
    %neg3A_487 = vector.broadcast %neg3A_486 : f32 to vector<16xf32>
    %neg3A_488 = arith.subf %neg3A_487, %get3A_485 : vector<16xf32>
    %swap3A_489 = arith.constant 256 : index
    %swap3A_490 = tpu.vector_load %arg17[%swap3A_489] {strides = array<i32>} : memref<512xf32, #tpu.memory_space<vmem>>, vector<16xf32>,
    tpu.vector_store %arg17[%swap3A_489], %neg3A_488 {strides = array<i32>} : memref<512xf32, #tpu.memory_space<vmem>>, vector<16xf32>,
    %get3A_491 = arith.constant 272 : index
    %get3A_492 = tpu.vector_load %arg17[%get3A_491] {strides = array<i32>} : memref<512xf32, #tpu.memory_space<vmem>>, vector<16xf32>,
    %neg3A_493 = arith.constant 0.000000e+00 : f32
    %neg3A_494 = vector.broadcast %neg3A_493 : f32 to vector<16xf32>
    %neg3A_495 = arith.subf %neg3A_494, %get3A_492 : vector<16xf32>
    %swap3A_496 = arith.constant 272 : index
    %swap3A_497 = tpu.vector_load %arg17[%swap3A_496] {strides = array<i32>} : memref<512xf32, #tpu.memory_space<vmem>>, vector<16xf32>,
    tpu.vector_store %arg17[%swap3A_496], %neg3A_495 {strides = array<i32>} : memref<512xf32, #tpu.memory_space<vmem>>, vector<16xf32>,
    %get3A_498 = arith.constant 288 : index
    %get3A_499 = tpu.vector_load %arg17[%get3A_498] {strides = array<i32>} : memref<512xf32, #tpu.memory_space<vmem>>, vector<16xf32>,
    %neg3A_500 = arith.constant 0.000000e+00 : f32
    %neg3A_501 = vector.broadcast %neg3A_500 : f32 to vector<16xf32>
    %neg3A_502 = arith.subf %neg3A_501, %get3A_499 : vector<16xf32>
    %swap3A_503 = arith.constant 288 : index
    %swap3A_504 = tpu.vector_load %arg17[%swap3A_503] {strides = array<i32>} : memref<512xf32, #tpu.memory_space<vmem>>, vector<16xf32>,
    tpu.vector_store %arg17[%swap3A_503], %neg3A_502 {strides = array<i32>} : memref<512xf32, #tpu.memory_space<vmem>>, vector<16xf32>,
    %get3A_505 = arith.constant 304 : index
    %get3A_506 = tpu.vector_load %arg17[%get3A_505] {strides = array<i32>} : memref<512xf32, #tpu.memory_space<vmem>>, vector<16xf32>,
    %neg3A_507 = arith.constant 0.000000e+00 : f32
    %neg3A_508 = vector.broadcast %neg3A_507 : f32 to vector<16xf32>
    %neg3A_509 = arith.subf %neg3A_508, %get3A_506 : vector<16xf32>
    %swap3A_510 = arith.constant 304 : index
    %swap3A_511 = tpu.vector_load %arg17[%swap3A_510] {strides = array<i32>} : memref<512xf32, #tpu.memory_space<vmem>>, vector<16xf32>,
    tpu.vector_store %arg17[%swap3A_510], %neg3A_509 {strides = array<i32>} : memref<512xf32, #tpu.memory_space<vmem>>, vector<16xf32>,
    %get3A_512 = arith.constant 320 : index
    %get3A_513 = tpu.vector_load %arg17[%get3A_512] {strides = array<i32>} : memref<512xf32, #tpu.memory_space<vmem>>, vector<16xf32>,
    %neg3A_514 = arith.constant 0.000000e+00 : f32
    %neg3A_515 = vector.broadcast %neg3A_514 : f32 to vector<16xf32>
    %neg3A_516 = arith.subf %neg3A_515, %get3A_513 : vector<16xf32>
    %swap3A_517 = arith.constant 320 : index
    %swap3A_518 = tpu.vector_load %arg17[%swap3A_517] {strides = array<i32>} : memref<512xf32, #tpu.memory_space<vmem>>, vector<16xf32>,
    tpu.vector_store %arg17[%swap3A_517], %neg3A_516 {strides = array<i32>} : memref<512xf32, #tpu.memory_space<vmem>>, vector<16xf32>,
    %get3A_519 = arith.constant 336 : index
    %get3A_520 = tpu.vector_load %arg17[%get3A_519] {strides = array<i32>} : memref<512xf32, #tpu.memory_space<vmem>>, vector<16xf32>,
    %neg3A_521 = arith.constant 0.000000e+00 : f32
    %neg3A_522 = vector.broadcast %neg3A_521 : f32 to vector<16xf32>
    %neg3A_523 = arith.subf %neg3A_522, %get3A_520 : vector<16xf32>
    %swap3A_524 = arith.constant 336 : index
    %swap3A_525 = tpu.vector_load %arg17[%swap3A_524] {strides = array<i32>} : memref<512xf32, #tpu.memory_space<vmem>>, vector<16xf32>,
    tpu.vector_store %arg17[%swap3A_524], %neg3A_523 {strides = array<i32>} : memref<512xf32, #tpu.memory_space<vmem>>, vector<16xf32>,
    %get3A_526 = arith.constant 352 : index
    %get3A_527 = tpu.vector_load %arg17[%get3A_526] {strides = array<i32>} : memref<512xf32, #tpu.memory_space<vmem>>, vector<16xf32>,
    %neg3A_528 = arith.constant 0.000000e+00 : f32
    %neg3A_529 = vector.broadcast %neg3A_528 : f32 to vector<16xf32>
    %neg3A_530 = arith.subf %neg3A_529, %get3A_527 : vector<16xf32>
    %swap3A_531 = arith.constant 352 : index
    %swap3A_532 = tpu.vector_load %arg17[%swap3A_531] {strides = array<i32>} : memref<512xf32, #tpu.memory_space<vmem>>, vector<16xf32>,
    tpu.vector_store %arg17[%swap3A_531], %neg3A_530 {strides = array<i32>} : memref<512xf32, #tpu.memory_space<vmem>>, vector<16xf32>,
    %get3A_533 = arith.constant 368 : index
    %get3A_534 = tpu.vector_load %arg17[%get3A_533] {strides = array<i32>} : memref<512xf32, #tpu.memory_space<vmem>>, vector<16xf32>,
    %neg3A_535 = arith.constant 0.000000e+00 : f32
    %neg3A_536 = vector.broadcast %neg3A_535 : f32 to vector<16xf32>
    %neg3A_537 = arith.subf %neg3A_536, %get3A_534 : vector<16xf32>
    %swap3A_538 = arith.constant 368 : index
    %swap3A_539 = tpu.vector_load %arg17[%swap3A_538] {strides = array<i32>} : memref<512xf32, #tpu.memory_space<vmem>>, vector<16xf32>,
    tpu.vector_store %arg17[%swap3A_538], %neg3A_537 {strides = array<i32>} : memref<512xf32, #tpu.memory_space<vmem>>, vector<16xf32>,
    %get3A_540 = arith.constant 384 : index
    %get3A_541 = tpu.vector_load %arg17[%get3A_540] {strides = array<i32>} : memref<512xf32, #tpu.memory_space<vmem>>, vector<16xf32>,
    %neg3A_542 = arith.constant 0.000000e+00 : f32
    %neg3A_543 = vector.broadcast %neg3A_542 : f32 to vector<16xf32>
    %neg3A_544 = arith.subf %neg3A_543, %get3A_541 : vector<16xf32>
    %swap3A_545 = arith.constant 384 : index
    %swap3A_546 = tpu.vector_load %arg17[%swap3A_545] {strides = array<i32>} : memref<512xf32, #tpu.memory_space<vmem>>, vector<16xf32>,
    tpu.vector_store %arg17[%swap3A_545], %neg3A_544 {strides = array<i32>} : memref<512xf32, #tpu.memory_space<vmem>>, vector<16xf32>,
    %get3A_547 = arith.constant 400 : index
    %get3A_548 = tpu.vector_load %arg17[%get3A_547] {strides = array<i32>} : memref<512xf32, #tpu.memory_space<vmem>>, vector<16xf32>,
    %neg3A_549 = arith.constant 0.000000e+00 : f32
    %neg3A_550 = vector.broadcast %neg3A_549 : f32 to vector<16xf32>
    %neg3A_551 = arith.subf %neg3A_550, %get3A_548 : vector<16xf32>
    %swap3A_552 = arith.constant 400 : index
    %swap3A_553 = tpu.vector_load %arg17[%swap3A_552] {strides = array<i32>} : memref<512xf32, #tpu.memory_space<vmem>>, vector<16xf32>,
    tpu.vector_store %arg17[%swap3A_552], %neg3A_551 {strides = array<i32>} : memref<512xf32, #tpu.memory_space<vmem>>, vector<16xf32>,
    %get3A_554 = arith.constant 416 : index
    %get3A_555 = tpu.vector_load %arg17[%get3A_554] {strides = array<i32>} : memref<512xf32, #tpu.memory_space<vmem>>, vector<16xf32>,
    %neg3A_556 = arith.constant 0.000000e+00 : f32
    %neg3A_557 = vector.broadcast %neg3A_556 : f32 to vector<16xf32>
    %neg3A_558 = arith.subf %neg3A_557, %get3A_555 : vector<16xf32>
    %swap3A_559 = arith.constant 416 : index
    %swap3A_560 = tpu.vector_load %arg17[%swap3A_559] {strides = array<i32>} : memref<512xf32, #tpu.memory_space<vmem>>, vector<16xf32>,
    tpu.vector_store %arg17[%swap3A_559], %neg3A_558 {strides = array<i32>} : memref<512xf32, #tpu.memory_space<vmem>>, vector<16xf32>,
    %get3A_561 = arith.constant 432 : index
    %get3A_562 = tpu.vector_load %arg17[%get3A_561] {strides = array<i32>} : memref<512xf32, #tpu.memory_space<vmem>>, vector<16xf32>,
    %neg3A_563 = arith.constant 0.000000e+00 : f32
    %neg3A_564 = vector.broadcast %neg3A_563 : f32 to vector<16xf32>
    %neg3A_565 = arith.subf %neg3A_564, %get3A_562 : vector<16xf32>
    %swap3A_566 = arith.constant 432 : index
    %swap3A_567 = tpu.vector_load %arg17[%swap3A_566] {strides = array<i32>} : memref<512xf32, #tpu.memory_space<vmem>>, vector<16xf32>,
    tpu.vector_store %arg17[%swap3A_566], %neg3A_565 {strides = array<i32>} : memref<512xf32, #tpu.memory_space<vmem>>, vector<16xf32>,
    %get3A_568 = arith.constant 448 : index
    %get3A_569 = tpu.vector_load %arg17[%get3A_568] {strides = array<i32>} : memref<512xf32, #tpu.memory_space<vmem>>, vector<16xf32>,
    %neg3A_570 = arith.constant 0.000000e+00 : f32
    %neg3A_571 = vector.broadcast %neg3A_570 : f32 to vector<16xf32>
    %neg3A_572 = arith.subf %neg3A_571, %get3A_569 : vector<16xf32>
    %swap3A_573 = arith.constant 448 : index
    %swap3A_574 = tpu.vector_load %arg17[%swap3A_573] {strides = array<i32>} : memref<512xf32, #tpu.memory_space<vmem>>, vector<16xf32>,
    tpu.vector_store %arg17[%swap3A_573], %neg3A_572 {strides = array<i32>} : memref<512xf32, #tpu.memory_space<vmem>>, vector<16xf32>,
    %get3A_575 = arith.constant 464 : index
    %get3A_576 = tpu.vector_load %arg17[%get3A_575] {strides = array<i32>} : memref<512xf32, #tpu.memory_space<vmem>>, vector<16xf32>,
    %neg3A_577 = arith.constant 0.000000e+00 : f32
    %neg3A_578 = vector.broadcast %neg3A_577 : f32 to vector<16xf32>
    %neg3A_579 = arith.subf %neg3A_578, %get3A_576 : vector<16xf32>
    %swap3A_580 = arith.constant 464 : index
    %swap3A_581 = tpu.vector_load %arg17[%swap3A_580] {strides = array<i32>} : memref<512xf32, #tpu.memory_space<vmem>>, vector<16xf32>,
    tpu.vector_store %arg17[%swap3A_580], %neg3A_579 {strides = array<i32>} : memref<512xf32, #tpu.memory_space<vmem>>, vector<16xf32>,
    %get3A_582 = arith.constant 480 : index
    %get3A_583 = tpu.vector_load %arg17[%get3A_582] {strides = array<i32>} : memref<512xf32, #tpu.memory_space<vmem>>, vector<16xf32>,
    %neg3A_584 = arith.constant 0.000000e+00 : f32
    %neg3A_585 = vector.broadcast %neg3A_584 : f32 to vector<16xf32>
    %neg3A_586 = arith.subf %neg3A_585, %get3A_583 : vector<16xf32>
    %swap3A_587 = arith.constant 480 : index
    %swap3A_588 = tpu.vector_load %arg17[%swap3A_587] {strides = array<i32>} : memref<512xf32, #tpu.memory_space<vmem>>, vector<16xf32>,
    tpu.vector_store %arg17[%swap3A_587], %neg3A_586 {strides = array<i32>} : memref<512xf32, #tpu.memory_space<vmem>>, vector<16xf32>,
    %get3A_589 = arith.constant 496 : index
    %get3A_590 = tpu.vector_load %arg17[%get3A_589] {strides = array<i32>} : memref<512xf32, #tpu.memory_space<vmem>>, vector<16xf32>,
    %neg3A_591 = arith.constant 0.000000e+00 : f32
    %neg3A_592 = vector.broadcast %neg3A_591 : f32 to vector<16xf32>
    %neg3A_593 = arith.subf %neg3A_592, %get3A_590 : vector<16xf32>
    %swap3A_594 = arith.constant 496 : index
    %swap3A_595 = tpu.vector_load %arg17[%swap3A_594] {strides = array<i32>} : memref<512xf32, #tpu.memory_space<vmem>>, vector<16xf32>,
    tpu.vector_store %arg17[%swap3A_594], %neg3A_593 {strides = array<i32>} : memref<512xf32, #tpu.memory_space<vmem>>, vector<16xf32>,
    "tpu.region"() ({
      %run_scoped3A = tpu.sem_alloc : memref<!tpu.dma_semaphore, #tpu.memory_space<semaphore_mem>>
      %dma_start3A_596 = tpu.memref_slice %arg7[%mul3A_2] : memref<16384xf32, #tpu.memory_space<hbm>> -> memref<512xf32, #tpu.memory_space<hbm>>
      %dma_start3A_597 = tpu.memref_slice %arg7[%mul3A_2] : memref<16384xf32, #tpu.memory_space<hbm>> -> memref<512xf32, #tpu.memory_space<hbm>>
      tpu.enqueue_dma source(%arg17 : memref<512xf32, #tpu.memory_space<vmem>>) target(%dma_start3A_597 : memref<512xf32, #tpu.memory_space<hbm>>) target_semaphore(%run_scoped3A : memref<!tpu.dma_semaphore, #tpu.memory_space<semaphore_mem>>)
      %dma_wait3A_598 = tpu.memref_slice %arg7[%mul3A_2] : memref<16384xf32, #tpu.memory_space<hbm>> -> memref<512xf32, #tpu.memory_space<hbm>>
      %dma_wait3A_599 = tpu.memref_slice %arg7[%mul3A_2] : memref<16384xf32, #tpu.memory_space<hbm>> -> memref<512xf32, #tpu.memory_space<hbm>>
      tpu.wait_dma2 semaphore(%run_scoped3A : memref<!tpu.dma_semaphore, #tpu.memory_space<semaphore_mem>>) src(%arg17 : memref<512xf32, #tpu.memory_space<vmem>>) dst(%dma_wait3A_599 : memref<512xf32, #tpu.memory_space<hbm>>)
      tpu.yield
    }) : () -> ()
    return
  }
}

</mosaic_0001>

<sc_bundles>
// kernel: kernel.3.cloned.1.call-start
scs
__scs_entry_jumppad:
0x0: {  	(pc) =	sbr.rel $0x88, $3  }
0x1: {  	(tag) =	ssettag $0x0;
	lr =	simm.s32 $0x1  }
0x2: {  	[smem:$0x3F9C] =	sst lr;
	_ =	strace $0xD0000000  }
0x3: {  	_ = 	snop  }
0x4: {  	_ = 	snop  }
0x5: {  	_ = 	snop  }
0x6: {  	_ = 	snop  }
0x7: {  	_ = 	snop  }
__scs_overlays_trampoline_lowered:
0x8: {  	[smem:$0x3FAB] =	sst s0  }
0x9: {  	[smem:$0x3FAC] =	sst s1  }
0xa: {  	[smem:$0x3FAD] =	sst s2  }
0xb: {  	[smem:$0x3FAE] =	sst s3  }
0xc: {  	[smem:$0x3FAF] =	sst s4  }
0xd: {  	[smem:$0x3FB0] =	sst s5  }
0xe: {  	[smem:$0x3FB1] =	sst s6  }
0xf: {  	[smem:$0x3FB2] =	sst s7  }
0x10: {  	[smem:$0x3FB3] =	sst s8  }
0x11: {  	[smem:$0x3FB4] =	sst s9;
	s0 =	simm.s32 @!p0 $0x0  }
0x12: {  	s1 =	sld [smem:$0x3F9A];
	s0 =	simm.s32 @p0 $0x1  }
0x13: {  	[smem:$0x3FB5] =	sst s0;
	s0 =	simm.s32 @!p1 $0x0  }
0x14: {  	s2 =	sld [smem:$0x3F99];
	s0 =	simm.s32 @p1 $0x1  }
0x15: {  	[smem:$0x3FB6] =	sst s0;
	s0 =	simm.s32 @!p2 $0x0  }
0x16: {  	s3 =	sld [smem:$0x3FDB];
	s0 =	simm.s32 @p2 $0x1  }
0x17: {  	s4 =	simm.s32 $0x1BF5;
	[smem:$0x3FB8] =	sst s0  }
0x18: {  	s0 =	sld [smem:$0x3F9B];
	_ =	swait.ge [sflag:s4], $0x0  }
0x19: {  	s7 =	sld [smem:$0x3F9C]  }
0x1a: {  	s8 =	sadd.s32 $0xFFFFE003, lr  }
0x1b: {  	s9 =	sadd.s32 $0xFFFFFEF7, lr;
	s5 =	simm.s32 $0xFFFFFFFF;
	p2 =	slt.u32 s8, $0xFFFFF086  }
0x1c: {  	p1 =	slt.u32 s9, $0xF7A;
	s5 =	simm.s32 @!p2 $0x0  }
0x1d: {  	s5 =	simm.s32 @p1 $0x1;
	p0 =	seq.s32 s7, s2  }
0x1e: {  	s7 =	smul.u32 @!p0 $0xF7A, s2;
	p2 =	seq.s32 @!p0 s5, $0x0  }
0x1f: {  	s9 =	smul.u32 $0xF7A, s1;
	s8 =	simm.s32 @!p0 $0x1BF5;
	p2 =	por !p2, p0  }
0x20: {  	[sflag:s8] =	ssyncset.s32 @!p0 $0xFFFFF086;
	s6 =	sadd.s32 @!p0 s3, s7;
	s7 =	simm.s32 @!p0 $0x108  }
0x21: {  	s3 =	sadd.s32 s3, s9;
	s6 =	sadd.s32 @!p0 $0x88, s6;
	s7 =	simm.s32 @p2 $0x1082  }
0x22: {  	[simem:s7], [sflag:s8] =	dma.local @!p0 [hbm:s6], $0xF7A  }
0x23: {  	s9 =	sor.u32 $0xD0000000, s2;
	s6 =	simm.s32 $0x108;
	_ =	swait.ge @!p0 [sflag:s8], $0x0  }
0x24: {  	s3 =	sadd.s32 $0x88, s3;
	s6 =	simm.s32 @!p1 $0x1082;
	[sflag:s4] =	ssyncset.s32 $0xFFFFF086  }
0x25: {  	[simem:s6], [sflag:s4] =	dma.local [hbm:s3], $0xF7A  }
0x26: {  	[smem:$0x3F9C] =	sst s1;
	(tag) =	ssettag s2;
	_ =	strace s9  }
0x27: {  	s1 =	sld [smem:$0x3FAC]  }
0x28: {  	s2 =	sld [smem:$0x3FAD]  }
0x29: {  	s4 =	sld [smem:$0x3FAF]  }
0x2a: {  	p0 =	seq.s32 s5, $0x0;
	s5 =	sld [smem:$0x3FB0]  }
0x2b: {  	s6 =	sld [smem:$0x3FB1]  }
0x2c: {  	s7 =	sld [smem:$0x3FB2]  }
0x2d: {  	s3 =	simm.s32 $0x108;
	s8 =	sld [smem:$0x3FB3]  }
0x2e: {  	s3 =	simm.s32 @!p0 $0x1082;
	s9 =	sld [smem:$0x3FB4]  }
0x2f: {  	lr =	sadd.s32 s0, s3;
	s0 =	sld [smem:$0x3FAB]  }
0x30: {  	s3 =	sld [smem:$0x3FAE]  }
0x31: {  	[smem:$0x3FB7] =	sst s10  }
0x32: {  	s10 =	sld [smem:$0x3FB5];
	_ =	sdelay $0x3  }
0x33: {  	p0 =	seq.s32 s10, $0x1;
	s10 =	sld [smem:$0x3FB7];
	_ =	sdelay $0x3  }
0x34: {  	[smem:$0x3FB7] =	sst s10  }
0x35: {  	s10 =	sld [smem:$0x3FB6];
	_ =	sdelay $0x3  }
0x36: {  	p1 =	seq.s32 s10, $0x1;
	s10 =	sld [smem:$0x3FB7];
	_ =	sdelay $0x3  }
0x37: {  	[smem:$0x3FB7] =	sst s10  }
0x38: {  	s10 =	sld [smem:$0x3FB8]  }
0x39: {  	_ = 	snop;
	(pc) =	sbr.ind lr, $3  }
0x3a: {  	_ = 	snop  }
0x3b: {  	_ = 	snop  }
0x3c: {  	p2 =	seq.s32 s10, $0x1;
	s10 =	sld [smem:$0x3FB7]  }
0x3d: {  	_ =	shalt  }
0x3e: {  	_ =	shalt  }
0x3f: {  	_ =	shalt  }
0x40: {  	_ =	shalt  }
0x41: {  	_ =	shalt  }
0x42: {  	_ =	shalt  }
0x43: {  	_ =	shalt  }
0x44: {  	_ =	shalt  }
0x45: {  	_ =	shalt  }
0x46: {  	_ =	shalt  }
0x47: {  	_ =	shalt  }
0x48: {  	_ =	shalt  }
0x49: {  	_ =	shalt  }
0x4a: {  	_ =	shalt  }
0x4b: {  	_ =	shalt  }
0x4c: {  	_ =	shalt  }
0x4d: {  	_ =	shalt  }
0x4e: {  	_ =	shalt  }
0x4f: {  	_ =	shalt  }
0x50: {  	_ =	shalt  }
0x51: {  	_ =	shalt  }
0x52: {  	_ =	shalt  }
0x53: {  	_ =	shalt  }
0x54: {  	_ =	shalt  }
0x55: {  	_ =	shalt  }
0x56: {  	_ =	shalt  }
0x57: {  	_ =	shalt  }
0x58: {  	_ =	shalt  }
0x59: {  	_ =	shalt  }
0x5a: {  	_ =	shalt  }
0x5b: {  	_ =	shalt  }
0x5c: {  	_ =	shalt  }
0x5d: {  	_ =	shalt  }
0x5e: {  	_ =	shalt  }
0x5f: {  	_ =	shalt  }
0x60: {  	_ =	shalt  }
0x61: {  	_ =	shalt  }
0x62: {  	_ =	shalt  }
0x63: {  	_ =	shalt  }
0x64: {  	_ =	shalt  }
0x65: {  	_ =	shalt  }
0x66: {  	_ =	shalt  }
0x67: {  	_ =	shalt  }
0x68: {  	_ =	shalt  }
0x69: {  	_ =	shalt  }
0x6a: {  	_ =	shalt  }
0x6b: {  	_ =	shalt  }
0x6c: {  	_ =	shalt  }
0x6d: {  	_ =	shalt  }
0x6e: {  	_ =	shalt  }
0x6f: {  	_ =	shalt  }
0x70: {  	_ =	shalt  }
0x71: {  	_ =	shalt  }
0x72: {  	_ =	shalt  }
0x73: {  	_ =	shalt  }
0x74: {  	_ =	shalt  }
0x75: {  	_ =	shalt  }
0x76: {  	_ =	shalt  }
0x77: {  	_ =	shalt  }
0x78: {  	_ =	shalt  }
0x79: {  	_ =	shalt  }
0x7a: {  	_ =	shalt  }
0x7b: {  	_ =	shalt  }
0x7c: {  	_ =	shalt  }
0x7d: {  	_ =	shalt  }
0x7e: {  	_ =	shalt  }
0x7f: {  	_ =	shalt  }
0x80: {  	_ =	shalt  }
0x81: {  	_ =	shalt  }
0x82: {  	_ =	shalt  }
0x83: {  	_ =	shalt  }
0x84: {  	_ =	shalt  }
0x85: {  	_ =	shalt  }
0x86: {  	_ =	shalt  }
0x87: {  	_ =	shalt  }
.Lfunc_end0:
.L_simem_size_0:
called_computation_lowered:
.L_overlay_start_0:
0x88: {  	s2 =	sld [smem:$0x3FD9]  }
0x89: {  	s3 =	sld [smem:$0x3FFE];
	_ =	sdelay $0x1  }
0x8a: {  	s1 =	srdreg.scid  }
0x8b: {  	s0 =	sand.u32 $0x1, s1  }
0x8c: {  	s18 =	sshll.u32 s0, $0xA;
	s2 =	sadd.s32 s3, s2  }
0x8d: {  	s2 =	sadd.s32 s2, s18  }
0x8e: {  	[smem:$0x3FC3] =	sst s2  }
0x8f: {  	_ = 	snop  }
0x90: {  	s2 =	sld [smem:$0x3FC9]  }
0x91: {  	s19 =	sld [smem:$0x3FC8]  }
0x92: {  	s4 =	sld [smem:$0x3FC7]  }
0x93: {  	s5 =	sld [smem:$0x3FC6]  }
0x94: {  	s6 =	sld [smem:$0x3FC5]  }
0x95: {  	s7 =	sld [smem:$0x3FD0];
	(tm) =	ssettm $0x1  }
0x96: {  	s8 =	sld [smem:$0x3FFB];
	_ =	sdelay $0x3  }
0x97: {  	_ =	strace s8  }
0x98: {  	s8 =	sld [smem:$0x3FFC];
	_ =	sdelay $0x3  }
0x99: {  	_ =	strace s8  }
0x9a: {  	s8 =	sld [smem:$0x3FFD];
	_ =	sdelay $0x3  }
0x9b: {  	_ =	strace s8  }
0x9c: {  	_ =	strace $0x8FFFFFFF  }
0x9d: {  	s20 =	sld [smem:$0x3FDB];
	_ =	sdelay $0x1  }
0x9e: {  	s9 =	simm.s32 $_scs_section_size  }
0x9f: {  	s10 =	simm.s32 $_size__tile_overlayer_lowered;
	s11 =	simm.s32 $_tile_overlayer_lowered  }
0xa0: {  	s23 =	simm.s32 $0x1BFF;
	s22 =	sshll.u32 s11, $0x1;
	s8 =	sadd.s32 s9, s20  }
0xa1: {  	s12 =	simm.s32 $0x0;
	s21 =	sshll.u32 s10, $0x1;
	s10 =	sadd.s32 s22, s8  }
0xa2: {  	[timem:s12], [sflag:s23] =	dma.local [hbm:s10], s21  }
0xa3: {  	_ =	swait.ge [sflag:s23], s21  }
0xa4: {  	s9 =	ssub.s32 $0x0, s21;
	[sflag:s23] =	ssyncset.done $0x0  }
0xa5: {  	[sflag:s23] =	ssyncadd.s32 s9;
	_ =	sdelay $0x1  }
0xa6: {  	s24 =	simm.s32 $0x1B8B  }
0xa7: {  	_ =	swait.ge [sflag:s24], $0x1  }
0xa8: {  	[sflag:s24] =	ssyncset.done $0x0  }
0xa9: {  	s25 =	simm.s32 $0x1B8E;
	[sflag:s24] =	ssyncadd.s32 $0xFFFFFFFF  }
0xaa: {  	s26 =	simm.s32 $execute0_lowered;
	[smem:$0x3FD2] =	sst s25  }
0xab: {  	s9 =	sshll.u32 s26, $0x1;
	_ =	strace $0x80000046;
	[dreg:$0x1] =	wrdreg $0xFFFFFFFF  }
0xac: {  	s28 =	simm.s32 $_size_execute0_lowered;
	s8 =	sadd.s32 s8, s9;
	[dreg:$0x0] =	wrdreg $0x0  }
0xad: {  	s9 =	sshll.u32 s28, $0x1;
	[dreg:$0x2] =	wrdreg s8  }
0xae: {  	[dreg:$0x3] =	wrdreg s9  }
0xaf: {  	[dreg:$0x4] =	wrdreg $0xC0  }
0xb0: {  	_ =	task [dreg:s12], $0x5FFFF  }
0xb1: {  	[dreg:$0x1] =	wrdreg $0xFFFFFFFF  }
0xb2: {  	[dreg:$0x0] =	wrdreg $0x60  }
0xb3: {  	[dreg:$0x2] =	wrdreg s2  }
0xb4: {  	[dreg:$0x3] =	wrdreg s4  }
0xb5: {  	[dreg:$0x4] =	wrdreg s19  }
0xb6: {  	[dreg:$0x5] =	wrdreg s5  }
0xb7: {  	[dreg:$0x6] =	wrdreg s6  }
0xb8: {  	[dreg:$0x7] =	wrdreg s7  }
0xb9: {  	[dreg:$0x8] =	wrdreg $0x9  }
0xba: {  	_ =	task.clear_ibuf [dreg:s12], $0x9FFFF;
	_ =	strace $0x90000046  }
0xbb: {  	s29 =	simm.s32 $0x9;
	_ =	strace $0x80000048  }
0xbc: {  	_ =	swait.ge [sflag:s29], $0x1  }
0xbd: {  	[sflag:s29] =	ssyncadd.s32 $0xFFFFFFFF  }
0xbe: {  	_ =	strace $0x90000048  }
0xbf: {  	_ =	sfence  }
0xc0: {  	s30 =	sld [smem:$0x0];
	_ =	sdelay $0x2  }
0xc1: {  	s31 =	sshll.u32 s1, $0xD;
	s1 =	sshrl.u32 s1, $0x2  }
0xc2: {  	s3 =	sand.u32 $0x4000, s31;
	s1 =	sadd.s32 s1, s30  }
0xc3: {  	s0 =	sor.u32 s3, s0;
	s1 =	sshll.u32 s1, $0x11  }
0xc4: {  	s0 =	sor.u32 s1, s0  }
0xc5: {  	s0 =	sadd.s32 $0x8F2B, s0  }
0xc6: {  	[sflag:s0] =	ssyncadd.remote.s32 $0x1  }
0xc7: {  	_ =	sfence.sel $0xFFFF  }
0xc8: {  	[dreg:$0x0] =	wrdreg $0xFFFFFFFF;
	(pc) =	sbr.abs _section_cstart, $3  }
0xc9: {  	[dreg:$0x1] =	wrdreg $0xFFFFFFFF  }
0xca: {  	_ =	task.clear_ibuf [dreg:s12], $0x2FFFF;
	_ =	strace $0x9FFFFFFF  }
0xcb: {  	(tm) =	ssettm $0x7FFFFFFF  }
tec
execute0_lowered:
.L_overlay_start_1:
0x0: {  	(tag) =	ssettag $0x1  }
0x1: {  	s0 =	rddreg [dreg:$0x0]  }
0x2: {  	s3 =	rddreg [dreg:$0x1]  }
0x3: {  	s7 =	rddreg [dreg:$0x2]  }
0x4: {  	s1 =	rddreg [dreg:$0x3]  }
0x5: {  	s2 =	rddreg [dreg:$0x4]  }
0x6: {  	s8 =	rddreg [dreg:$0x5];
	s5 =	srdreg.scid;
	s4 =	simm.s32 $0x0  }
0x7: {  	s10 =	stileid.u32;
	s11 =	simm.s32 $0x400;
	s12 =	simm.s32 $0x1  }
0x8: {  	s13 =	simm.s32 $0x40;
	s14 =	simm.s32 $0x600;
	s15 =	simm.s32 $0x2600  }
0x9: {  	s16 =	simm.s32 $0x4600;
	s17 =	simm.s32 $0x6600;
	s19 =	simm.s32 $0x8600  }
0xa: {  	s21 =	simm.s32 $0xA600;
	s22 =	simm.s32 $0xC600;
	s26 =	simm.s32 $0x2  }
0xb: {  	s28 =	simm.s32 $0x580;
	s29 =	simm.s32 $0x1C0;
	s30 =	simm.s32 $0x3C0  }
0xc: {  	s31 =	simm.s32 $0x5C0;
	s5 =	sand.u32 $0x1, s5;
	[smem:$0x7FF] =	sst s4  }
0xd: {  	s10 =	sshll.u32 s10, $0x7;
	s6 =	ssub.s32 $0x2, s5;
	s5 =	sshll.u32 s5, $0x6  }
0xe: {  	_ =	strace $0x80000047;
	s9 =	sshrl.u32 s6, $0x1;
	s10 =	sor.u32 s5, s10  }
0xf: {  	s9 =	ssub.s32 s6, s9;
	s5 =	sadd.s32 s0, s10;
	s6 =	sadd.s32 s3, s10  }
0x10: {  	s7 =	sadd.s32 s7, s10;
	s8 =	sadd.s32 s8, s10;
	s10 =	simm.s32 $0x200  }
0x11: {  	v0 =	vimm.f32 $0.0e+00;
	vm0 =	vcmask $0x3F3C;
	s0 =	simm.s32 $0x3;
	s3 =	simm.s32 $0x0;
	s9 =	smax.u32 s9, $0x1  }
.LBB2_1:
0x12: {  	[tilespmem:s4], [sflag:$0x1] =	stream.linear.gather [hbm4b:s5+s4], $0x200, $0x38;
	[tilespmem:$0xC800] =	vst v63  }
0x13: {  	_ = 	snop  }
0x14: {  	[tilespmem:s10], [sflag:$0x1] =	stream.linear.gather [hbm4b:s6+s4], $0x200, $0x38;
	[tilespmem:$0xC800] =	vst v63  }
0x15: {  	_ = 	snop  }
0x16: {  	[tilespmem:s11], [sflag:$0x1] =	stream.linear.gather [hbm4b:s7+s4], $0x200, $0x38;
	[tilespmem:$0xC800] =	vst v63  }
0x17: {  	[tilespmem:$0xC600] =	vst v0  }
0x18: {  	[tilespmem:$0xC610] =	vst v0  }
0x19: {  	[tilespmem:$0xC620] =	vst v0  }
0x1a: {  	[tilespmem:$0xC630] =	vst v0  }
0x1b: {  	[tilespmem:$0xC640] =	vst v0  }
0x1c: {  	[tilespmem:$0xC650] =	vst v0  }
0x1d: {  	[tilespmem:$0xC660] =	vst v0  }
0x1e: {  	[tilespmem:$0xC670] =	vst v0  }
0x1f: {  	[tilespmem:$0xC680] =	vst v0  }
0x20: {  	[tilespmem:$0xC690] =	vst v0  }
0x21: {  	[tilespmem:$0xC6A0] =	vst v0  }
0x22: {  	[tilespmem:$0xC6B0] =	vst v0  }
0x23: {  	[tilespmem:$0xC6C0] =	vst v0  }
0x24: {  	[tilespmem:$0xC6D0] =	vst v0  }
0x25: {  	[tilespmem:$0xC6E0] =	vst v0  }
0x26: {  	[tilespmem:$0xC6F0] =	vst v0  }
0x27: {  	[tilespmem:$0xC700] =	vst v0  }
0x28: {  	[tilespmem:$0xC710] =	vst v0  }
0x29: {  	[tilespmem:$0xC720] =	vst v0  }
0x2a: {  	[tilespmem:$0xC730] =	vst v0  }
0x2b: {  	[tilespmem:$0xC740] =	vst v0  }
0x2c: {  	[tilespmem:$0xC750] =	vst v0  }
0x2d: {  	[tilespmem:$0xC760] =	vst v0  }
0x2e: {  	[tilespmem:$0xC770] =	vst v0  }
0x2f: {  	[tilespmem:$0xC780] =	vst v0  }
0x30: {  	[tilespmem:$0xC790] =	vst v0  }
0x31: {  	[tilespmem:$0xC7A0] =	vst v0  }
0x32: {  	[tilespmem:$0xC7B0] =	vst v0  }
0x33: {  	[tilespmem:$0xC7C0] =	vst v0  }
0x34: {  	[tilespmem:$0xC7D0] =	vst v0  }
0x35: {  	[tilespmem:$0xC7E0] =	vst v0  }
0x36: {  	[tilespmem:$0xC7F0] =	vst v0  }
0x37: {  	_ =	swait.ge [sflag:s12], $0x200  }
0x38: {  	[sflag:s12] =	ssyncset.done $0x0  }
0x39: {  	[sflag:s12] =	ssyncadd.s32 $0xFFFFFE00  }
0x3a: {  	_ =	swait.ge [sflag:s12], $0x200  }
0x3b: {  	[sflag:s12] =	ssyncset.done $0x0  }
0x3c: {  	[sflag:s12] =	ssyncadd.s32 $0xFFFFFE00  }
0x3d: {  	_ =	swait.ge [sflag:s12], $0x200  }
0x3e: {  	[sflag:s12] =	ssyncset.done $0x0  }
0x3f: {  	[sflag:s12] =	ssyncadd.s32 $0xFFFFFE00  }
0x40: {  	[tilespmem:s14], [sflag:$0x1] =	stream.indirect.gather [hbm4b:s1+s13], $0x80, s4, s13, $0xb8;
	[tilespmem:$0xC800] =	vst v63  }
0x41: {  	_ = 	snop  }
0x42: {  	[tilespmem:s15], [sflag:$0x1] =	stream.indirect.gather [hbm4b:s1+s13], $0x80, s10, s13, $0xb8;
	[tilespmem:$0xC800] =	vst v63  }
0x43: {  	_ = 	snop  }
0x44: {  	[tilespmem:s16], [sflag:$0x1] =	stream.indirect.gather [hbm4b:s2+s13], $0x80, s11, s13, $0xb8;
	[tilespmem:$0xC800] =	vst v63  }
0x45: {  	_ = 	snop  }
0x46: {  	[tilespmem:s17], [sflag:$0x2] =	stream.indirect.gather [hbm4b:s1+s13], $0x80, s13, s13, $0xb8;
	[tilespmem:$0xC800] =	vst v63  }
0x47: {  	s18 =	simm.s32 $0x240  }
0x48: {  	[tilespmem:s19], [sflag:$0x2] =	stream.indirect.gather [hbm4b:s1+s13], $0x80, s18, s13, $0xb8;
	[tilespmem:$0xC800] =	vst v63  }
0x49: {  	s25 =	simm.s32 $0x440  }
0x4a: {  	[tilespmem:s21], [sflag:$0x2] =	stream.indirect.gather [hbm4b:s2+s13], $0x80, s25, s13, $0xb8;
	[tilespmem:$0xC800] =	vst v63  }
0x4b: {  	_ =	swait.ge [sflag:s12], $0x2000  }
0x4c: {  	[sflag:s12] =	ssyncset.done $0x0  }
0x4d: {  	[sflag:s12] =	ssyncadd.s32 $0xFFFFE000  }
0x4e: {  	_ =	swait.ge [sflag:s12], $0x2000  }
0x4f: {  	[sflag:s12] =	ssyncset.done $0x0  }
0x50: {  	[sflag:s12] =	ssyncadd.s32 $0xFFFFE000  }
0x51: {  	_ =	swait.ge [sflag:s12], $0x2000  }
0x52: {  	[sflag:s12] =	ssyncset.done $0x0  }
0x53: {  	s18 =	simm.s32 $0x4640;
	[sflag:s12] =	ssyncadd.s32 $0xFFFFE000  }
0x54: {  	v4 =	vld [tilespmem:s18+$0xFFFFFFC0]  }
0x55: {  	v6 =	vld [tilespmem:s18+$0xFFFFFFD0]  }
0x56: {  	v3 =	vld [tilespmem:s18+$0xFFFFFFE0]  }
0x57: {  	v5 =	vld [tilespmem:s18+$0xFFFFFFF0]  }
0x58: {  	v1 =	vld [tilespmem:s18+$0x0]  }
0x59: {  	s23 =	simm.s32 $0x2640;
	v2 =	vld [tilespmem:s18+$0x10]  }
0x5a: {  	s24 =	simm.s32 $0x640;
	v18 =	vld [tilespmem:s23+$0xFFFFFFC0]  }
0x5b: {  	v19 =	vld [tilespmem:s24+$0xFFFFFFC0]  }
0x5c: {  	v20 =	vld [tilespmem:s24+$0xFFFFFFD0]  }
0x5d: {  	v21 =	vld [tilespmem:s23+$0xFFFFFFD0]  }
0x5e: {  	v10 =	vld [tilespmem:s24+$0xFFFFFFE0]  }
0x5f: {  	v13 =	vld [tilespmem:s23+$0xFFFFFFE0]  }
0x60: {  	v15 =	vld [tilespmem:s24+$0xFFFFFFF0]  }
0x61: {  	v17 =	vld [tilespmem:s23+$0xFFFFFFF0]  }
0x62: {  	v7 =	vld [tilespmem:s24+$0x0]  }
0x63: {  	v8 =	vld [tilespmem:s23+$0x0]  }
0x64: {  	v9 =	vld [tilespmem:s24+$0x10]  }
0x65: {  	v11 =	vld [tilespmem:s23+$0x10]  }
0x66: {  	v12 =	vld [tilespmem:s24+$0x20]  }
0x67: {  	v14 =	vld [tilespmem:s23+$0x20]  }
0x68: {  	v16 =	vld [tilespmem:s24+$0x30]  }
0x69: {  	s20 =	simm.s32 $0x0;
	s25 =	simm.s32 $0x1;
	v19 =	vmul.f32 v18, v19;
	v20 =	vmul.f32 v21, v20;
	v18 =	vld [tilespmem:s23+$0x30]  }
.LBB2_2:
0x6a: {  	p0 =	sne.s32 s25, $0x3F;
	v10 =	vmul.f32 v13, v10;
	v13 =	vmul.f32 v17, v15;
	v15 =	vld [tilespmem:s18+$0x20]  }
0x6b: {  	v4 =	vmul.f32 v4, v19;
	v6 =	vmul.f32 v6, v20;
	v17 =	vld [tilespmem:s18+$0x30]  }
0x6c: {  	v3 =	vmul.f32 v3, v10;
	v5 =	vmul.f32 v5, v13  }
0x6d: {  	v7 =	vmul.f32 v8, v7;
	v8 =	vmul.f32 v11, v9  }
0x6e: {  	v9 =	vmul.f32 v14, v12;
	v10 =	vmul.f32 v18, v16  }
0x6f: {  	v1 =	vmul.f32 v1, v7;
	v2 =	vmul.f32 v2, v8  }
0x70: {  	v7 =	vmul.f32 v15, v9;
	v8 =	vmul.f32 v17, v10  }
0x71: {  	v4 =	vadd.f32 v6, v4;
	v3 =	vadd.f32 v5, v3  }
0x72: {  	v1 =	vadd.f32 v2, v1;
	v2 =	vadd.f32 v8, v7;
	_ =	sdelay $0x1  }
0x73: {  	v3 =	vadd.f32 v3, v4;
	v1 =	vadd.f32 v2, v1;
	_ =	sdelay $0x1  }
0x74: {  	v1 =	vadd.f32 v1, v3;
	_ =	sdelay $0x1  }
0x75: {  	(xrf2) =	vadd.scan.msk.f32 $0xffff, v1;
	_ =	sdelay $0x5  }
0x76: {  	v1 =	vmov s20;
	s20 =	smov.u32 s25;
	_ =	sdelay $0x3  }
0x77: {  	v2, _, _ =	vpop (xrf2)  }
0x78: {  	s18 =	sadd.s32 $0x80, s18;
	[tilespmem:v1+s22+$0x0] =	vst.idx.add.f32.msk vm0, v2  }
0x79: {  	v4 =	vld [tilespmem:s18+$0xFFFFFFC0]  }
0x7a: {  	v6 =	vld [tilespmem:s18+$0xFFFFFFD0]  }
0x7b: {  	v3 =	vld [tilespmem:s18+$0xFFFFFFE0]  }
0x7c: {  	v5 =	vld [tilespmem:s18+$0xFFFFFFF0]  }
0x7d: {  	v1 =	vld [tilespmem:s18+$0x0]  }
0x7e: {  	s23 =	sadd.s32 $0x80, s23;
	v2 =	vld [tilespmem:s18+$0x10]  }
0x7f: {  	s24 =	sadd.s32 $0x80, s24;
	v18 =	vld [tilespmem:s23+$0xFFFFFFC0]  }
0x80: {  	v19 =	vld [tilespmem:s24+$0xFFFFFFC0]  }
0x81: {  	v20 =	vld [tilespmem:s24+$0xFFFFFFD0]  }
0x82: {  	v21 =	vld [tilespmem:s23+$0xFFFFFFD0]  }
0x83: {  	v10 =	vld [tilespmem:s24+$0xFFFFFFE0]  }
0x84: {  	v13 =	vld [tilespmem:s23+$0xFFFFFFE0]  }
0x85: {  	v15 =	vld [tilespmem:s24+$0xFFFFFFF0]  }
0x86: {  	v17 =	vld [tilespmem:s23+$0xFFFFFFF0]  }
0x87: {  	v7 =	vld [tilespmem:s24+$0x0]  }
0x88: {  	v8 =	vld [tilespmem:s23+$0x0]  }
0x89: {  	v9 =	vld [tilespmem:s24+$0x10]  }
.Ltmp0:
0x8a: {  	v11 =	vld [tilespmem:s23+$0x10];
	(pc) =	sbr.rel @p0 .LBB2_2-.Ltmp0, $4  }
0x8b: {  	v12 =	vld [tilespmem:s24+$0x20]  }
0x8c: {  	v14 =	vld [tilespmem:s23+$0x20]  }
0x8d: {  	v16 =	vld [tilespmem:s24+$0x30]  }
0x8e: {  	s25 =	sadd.s32 $0x1, s25;
	v19 =	vmul.f32 v18, v19;
	v20 =	vmul.f32 v21, v20;
	v18 =	vld [tilespmem:s23+$0x30]  }
0x8f: {  	v10 =	vmul.f32 v13, v10;
	v13 =	vmul.f32 v17, v15;
	v15 =	vld [tilespmem:s18+$0x20]  }
0x90: {  	v17 =	vld [tilespmem:s18+$0x30];
	v7 =	vmul.f32 v8, v7;
	v8 =	vmul.f32 v11, v9  }
0x91: {  	v4 =	vmul.f32 v4, v19;
	v6 =	vmul.f32 v6, v20  }
0x92: {  	v3 =	vmul.f32 v3, v10;
	v5 =	vmul.f32 v5, v13  }
0x93: {  	v9 =	vmul.f32 v14, v12;
	v10 =	vmul.f32 v18, v16  }
0x94: {  	v1 =	vmul.f32 v1, v7;
	v2 =	vmul.f32 v2, v8  }
0x95: {  	v7 =	vmul.f32 v15, v9;
	v8 =	vmul.f32 v17, v10  }
0x96: {  	v4 =	vadd.f32 v6, v4;
	v3 =	vadd.f32 v5, v3  }
0x97: {  	v1 =	vadd.f32 v2, v1;
	v2 =	vadd.f32 v8, v7;
	_ =	sdelay $0x1  }
0x98: {  	v3 =	vadd.f32 v3, v4;
	v1 =	vadd.f32 v2, v1;
	_ =	sdelay $0x1  }
0x99: {  	v1 =	vadd.f32 v1, v3;
	_ =	sdelay $0x1  }
0x9a: {  	(xrf2) =	vadd.scan.msk.f32 $0xffff, v1;
	_ =	sdelay $0x5  }
0x9b: {  	v1 =	vmov s20;
	_ =	sdelay $0x3  }
0x9c: {  	v2, _, _ =	vpop (xrf2)  }
0x9d: {  	s18 =	simm.s32 $0x40;
	s23 =	simm.s32 $0x80;
	[tilespmem:v1+s22+$0x0] =	vst.idx.add.f32.msk vm0, v2  }
0x9e: {  	[tilespmem:s14], [sflag:$0x1] =	stream.indirect.gather [hbm4b:s1+s18], $0x80, s23, s18, $0xb8;
	[tilespmem:$0xC800] =	vst v63  }
0x9f: {  	s24 =	simm.s32 $0x280  }
0xa0: {  	[tilespmem:s15], [sflag:$0x1] =	stream.indirect.gather [hbm4b:s1+s18], $0x80, s24, s18, $0xb8;
	[tilespmem:$0xC800] =	vst v63  }
0xa1: {  	s25 =	simm.s32 $0x480  }
0xa2: {  	[tilespmem:s16], [sflag:$0x1] =	stream.indirect.gather [hbm4b:s2+s18], $0x80, s25, s18, $0xb8;
	[tilespmem:$0xC800] =	vst v63  }
0xa3: {  	_ =	swait.ge [sflag:s26], $0x2000  }
0xa4: {  	[sflag:s26] =	ssyncset.done $0x0  }
0xa5: {  	[sflag:s26] =	ssyncadd.s32 $0xFFFFE000  }
0xa6: {  	_ =	swait.ge [sflag:s26], $0x2000  }
0xa7: {  	[sflag:s26] =	ssyncset.done $0x0  }
0xa8: {  	[sflag:s26] =	ssyncadd.s32 $0xFFFFE000  }
0xa9: {  	_ =	swait.ge [sflag:s26], $0x2000  }
0xaa: {  	[sflag:s26] =	ssyncset.done $0x0  }
0xab: {  	s20 =	simm.s32 $0xA640;
	[sflag:s26] =	ssyncadd.s32 $0xFFFFE000  }
0xac: {  	v4 =	vld [tilespmem:s20+$0xFFFFFFC0]  }
0xad: {  	v6 =	vld [tilespmem:s20+$0xFFFFFFD0]  }
0xae: {  	v3 =	vld [tilespmem:s20+$0xFFFFFFE0]  }
0xaf: {  	v5 =	vld [tilespmem:s20+$0xFFFFFFF0]  }
0xb0: {  	v1 =	vld [tilespmem:s20+$0x0]  }
0xb1: {  	s23 =	simm.s32 $0x8640;
	v2 =	vld [tilespmem:s20+$0x10]  }
0xb2: {  	s24 =	simm.s32 $0x6640;
	v18 =	vld [tilespmem:s23+$0xFFFFFFC0]  }
0xb3: {  	v19 =	vld [tilespmem:s24+$0xFFFFFFC0]  }
0xb4: {  	v20 =	vld [tilespmem:s24+$0xFFFFFFD0]  }
0xb5: {  	v21 =	vld [tilespmem:s23+$0xFFFFFFD0]  }
0xb6: {  	v10 =	vld [tilespmem:s24+$0xFFFFFFE0]  }
0xb7: {  	v13 =	vld [tilespmem:s23+$0xFFFFFFE0]  }
0xb8: {  	v15 =	vld [tilespmem:s24+$0xFFFFFFF0]  }
0xb9: {  	v17 =	vld [tilespmem:s23+$0xFFFFFFF0]  }
0xba: {  	v7 =	vld [tilespmem:s24+$0x0]  }
0xbb: {  	v8 =	vld [tilespmem:s23+$0x0]  }
0xbc: {  	v9 =	vld [tilespmem:s24+$0x10]  }
0xbd: {  	v11 =	vld [tilespmem:s23+$0x10]  }
0xbe: {  	v12 =	vld [tilespmem:s24+$0x20]  }
0xbf: {  	v14 =	vld [tilespmem:s23+$0x20]  }
0xc0: {  	v16 =	vld [tilespmem:s24+$0x30]  }
0xc1: {  	s25 =	simm.s32 $0x41;
	v19 =	vmul.f32 v18, v19;
	v20 =	vmul.f32 v21, v20;
	v18 =	vld [tilespmem:s23+$0x30]  }
.LBB2_4:
0xc2: {  	p0 =	sne.s32 s25, $0x7F;
	v10 =	vmul.f32 v13, v10;
	v13 =	vmul.f32 v17, v15;
	v15 =	vld [tilespmem:s20+$0x20]  }
0xc3: {  	v4 =	vmul.f32 v4, v19;
	v6 =	vmul.f32 v6, v20;
	v17 =	vld [tilespmem:s20+$0x30]  }
0xc4: {  	v3 =	vmul.f32 v3, v10;
	v5 =	vmul.f32 v5, v13  }
0xc5: {  	v7 =	vmul.f32 v8, v7;
	v8 =	vmul.f32 v11, v9  }
0xc6: {  	v9 =	vmul.f32 v14, v12;
	v10 =	vmul.f32 v18, v16  }
0xc7: {  	v1 =	vmul.f32 v1, v7;
	v2 =	vmul.f32 v2, v8  }
0xc8: {  	v7 =	vmul.f32 v15, v9;
	v8 =	vmul.f32 v17, v10  }
0xc9: {  	v4 =	vadd.f32 v6, v4;
	v3 =	vadd.f32 v5, v3  }
0xca: {  	v1 =	vadd.f32 v2, v1;
	v2 =	vadd.f32 v8, v7;
	_ =	sdelay $0x1  }
0xcb: {  	v3 =	vadd.f32 v3, v4;
	v1 =	vadd.f32 v2, v1;
	_ =	sdelay $0x1  }
0xcc: {  	v1 =	vadd.f32 v1, v3;
	_ =	sdelay $0x1  }
0xcd: {  	(xrf2) =	vadd.scan.msk.f32 $0xffff, v1;
	_ =	sdelay $0x5  }
0xce: {  	v1 =	vmov s18;
	s18 =	smov.u32 s25;
	_ =	sdelay $0x3  }
0xcf: {  	v2, _, _ =	vpop (xrf2)  }
0xd0: {  	s20 =	sadd.s32 $0x80, s20;
	[tilespmem:v1+s22+$0x0] =	vst.idx.add.f32.msk vm0, v2  }
0xd1: {  	v4 =	vld [tilespmem:s20+$0xFFFFFFC0]  }
0xd2: {  	v6 =	vld [tilespmem:s20+$0xFFFFFFD0]  }
0xd3: {  	v3 =	vld [tilespmem:s20+$0xFFFFFFE0]  }
0xd4: {  	v5 =	vld [tilespmem:s20+$0xFFFFFFF0]  }
0xd5: {  	v1 =	vld [tilespmem:s20+$0x0]  }
0xd6: {  	s23 =	sadd.s32 $0x80, s23;
	v2 =	vld [tilespmem:s20+$0x10]  }
0xd7: {  	s24 =	sadd.s32 $0x80, s24;
	v18 =	vld [tilespmem:s23+$0xFFFFFFC0]  }
0xd8: {  	v19 =	vld [tilespmem:s24+$0xFFFFFFC0]  }
0xd9: {  	v20 =	vld [tilespmem:s24+$0xFFFFFFD0]  }
0xda: {  	v21 =	vld [tilespmem:s23+$0xFFFFFFD0]  }
0xdb: {  	v10 =	vld [tilespmem:s24+$0xFFFFFFE0]  }
0xdc: {  	v13 =	vld [tilespmem:s23+$0xFFFFFFE0]  }
0xdd: {  	v15 =	vld [tilespmem:s24+$0xFFFFFFF0]  }
0xde: {  	v17 =	vld [tilespmem:s23+$0xFFFFFFF0]  }
0xdf: {  	v7 =	vld [tilespmem:s24+$0x0]  }
0xe0: {  	v8 =	vld [tilespmem:s23+$0x0]  }
0xe1: {  	v9 =	vld [tilespmem:s24+$0x10]  }
.Ltmp1:
0xe2: {  	v11 =	vld [tilespmem:s23+$0x10];
	(pc) =	sbr.rel @p0 .LBB2_4-.Ltmp1, $4  }
0xe3: {  	v12 =	vld [tilespmem:s24+$0x20]  }
0xe4: {  	v14 =	vld [tilespmem:s23+$0x20]  }
0xe5: {  	v16 =	vld [tilespmem:s24+$0x30]  }
0xe6: {  	s25 =	sadd.s32 $0x1, s25;
	v19 =	vmul.f32 v18, v19;
	v20 =	vmul.f32 v21, v20;
	v18 =	vld [tilespmem:s23+$0x30]  }
0xe7: {  	v10 =	vmul.f32 v13, v10;
	v13 =	vmul.f32 v17, v15;
	v15 =	vld [tilespmem:s20+$0x20]  }
0xe8: {  	v17 =	vld [tilespmem:s20+$0x30];
	v7 =	vmul.f32 v8, v7;
	v8 =	vmul.f32 v11, v9  }
0xe9: {  	v4 =	vmul.f32 v4, v19;
	v6 =	vmul.f32 v6, v20  }
0xea: {  	v3 =	vmul.f32 v3, v10;
	v5 =	vmul.f32 v5, v13  }
0xeb: {  	v9 =	vmul.f32 v14, v12;
	v10 =	vmul.f32 v18, v16  }
0xec: {  	v1 =	vmul.f32 v1, v7;
	v2 =	vmul.f32 v2, v8  }
0xed: {  	v7 =	vmul.f32 v15, v9;
	v8 =	vmul.f32 v17, v10  }
0xee: {  	v4 =	vadd.f32 v6, v4;
	v3 =	vadd.f32 v5, v3  }
0xef: {  	v1 =	vadd.f32 v2, v1;
	v2 =	vadd.f32 v8, v7;
	_ =	sdelay $0x1  }
0xf0: {  	v3 =	vadd.f32 v3, v4;
	v1 =	vadd.f32 v2, v1;
	_ =	sdelay $0x1  }
0xf1: {  	v1 =	vadd.f32 v1, v3;
	_ =	sdelay $0x1  }
0xf2: {  	(xrf2) =	vadd.scan.msk.f32 $0xffff, v1;
	_ =	sdelay $0x5  }
0xf3: {  	v1 =	vmov s18;
	_ =	sdelay $0x3  }
0xf4: {  	v2, _, _ =	vpop (xrf2)  }
0xf5: {  	s23 =	simm.s32 $0xC0;
	[tilespmem:v1+s22+$0x0] =	vst.idx.add.f32.msk vm0, v2  }
0xf6: {  	[tilespmem:s17], [sflag:$0x2] =	stream.indirect.gather [hbm4b:s1+s13], $0x80, s23, s13, $0xb8;
	[tilespmem:$0xC800] =	vst v63  }
0xf7: {  	s24 =	simm.s32 $0x2C0  }
0xf8: {  	[tilespmem:s19], [sflag:$0x2] =	stream.indirect.gather [hbm4b:s1+s13], $0x80, s24, s13, $0xb8;
	[tilespmem:$0xC800] =	vst v63  }
0xf9: {  	s25 =	simm.s32 $0x4C0  }
0xfa: {  	[tilespmem:s21], [sflag:$0x2] =	stream.indirect.gather [hbm4b:s2+s13], $0x80, s25, s13, $0xb8;
	[tilespmem:$0xC800] =	vst v63  }
0xfb: {  	_ =	swait.ge [sflag:s12], $0x2000  }
0xfc: {  	[sflag:s12] =	ssyncset.done $0x0  }
0xfd: {  	[sflag:s12] =	ssyncadd.s32 $0xFFFFE000  }
0xfe: {  	_ =	swait.ge [sflag:s12], $0x2000  }
0xff: {  	[sflag:s12] =	ssyncset.done $0x0  }
0x100: {  	[sflag:s12] =	ssyncadd.s32 $0xFFFFE000  }
0x101: {  	_ =	swait.ge [sflag:s12], $0x2000  }
0x102: {  	[sflag:s12] =	ssyncset.done $0x0  }
0x103: {  	s18 =	simm.s32 $0x4640;
	[sflag:s12] =	ssyncadd.s32 $0xFFFFE000  }
0x104: {  	v4 =	vld [tilespmem:s18+$0xFFFFFFC0]  }
0x105: {  	v6 =	vld [tilespmem:s18+$0xFFFFFFD0]  }
0x106: {  	v3 =	vld [tilespmem:s18+$0xFFFFFFE0]  }
0x107: {  	v5 =	vld [tilespmem:s18+$0xFFFFFFF0]  }
0x108: {  	v1 =	vld [tilespmem:s18+$0x0]  }
0x109: {  	s23 =	simm.s32 $0x2640;
	v2 =	vld [tilespmem:s18+$0x10]  }
0x10a: {  	s24 =	simm.s32 $0x640;
	v18 =	vld [tilespmem:s23+$0xFFFFFFC0]  }
0x10b: {  	v19 =	vld [tilespmem:s24+$0xFFFFFFC0]  }
0x10c: {  	v20 =	vld [tilespmem:s24+$0xFFFFFFD0]  }
0x10d: {  	v21 =	vld [tilespmem:s23+$0xFFFFFFD0]  }
0x10e: {  	v10 =	vld [tilespmem:s24+$0xFFFFFFE0]  }
0x10f: {  	v13 =	vld [tilespmem:s23+$0xFFFFFFE0]  }
0x110: {  	v15 =	vld [tilespmem:s24+$0xFFFFFFF0]  }
0x111: {  	v17 =	vld [tilespmem:s23+$0xFFFFFFF0]  }
0x112: {  	v7 =	vld [tilespmem:s24+$0x0]  }
0x113: {  	v8 =	vld [tilespmem:s23+$0x0]  }
0x114: {  	v9 =	vld [tilespmem:s24+$0x10]  }
0x115: {  	v11 =	vld [tilespmem:s23+$0x10]  }
0x116: {  	v12 =	vld [tilespmem:s24+$0x20]  }
0x117: {  	v14 =	vld [tilespmem:s23+$0x20]  }
0x118: {  	v16 =	vld [tilespmem:s24+$0x30]  }
0x119: {  	s20 =	simm.s32 $0x80;
	s25 =	simm.s32 $0x81;
	v19 =	vmul.f32 v18, v19;
	v20 =	vmul.f32 v21, v20;
	v18 =	vld [tilespmem:s23+$0x30]  }
.LBB2_6:
0x11a: {  	p0 =	sne.s32 s25, $0xBF;
	v10 =	vmul.f32 v13, v10;
	v13 =	vmul.f32 v17, v15;
	v15 =	vld [tilespmem:s18+$0x20]  }
0x11b: {  	v4 =	vmul.f32 v4, v19;
	v6 =	vmul.f32 v6, v20;
	v17 =	vld [tilespmem:s18+$0x30]  }
0x11c: {  	v3 =	vmul.f32 v3, v10;
	v5 =	vmul.f32 v5, v13  }
0x11d: {  	v7 =	vmul.f32 v8, v7;
	v8 =	vmul.f32 v11, v9  }
0x11e: {  	v9 =	vmul.f32 v14, v12;
	v10 =	vmul.f32 v18, v16  }
0x11f: {  	v1 =	vmul.f32 v1, v7;
	v2 =	vmul.f32 v2, v8  }
0x120: {  	v7 =	vmul.f32 v15, v9;
	v8 =	vmul.f32 v17, v10  }
0x121: {  	v4 =	vadd.f32 v6, v4;
	v3 =	vadd.f32 v5, v3  }
0x122: {  	v1 =	vadd.f32 v2, v1;
	v2 =	vadd.f32 v8, v7;
	_ =	sdelay $0x1  }
0x123: {  	v3 =	vadd.f32 v3, v4;
	v1 =	vadd.f32 v2, v1;
	_ =	sdelay $0x1  }
0x124: {  	v1 =	vadd.f32 v1, v3;
	_ =	sdelay $0x1  }
0x125: {  	(xrf2) =	vadd.scan.msk.f32 $0xffff, v1;
	_ =	sdelay $0x5  }
0x126: {  	v1 =	vmov s20;
	s20 =	smov.u32 s25;
	_ =	sdelay $0x3  }
0x127: {  	v2, _, _ =	vpop (xrf2)  }
0x128: {  	s18 =	sadd.s32 $0x80, s18;
	[tilespmem:v1+s22+$0x0] =	vst.idx.add.f32.msk vm0, v2  }
0x129: {  	v4 =	vld [tilespmem:s18+$0xFFFFFFC0]  }
0x12a: {  	v6 =	vld [tilespmem:s18+$0xFFFFFFD0]  }
0x12b: {  	v3 =	vld [tilespmem:s18+$0xFFFFFFE0]  }
0x12c: {  	v5 =	vld [tilespmem:s18+$0xFFFFFFF0]  }
0x12d: {  	v1 =	vld [tilespmem:s18+$0x0]  }
0x12e: {  	s23 =	sadd.s32 $0x80, s23;
	v2 =	vld [tilespmem:s18+$0x10]  }
0x12f: {  	s24 =	sadd.s32 $0x80, s24;
	v18 =	vld [tilespmem:s23+$0xFFFFFFC0]  }
0x130: {  	v19 =	vld [tilespmem:s24+$0xFFFFFFC0]  }
0x131: {  	v20 =	vld [tilespmem:s24+$0xFFFFFFD0]  }
0x132: {  	v21 =	vld [tilespmem:s23+$0xFFFFFFD0]  }
0x133: {  	v10 =	vld [tilespmem:s24+$0xFFFFFFE0]  }
0x134: {  	v13 =	vld [tilespmem:s23+$0xFFFFFFE0]  }
0x135: {  	v15 =	vld [tilespmem:s24+$0xFFFFFFF0]  }
0x136: {  	v17 =	vld [tilespmem:s23+$0xFFFFFFF0]  }
0x137: {  	v7 =	vld [tilespmem:s24+$0x0]  }
0x138: {  	v8 =	vld [tilespmem:s23+$0x0]  }
0x139: {  	v9 =	vld [tilespmem:s24+$0x10]  }
.Ltmp2:
0x13a: {  	v11 =	vld [tilespmem:s23+$0x10];
	(pc) =	sbr.rel @p0 .LBB2_6-.Ltmp2, $4  }
0x13b: {  	v12 =	vld [tilespmem:s24+$0x20]  }
0x13c: {  	v14 =	vld [tilespmem:s23+$0x20]  }
0x13d: {  	v16 =	vld [tilespmem:s24+$0x30]  }
0x13e: {  	s25 =	sadd.s32 $0x1, s25;
	v19 =	vmul.f32 v18, v19;
	v20 =	vmul.f32 v21, v20;
	v18 =	vld [tilespmem:s23+$0x30]  }
0x13f: {  	v10 =	vmul.f32 v13, v10;
	v13 =	vmul.f32 v17, v15;
	v15 =	vld [tilespmem:s18+$0x20]  }
0x140: {  	v17 =	vld [tilespmem:s18+$0x30];
	v7 =	vmul.f32 v8, v7;
	v8 =	vmul.f32 v11, v9  }
0x141: {  	v4 =	vmul.f32 v4, v19;
	v6 =	vmul.f32 v6, v20  }
0x142: {  	v3 =	vmul.f32 v3, v10;
	v5 =	vmul.f32 v5, v13  }
0x143: {  	v9 =	vmul.f32 v14, v12;
	v10 =	vmul.f32 v18, v16  }
0x144: {  	v1 =	vmul.f32 v1, v7;
	v2 =	vmul.f32 v2, v8  }
0x145: {  	v7 =	vmul.f32 v15, v9;
	v8 =	vmul.f32 v17, v10  }
0x146: {  	v4 =	vadd.f32 v6, v4;
	v3 =	vadd.f32 v5, v3  }
0x147: {  	v1 =	vadd.f32 v2, v1;
	v2 =	vadd.f32 v8, v7;
	_ =	sdelay $0x1  }
0x148: {  	v3 =	vadd.f32 v3, v4;
	v1 =	vadd.f32 v2, v1;
	_ =	sdelay $0x1  }
0x149: {  	v1 =	vadd.f32 v1, v3;
	_ =	sdelay $0x1  }
0x14a: {  	(xrf2) =	vadd.scan.msk.f32 $0xffff, v1;
	_ =	sdelay $0x5  }
0x14b: {  	v1 =	vmov s20;
	_ =	sdelay $0x3  }
0x14c: {  	v2, _, _ =	vpop (xrf2)  }
0x14d: {  	s23 =	simm.s32 $0x100;
	[tilespmem:v1+s22+$0x0] =	vst.idx.add.f32.msk vm0, v2  }
0x14e: {  	[tilespmem:s14], [sflag:$0x1] =	stream.indirect.gather [hbm4b:s1+s13], $0x80, s23, s13, $0xb8;
	[tilespmem:$0xC800] =	vst v63  }
0x14f: {  	s24 =	simm.s32 $0x300  }
0x150: {  	[tilespmem:s15], [sflag:$0x1] =	stream.indirect.gather [hbm4b:s1+s13], $0x80, s24, s13, $0xb8;
	[tilespmem:$0xC800] =	vst v63  }
0x151: {  	s25 =	simm.s32 $0x500  }
0x152: {  	[tilespmem:s16], [sflag:$0x1] =	stream.indirect.gather [hbm4b:s2+s13], $0x80, s25, s13, $0xb8;
	[tilespmem:$0xC800] =	vst v63  }
0x153: {  	_ =	swait.ge [sflag:s26], $0x2000  }
0x154: {  	[sflag:s26] =	ssyncset.done $0x0  }
0x155: {  	[sflag:s26] =	ssyncadd.s32 $0xFFFFE000  }
0x156: {  	_ =	swait.ge [sflag:s26], $0x2000  }
0x157: {  	[sflag:s26] =	ssyncset.done $0x0  }
0x158: {  	[sflag:s26] =	ssyncadd.s32 $0xFFFFE000  }
0x159: {  	_ =	swait.ge [sflag:s26], $0x2000  }
0x15a: {  	[sflag:s26] =	ssyncset.done $0x0  }
0x15b: {  	s18 =	simm.s32 $0xA640;
	[sflag:s26] =	ssyncadd.s32 $0xFFFFE000  }
0x15c: {  	v4 =	vld [tilespmem:s18+$0xFFFFFFC0]  }
0x15d: {  	v6 =	vld [tilespmem:s18+$0xFFFFFFD0]  }
0x15e: {  	v3 =	vld [tilespmem:s18+$0xFFFFFFE0]  }
0x15f: {  	v5 =	vld [tilespmem:s18+$0xFFFFFFF0]  }
0x160: {  	v1 =	vld [tilespmem:s18+$0x0]  }
0x161: {  	s23 =	simm.s32 $0x8640;
	v2 =	vld [tilespmem:s18+$0x10]  }
0x162: {  	s24 =	simm.s32 $0x6640;
	v18 =	vld [tilespmem:s23+$0xFFFFFFC0]  }
0x163: {  	v19 =	vld [tilespmem:s24+$0xFFFFFFC0]  }
0x164: {  	v20 =	vld [tilespmem:s24+$0xFFFFFFD0]  }
0x165: {  	v21 =	vld [tilespmem:s23+$0xFFFFFFD0]  }
0x166: {  	v10 =	vld [tilespmem:s24+$0xFFFFFFE0]  }
0x167: {  	v13 =	vld [tilespmem:s23+$0xFFFFFFE0]  }
0x168: {  	v15 =	vld [tilespmem:s24+$0xFFFFFFF0]  }
0x169: {  	v17 =	vld [tilespmem:s23+$0xFFFFFFF0]  }
0x16a: {  	v7 =	vld [tilespmem:s24+$0x0]  }
0x16b: {  	v8 =	vld [tilespmem:s23+$0x0]  }
0x16c: {  	v9 =	vld [tilespmem:s24+$0x10]  }
0x16d: {  	v11 =	vld [tilespmem:s23+$0x10]  }
0x16e: {  	v12 =	vld [tilespmem:s24+$0x20]  }
0x16f: {  	v14 =	vld [tilespmem:s23+$0x20]  }
0x170: {  	v16 =	vld [tilespmem:s24+$0x30]  }
0x171: {  	s20 =	simm.s32 $0xC0;
	s25 =	simm.s32 $0xC1;
	v19 =	vmul.f32 v18, v19;
	v20 =	vmul.f32 v21, v20;
	v18 =	vld [tilespmem:s23+$0x30]  }
.LBB2_8:
0x172: {  	p0 =	sne.s32 s25, $0xFF;
	v10 =	vmul.f32 v13, v10;
	v13 =	vmul.f32 v17, v15;
	v15 =	vld [tilespmem:s18+$0x20]  }
0x173: {  	v4 =	vmul.f32 v4, v19;
	v6 =	vmul.f32 v6, v20;
	v17 =	vld [tilespmem:s18+$0x30]  }
0x174: {  	v3 =	vmul.f32 v3, v10;
	v5 =	vmul.f32 v5, v13  }
0x175: {  	v7 =	vmul.f32 v8, v7;
	v8 =	vmul.f32 v11, v9  }
0x176: {  	v9 =	vmul.f32 v14, v12;
	v10 =	vmul.f32 v18, v16  }
0x177: {  	v1 =	vmul.f32 v1, v7;
	v2 =	vmul.f32 v2, v8  }
0x178: {  	v7 =	vmul.f32 v15, v9;
	v8 =	vmul.f32 v17, v10  }
0x179: {  	v4 =	vadd.f32 v6, v4;
	v3 =	vadd.f32 v5, v3  }
0x17a: {  	v1 =	vadd.f32 v2, v1;
	v2 =	vadd.f32 v8, v7;
	_ =	sdelay $0x1  }
0x17b: {  	v3 =	vadd.f32 v3, v4;
	v1 =	vadd.f32 v2, v1;
	_ =	sdelay $0x1  }
0x17c: {  	v1 =	vadd.f32 v1, v3;
	_ =	sdelay $0x1  }
0x17d: {  	(xrf2) =	vadd.scan.msk.f32 $0xffff, v1;
	_ =	sdelay $0x5  }
0x17e: {  	v1 =	vmov s20;
	s20 =	smov.u32 s25;
	_ =	sdelay $0x3  }
0x17f: {  	v2, _, _ =	vpop (xrf2)  }
0x180: {  	s18 =	sadd.s32 $0x80, s18;
	[tilespmem:v1+s22+$0x0] =	vst.idx.add.f32.msk vm0, v2  }
0x181: {  	v4 =	vld [tilespmem:s18+$0xFFFFFFC0]  }
0x182: {  	v6 =	vld [tilespmem:s18+$0xFFFFFFD0]  }
0x183: {  	v3 =	vld [tilespmem:s18+$0xFFFFFFE0]  }
0x184: {  	v5 =	vld [tilespmem:s18+$0xFFFFFFF0]  }
0x185: {  	v1 =	vld [tilespmem:s18+$0x0]  }
0x186: {  	s23 =	sadd.s32 $0x80, s23;
	v2 =	vld [tilespmem:s18+$0x10]  }
0x187: {  	s24 =	sadd.s32 $0x80, s24;
	v18 =	vld [tilespmem:s23+$0xFFFFFFC0]  }
0x188: {  	v19 =	vld [tilespmem:s24+$0xFFFFFFC0]  }
0x189: {  	v20 =	vld [tilespmem:s24+$0xFFFFFFD0]  }
0x18a: {  	v21 =	vld [tilespmem:s23+$0xFFFFFFD0]  }
0x18b: {  	v10 =	vld [tilespmem:s24+$0xFFFFFFE0]  }
0x18c: {  	v13 =	vld [tilespmem:s23+$0xFFFFFFE0]  }
0x18d: {  	v15 =	vld [tilespmem:s24+$0xFFFFFFF0]  }
0x18e: {  	v17 =	vld [tilespmem:s23+$0xFFFFFFF0]  }
0x18f: {  	v7 =	vld [tilespmem:s24+$0x0]  }
0x190: {  	v8 =	vld [tilespmem:s23+$0x0]  }
0x191: {  	v9 =	vld [tilespmem:s24+$0x10]  }
.Ltmp3:
0x192: {  	v11 =	vld [tilespmem:s23+$0x10];
	(pc) =	sbr.rel @p0 .LBB2_8-.Ltmp3, $4  }
0x193: {  	v12 =	vld [tilespmem:s24+$0x20]  }
0x194: {  	v14 =	vld [tilespmem:s23+$0x20]  }
0x195: {  	v16 =	vld [tilespmem:s24+$0x30]  }
0x196: {  	s25 =	sadd.s32 $0x1, s25;
	v19 =	vmul.f32 v18, v19;
	v20 =	vmul.f32 v21, v20;
	v18 =	vld [tilespmem:s23+$0x30]  }
0x197: {  	v10 =	vmul.f32 v13, v10;
	v13 =	vmul.f32 v17, v15;
	v15 =	vld [tilespmem:s18+$0x20]  }
0x198: {  	v17 =	vld [tilespmem:s18+$0x30];
	v7 =	vmul.f32 v8, v7;
	v8 =	vmul.f32 v11, v9  }
0x199: {  	v4 =	vmul.f32 v4, v19;
	v6 =	vmul.f32 v6, v20  }
0x19a: {  	v3 =	vmul.f32 v3, v10;
	v5 =	vmul.f32 v5, v13  }
0x19b: {  	v9 =	vmul.f32 v14, v12;
	v10 =	vmul.f32 v18, v16  }
0x19c: {  	v1 =	vmul.f32 v1, v7;
	v2 =	vmul.f32 v2, v8  }
0x19d: {  	v7 =	vmul.f32 v15, v9;
	v8 =	vmul.f32 v17, v10  }
0x19e: {  	v4 =	vadd.f32 v6, v4;
	v3 =	vadd.f32 v5, v3  }
0x19f: {  	v1 =	vadd.f32 v2, v1;
	v2 =	vadd.f32 v8, v7;
	_ =	sdelay $0x1  }
0x1a0: {  	v3 =	vadd.f32 v3, v4;
	v1 =	vadd.f32 v2, v1;
	_ =	sdelay $0x1  }
0x1a1: {  	v1 =	vadd.f32 v1, v3;
	_ =	sdelay $0x1  }
0x1a2: {  	(xrf2) =	vadd.scan.msk.f32 $0xffff, v1;
	_ =	sdelay $0x5  }
0x1a3: {  	v1 =	vmov s20;
	_ =	sdelay $0x3  }
0x1a4: {  	v2, _, _ =	vpop (xrf2)  }
0x1a5: {  	s23 =	simm.s32 $0x140;
	[tilespmem:v1+s22+$0x0] =	vst.idx.add.f32.msk vm0, v2  }
0x1a6: {  	[tilespmem:s17], [sflag:$0x2] =	stream.indirect.gather [hbm4b:s1+s13], $0x80, s23, s13, $0xb8;
	[tilespmem:$0xC800] =	vst v63  }
0x1a7: {  	s24 =	simm.s32 $0x340  }
0x1a8: {  	[tilespmem:s19], [sflag:$0x2] =	stream.indirect.gather [hbm4b:s1+s13], $0x80, s24, s13, $0xb8;
	[tilespmem:$0xC800] =	vst v63  }
0x1a9: {  	s25 =	simm.s32 $0x540  }
0x1aa: {  	[tilespmem:s21], [sflag:$0x2] =	stream.indirect.gather [hbm4b:s2+s13], $0x80, s25, s13, $0xb8;
	[tilespmem:$0xC800] =	vst v63  }
0x1ab: {  	_ =	swait.ge [sflag:s12], $0x2000  }
0x1ac: {  	[sflag:s12] =	ssyncset.done $0x0  }
0x1ad: {  	[sflag:s12] =	ssyncadd.s32 $0xFFFFE000  }
0x1ae: {  	_ =	swait.ge [sflag:s12], $0x2000  }
0x1af: {  	[sflag:s12] =	ssyncset.done $0x0  }
0x1b0: {  	[sflag:s12] =	ssyncadd.s32 $0xFFFFE000  }
0x1b1: {  	_ =	swait.ge [sflag:s12], $0x2000  }
0x1b2: {  	[sflag:s12] =	ssyncset.done $0x0  }
0x1b3: {  	s18 =	simm.s32 $0x4640;
	[sflag:s12] =	ssyncadd.s32 $0xFFFFE000  }
0x1b4: {  	v4 =	vld [tilespmem:s18+$0xFFFFFFC0]  }
0x1b5: {  	v6 =	vld [tilespmem:s18+$0xFFFFFFD0]  }
0x1b6: {  	v3 =	vld [tilespmem:s18+$0xFFFFFFE0]  }
0x1b7: {  	v5 =	vld [tilespmem:s18+$0xFFFFFFF0]  }
0x1b8: {  	v1 =	vld [tilespmem:s18+$0x0]  }
0x1b9: {  	s23 =	simm.s32 $0x2640;
	v2 =	vld [tilespmem:s18+$0x10]  }
0x1ba: {  	s24 =	simm.s32 $0x640;
	v18 =	vld [tilespmem:s23+$0xFFFFFFC0]  }
0x1bb: {  	v19 =	vld [tilespmem:s24+$0xFFFFFFC0]  }
0x1bc: {  	v20 =	vld [tilespmem:s24+$0xFFFFFFD0]  }
0x1bd: {  	v21 =	vld [tilespmem:s23+$0xFFFFFFD0]  }
0x1be: {  	v10 =	vld [tilespmem:s24+$0xFFFFFFE0]  }
0x1bf: {  	v13 =	vld [tilespmem:s23+$0xFFFFFFE0]  }
0x1c0: {  	v15 =	vld [tilespmem:s24+$0xFFFFFFF0]  }
0x1c1: {  	v17 =	vld [tilespmem:s23+$0xFFFFFFF0]  }
0x1c2: {  	v7 =	vld [tilespmem:s24+$0x0]  }
0x1c3: {  	v8 =	vld [tilespmem:s23+$0x0]  }
0x1c4: {  	v9 =	vld [tilespmem:s24+$0x10]  }
0x1c5: {  	v11 =	vld [tilespmem:s23+$0x10]  }
0x1c6: {  	v12 =	vld [tilespmem:s24+$0x20]  }
0x1c7: {  	v14 =	vld [tilespmem:s23+$0x20]  }
0x1c8: {  	v16 =	vld [tilespmem:s24+$0x30]  }
0x1c9: {  	s20 =	simm.s32 $0x100;
	s25 =	simm.s32 $0x101;
	v19 =	vmul.f32 v18, v19;
	v20 =	vmul.f32 v21, v20;
	v18 =	vld [tilespmem:s23+$0x30]  }
.LBB2_10:
0x1ca: {  	p0 =	sne.s32 s25, $0x13F;
	v10 =	vmul.f32 v13, v10;
	v13 =	vmul.f32 v17, v15;
	v15 =	vld [tilespmem:s18+$0x20]  }
0x1cb: {  	v4 =	vmul.f32 v4, v19;
	v6 =	vmul.f32 v6, v20;
	v17 =	vld [tilespmem:s18+$0x30]  }
0x1cc: {  	v3 =	vmul.f32 v3, v10;
	v5 =	vmul.f32 v5, v13  }
0x1cd: {  	v7 =	vmul.f32 v8, v7;
	v8 =	vmul.f32 v11, v9  }
0x1ce: {  	v9 =	vmul.f32 v14, v12;
	v10 =	vmul.f32 v18, v16  }
0x1cf: {  	v1 =	vmul.f32 v1, v7;
	v2 =	vmul.f32 v2, v8  }
0x1d0: {  	v7 =	vmul.f32 v15, v9;
	v8 =	vmul.f32 v17, v10  }
0x1d1: {  	v4 =	vadd.f32 v6, v4;
	v3 =	vadd.f32 v5, v3  }
0x1d2: {  	v1 =	vadd.f32 v2, v1;
	v2 =	vadd.f32 v8, v7;
	_ =	sdelay $0x1  }
0x1d3: {  	v3 =	vadd.f32 v3, v4;
	v1 =	vadd.f32 v2, v1;
	_ =	sdelay $0x1  }
0x1d4: {  	v1 =	vadd.f32 v1, v3;
	_ =	sdelay $0x1  }
0x1d5: {  	(xrf2) =	vadd.scan.msk.f32 $0xffff, v1;
	_ =	sdelay $0x5  }
0x1d6: {  	v1 =	vmov s20;
	s20 =	smov.u32 s25;
	_ =	sdelay $0x3  }
0x1d7: {  	v2, _, _ =	vpop (xrf2)  }
0x1d8: {  	s18 =	sadd.s32 $0x80, s18;
	[tilespmem:v1+s22+$0x0] =	vst.idx.add.f32.msk vm0, v2  }
0x1d9: {  	v4 =	vld [tilespmem:s18+$0xFFFFFFC0]  }
0x1da: {  	v6 =	vld [tilespmem:s18+$0xFFFFFFD0]  }
0x1db: {  	v3 =	vld [tilespmem:s18+$0xFFFFFFE0]  }
0x1dc: {  	v5 =	vld [tilespmem:s18+$0xFFFFFFF0]  }
0x1dd: {  	v1 =	vld [tilespmem:s18+$0x0]  }
0x1de: {  	s23 =	sadd.s32 $0x80, s23;
	v2 =	vld [tilespmem:s18+$0x10]  }
0x1df: {  	s24 =	sadd.s32 $0x80, s24;
	v18 =	vld [tilespmem:s23+$0xFFFFFFC0]  }
0x1e0: {  	v19 =	vld [tilespmem:s24+$0xFFFFFFC0]  }
0x1e1: {  	v20 =	vld [tilespmem:s24+$0xFFFFFFD0]  }
0x1e2: {  	v21 =	vld [tilespmem:s23+$0xFFFFFFD0]  }
0x1e3: {  	v10 =	vld [tilespmem:s24+$0xFFFFFFE0]  }
0x1e4: {  	v13 =	vld [tilespmem:s23+$0xFFFFFFE0]  }
0x1e5: {  	v15 =	vld [tilespmem:s24+$0xFFFFFFF0]  }
0x1e6: {  	v17 =	vld [tilespmem:s23+$0xFFFFFFF0]  }
0x1e7: {  	v7 =	vld [tilespmem:s24+$0x0]  }
0x1e8: {  	v8 =	vld [tilespmem:s23+$0x0]  }
0x1e9: {  	v9 =	vld [tilespmem:s24+$0x10]  }
.Ltmp4:
0x1ea: {  	v11 =	vld [tilespmem:s23+$0x10];
	(pc) =	sbr.rel @p0 .LBB2_10-.Ltmp4, $4  }
0x1eb: {  	v12 =	vld [tilespmem:s24+$0x20]  }
0x1ec: {  	v14 =	vld [tilespmem:s23+$0x20]  }
0x1ed: {  	v16 =	vld [tilespmem:s24+$0x30]  }
0x1ee: {  	s25 =	sadd.s32 $0x1, s25;
	v19 =	vmul.f32 v18, v19;
	v20 =	vmul.f32 v21, v20;
	v18 =	vld [tilespmem:s23+$0x30]  }
0x1ef: {  	v10 =	vmul.f32 v13, v10;
	v13 =	vmul.f32 v17, v15;
	v15 =	vld [tilespmem:s18+$0x20]  }
0x1f0: {  	v17 =	vld [tilespmem:s18+$0x30];
	v7 =	vmul.f32 v8, v7;
	v8 =	vmul.f32 v11, v9  }
0x1f1: {  	v4 =	vmul.f32 v4, v19;
	v6 =	vmul.f32 v6, v20  }
0x1f2: {  	v3 =	vmul.f32 v3, v10;
	v5 =	vmul.f32 v5, v13  }
0x1f3: {  	v9 =	vmul.f32 v14, v12;
	v10 =	vmul.f32 v18, v16  }
0x1f4: {  	v1 =	vmul.f32 v1, v7;
	v2 =	vmul.f32 v2, v8  }
0x1f5: {  	v7 =	vmul.f32 v15, v9;
	v8 =	vmul.f32 v17, v10  }
0x1f6: {  	v4 =	vadd.f32 v6, v4;
	v3 =	vadd.f32 v5, v3  }
0x1f7: {  	v1 =	vadd.f32 v2, v1;
	v2 =	vadd.f32 v8, v7;
	_ =	sdelay $0x1  }
0x1f8: {  	v3 =	vadd.f32 v3, v4;
	v1 =	vadd.f32 v2, v1;
	_ =	sdelay $0x1  }
0x1f9: {  	v1 =	vadd.f32 v1, v3;
	_ =	sdelay $0x1  }
0x1fa: {  	(xrf2) =	vadd.scan.msk.f32 $0xffff, v1;
	_ =	sdelay $0x5  }
0x1fb: {  	v1 =	vmov s20;
	_ =	sdelay $0x3  }
0x1fc: {  	v2, _, _ =	vpop (xrf2)  }
0x1fd: {  	s24 =	simm.s32 $0x180;
	[tilespmem:v1+s22+$0x0] =	vst.idx.add.f32.msk vm0, v2  }
0x1fe: {  	[tilespmem:s14], [sflag:$0x1] =	stream.indirect.gather [hbm4b:s1+s13], $0x80, s24, s13, $0xb8;
	[tilespmem:$0xC800] =	vst v63  }
0x1ff: {  	s25 =	simm.s32 $0x380  }
0x200: {  	[tilespmem:s15], [sflag:$0x1] =	stream.indirect.gather [hbm4b:s1+s13], $0x80, s25, s13, $0xb8;
	[tilespmem:$0xC800] =	vst v63  }
0x201: {  	_ = 	snop  }
0x202: {  	[tilespmem:s16], [sflag:$0x1] =	stream.indirect.gather [hbm4b:s2+s13], $0x80, s28, s13, $0xb8;
	[tilespmem:$0xC800] =	vst v63  }
0x203: {  	_ =	swait.ge [sflag:s26], $0x2000  }
0x204: {  	[sflag:s26] =	ssyncset.done $0x0  }
0x205: {  	[sflag:s26] =	ssyncadd.s32 $0xFFFFE000  }
0x206: {  	_ =	swait.ge [sflag:s26], $0x2000  }
0x207: {  	[sflag:s26] =	ssyncset.done $0x0  }
0x208: {  	[sflag:s26] =	ssyncadd.s32 $0xFFFFE000  }
0x209: {  	_ =	swait.ge [sflag:s26], $0x2000  }
0x20a: {  	[sflag:s26] =	ssyncset.done $0x0  }
0x20b: {  	s18 =	simm.s32 $0xA640;
	[sflag:s26] =	ssyncadd.s32 $0xFFFFE000  }
0x20c: {  	v4 =	vld [tilespmem:s18+$0xFFFFFFC0]  }
0x20d: {  	v6 =	vld [tilespmem:s18+$0xFFFFFFD0]  }
0x20e: {  	v3 =	vld [tilespmem:s18+$0xFFFFFFE0]  }
0x20f: {  	v5 =	vld [tilespmem:s18+$0xFFFFFFF0]  }
0x210: {  	v1 =	vld [tilespmem:s18+$0x0]  }
0x211: {  	s23 =	simm.s32 $0x8640;
	v2 =	vld [tilespmem:s18+$0x10]  }
0x212: {  	s24 =	simm.s32 $0x6640;
	v18 =	vld [tilespmem:s23+$0xFFFFFFC0]  }
0x213: {  	v19 =	vld [tilespmem:s24+$0xFFFFFFC0]  }
0x214: {  	v20 =	vld [tilespmem:s24+$0xFFFFFFD0]  }
0x215: {  	v21 =	vld [tilespmem:s23+$0xFFFFFFD0]  }
0x216: {  	v10 =	vld [tilespmem:s24+$0xFFFFFFE0]  }
0x217: {  	v13 =	vld [tilespmem:s23+$0xFFFFFFE0]  }
0x218: {  	v15 =	vld [tilespmem:s24+$0xFFFFFFF0]  }
0x219: {  	v17 =	vld [tilespmem:s23+$0xFFFFFFF0]  }
0x21a: {  	v7 =	vld [tilespmem:s24+$0x0]  }
0x21b: {  	v8 =	vld [tilespmem:s23+$0x0]  }
0x21c: {  	v9 =	vld [tilespmem:s24+$0x10]  }
0x21d: {  	v11 =	vld [tilespmem:s23+$0x10]  }
0x21e: {  	v12 =	vld [tilespmem:s24+$0x20]  }
0x21f: {  	v14 =	vld [tilespmem:s23+$0x20]  }
0x220: {  	v16 =	vld [tilespmem:s24+$0x30]  }
0x221: {  	s20 =	simm.s32 $0x140;
	s25 =	simm.s32 $0x141;
	v19 =	vmul.f32 v18, v19;
	v20 =	vmul.f32 v21, v20;
	v18 =	vld [tilespmem:s23+$0x30]  }
.LBB2_12:
0x222: {  	p0 =	sne.s32 s25, $0x17F;
	v10 =	vmul.f32 v13, v10;
	v13 =	vmul.f32 v17, v15;
	v15 =	vld [tilespmem:s18+$0x20]  }
0x223: {  	v4 =	vmul.f32 v4, v19;
	v6 =	vmul.f32 v6, v20;
	v17 =	vld [tilespmem:s18+$0x30]  }
0x224: {  	v3 =	vmul.f32 v3, v10;
	v5 =	vmul.f32 v5, v13  }
0x225: {  	v7 =	vmul.f32 v8, v7;
	v8 =	vmul.f32 v11, v9  }
0x226: {  	v9 =	vmul.f32 v14, v12;
	v10 =	vmul.f32 v18, v16  }
0x227: {  	v1 =	vmul.f32 v1, v7;
	v2 =	vmul.f32 v2, v8  }
0x228: {  	v7 =	vmul.f32 v15, v9;
	v8 =	vmul.f32 v17, v10  }
0x229: {  	v4 =	vadd.f32 v6, v4;
	v3 =	vadd.f32 v5, v3  }
0x22a: {  	v1 =	vadd.f32 v2, v1;
	v2 =	vadd.f32 v8, v7;
	_ =	sdelay $0x1  }
0x22b: {  	v3 =	vadd.f32 v3, v4;
	v1 =	vadd.f32 v2, v1;
	_ =	sdelay $0x1  }
0x22c: {  	v1 =	vadd.f32 v1, v3;
	_ =	sdelay $0x1  }
0x22d: {  	(xrf2) =	vadd.scan.msk.f32 $0xffff, v1;
	_ =	sdelay $0x5  }
0x22e: {  	v1 =	vmov s20;
	s20 =	smov.u32 s25;
	_ =	sdelay $0x3  }
0x22f: {  	v2, _, _ =	vpop (xrf2)  }
0x230: {  	s18 =	sadd.s32 $0x80, s18;
	[tilespmem:v1+s22+$0x0] =	vst.idx.add.f32.msk vm0, v2  }
0x231: {  	v4 =	vld [tilespmem:s18+$0xFFFFFFC0]  }
0x232: {  	v6 =	vld [tilespmem:s18+$0xFFFFFFD0]  }
0x233: {  	v3 =	vld [tilespmem:s18+$0xFFFFFFE0]  }
0x234: {  	v5 =	vld [tilespmem:s18+$0xFFFFFFF0]  }
0x235: {  	v1 =	vld [tilespmem:s18+$0x0]  }
0x236: {  	s23 =	sadd.s32 $0x80, s23;
	v2 =	vld [tilespmem:s18+$0x10]  }
0x237: {  	s24 =	sadd.s32 $0x80, s24;
	v18 =	vld [tilespmem:s23+$0xFFFFFFC0]  }
0x238: {  	v19 =	vld [tilespmem:s24+$0xFFFFFFC0]  }
0x239: {  	v20 =	vld [tilespmem:s24+$0xFFFFFFD0]  }
0x23a: {  	v21 =	vld [tilespmem:s23+$0xFFFFFFD0]  }
0x23b: {  	v10 =	vld [tilespmem:s24+$0xFFFFFFE0]  }
0x23c: {  	v13 =	vld [tilespmem:s23+$0xFFFFFFE0]  }
0x23d: {  	v15 =	vld [tilespmem:s24+$0xFFFFFFF0]  }
0x23e: {  	v17 =	vld [tilespmem:s23+$0xFFFFFFF0]  }
0x23f: {  	v7 =	vld [tilespmem:s24+$0x0]  }
0x240: {  	v8 =	vld [tilespmem:s23+$0x0]  }
0x241: {  	v9 =	vld [tilespmem:s24+$0x10]  }
.Ltmp5:
0x242: {  	v11 =	vld [tilespmem:s23+$0x10];
	(pc) =	sbr.rel @p0 .LBB2_12-.Ltmp5, $4  }
0x243: {  	v12 =	vld [tilespmem:s24+$0x20]  }
0x244: {  	v14 =	vld [tilespmem:s23+$0x20]  }
0x245: {  	v16 =	vld [tilespmem:s24+$0x30]  }
0x246: {  	s25 =	sadd.s32 $0x1, s25;
	v19 =	vmul.f32 v18, v19;
	v20 =	vmul.f32 v21, v20;
	v18 =	vld [tilespmem:s23+$0x30]  }
0x247: {  	v10 =	vmul.f32 v13, v10;
	v13 =	vmul.f32 v17, v15;
	v15 =	vld [tilespmem:s18+$0x20]  }
0x248: {  	v17 =	vld [tilespmem:s18+$0x30];
	v7 =	vmul.f32 v8, v7;
	v8 =	vmul.f32 v11, v9  }
0x249: {  	v4 =	vmul.f32 v4, v19;
	v6 =	vmul.f32 v6, v20  }
0x24a: {  	v3 =	vmul.f32 v3, v10;
	v5 =	vmul.f32 v5, v13  }
0x24b: {  	v9 =	vmul.f32 v14, v12;
	v10 =	vmul.f32 v18, v16  }
0x24c: {  	v1 =	vmul.f32 v1, v7;
	v2 =	vmul.f32 v2, v8  }
0x24d: {  	v7 =	vmul.f32 v15, v9;
	v8 =	vmul.f32 v17, v10  }
0x24e: {  	v4 =	vadd.f32 v6, v4;
	v3 =	vadd.f32 v5, v3  }
0x24f: {  	v1 =	vadd.f32 v2, v1;
	v2 =	vadd.f32 v8, v7;
	_ =	sdelay $0x1  }
0x250: {  	v3 =	vadd.f32 v3, v4;
	v1 =	vadd.f32 v2, v1;
	_ =	sdelay $0x1  }
0x251: {  	v1 =	vadd.f32 v1, v3;
	_ =	sdelay $0x1  }
0x252: {  	(xrf2) =	vadd.scan.msk.f32 $0xffff, v1;
	_ =	sdelay $0x5  }
0x253: {  	v1 =	vmov s20;
	_ =	sdelay $0x3  }
0x254: {  	v2, _, _ =	vpop (xrf2)  }
0x255: {  	[tilespmem:v1+s22+$0x0] =	vst.idx.add.f32.msk vm0, v2  }
0x256: {  	[tilespmem:s17], [sflag:$0x2] =	stream.indirect.gather [hbm4b:s1+s13], $0x80, s29, s13, $0xb8;
	[tilespmem:$0xC800] =	vst v63  }
0x257: {  	_ = 	snop  }
0x258: {  	[tilespmem:s19], [sflag:$0x2] =	stream.indirect.gather [hbm4b:s1+s13], $0x80, s30, s13, $0xb8;
	[tilespmem:$0xC800] =	vst v63  }
0x259: {  	_ = 	snop  }
0x25a: {  	[tilespmem:s21], [sflag:$0x2] =	stream.indirect.gather [hbm4b:s2+s13], $0x80, s31, s13, $0xb8;
	[tilespmem:$0xC800] =	vst v63  }
0x25b: {  	_ =	swait.ge [sflag:s12], $0x2000  }
0x25c: {  	[sflag:s12] =	ssyncset.done $0x0  }
0x25d: {  	[sflag:s12] =	ssyncadd.s32 $0xFFFFE000  }
0x25e: {  	_ =	swait.ge [sflag:s12], $0x2000  }
0x25f: {  	[sflag:s12] =	ssyncset.done $0x0  }
0x260: {  	[sflag:s12] =	ssyncadd.s32 $0xFFFFE000  }
0x261: {  	_ =	swait.ge [sflag:s12], $0x2000  }
0x262: {  	[sflag:s12] =	ssyncset.done $0x0  }
0x263: {  	s18 =	simm.s32 $0x4640;
	[sflag:s12] =	ssyncadd.s32 $0xFFFFE000  }
0x264: {  	v4 =	vld [tilespmem:s18+$0xFFFFFFC0]  }
0x265: {  	v6 =	vld [tilespmem:s18+$0xFFFFFFD0]  }
0x266: {  	v3 =	vld [tilespmem:s18+$0xFFFFFFE0]  }
0x267: {  	v5 =	vld [tilespmem:s18+$0xFFFFFFF0]  }
0x268: {  	v1 =	vld [tilespmem:s18+$0x0]  }
0x269: {  	s23 =	simm.s32 $0x2640;
	v2 =	vld [tilespmem:s18+$0x10]  }
0x26a: {  	s24 =	simm.s32 $0x640;
	v18 =	vld [tilespmem:s23+$0xFFFFFFC0]  }
0x26b: {  	v19 =	vld [tilespmem:s24+$0xFFFFFFC0]  }
0x26c: {  	v20 =	vld [tilespmem:s24+$0xFFFFFFD0]  }
0x26d: {  	v21 =	vld [tilespmem:s23+$0xFFFFFFD0]  }
0x26e: {  	v10 =	vld [tilespmem:s24+$0xFFFFFFE0]  }
0x26f: {  	v13 =	vld [tilespmem:s23+$0xFFFFFFE0]  }
0x270: {  	v15 =	vld [tilespmem:s24+$0xFFFFFFF0]  }
0x271: {  	v17 =	vld [tilespmem:s23+$0xFFFFFFF0]  }
0x272: {  	v7 =	vld [tilespmem:s24+$0x0]  }
0x273: {  	v8 =	vld [tilespmem:s23+$0x0]  }
0x274: {  	v9 =	vld [tilespmem:s24+$0x10]  }
0x275: {  	v11 =	vld [tilespmem:s23+$0x10]  }
0x276: {  	v12 =	vld [tilespmem:s24+$0x20]  }
0x277: {  	v14 =	vld [tilespmem:s23+$0x20]  }
0x278: {  	v16 =	vld [tilespmem:s24+$0x30]  }
0x279: {  	s25 =	simm.s32 $0x181;
	s20 =	simm.s32 $0x180;
	v19 =	vmul.f32 v18, v19;
	v20 =	vmul.f32 v21, v20;
	v18 =	vld [tilespmem:s23+$0x30]  }
.LBB2_14:
0x27a: {  	p0 =	sne.s32 s25, $0x1BF;
	v10 =	vmul.f32 v13, v10;
	v13 =	vmul.f32 v17, v15;
	v15 =	vld [tilespmem:s18+$0x20]  }
0x27b: {  	v4 =	vmul.f32 v4, v19;
	v6 =	vmul.f32 v6, v20;
	v17 =	vld [tilespmem:s18+$0x30]  }
0x27c: {  	v3 =	vmul.f32 v3, v10;
	v5 =	vmul.f32 v5, v13  }
0x27d: {  	v7 =	vmul.f32 v8, v7;
	v8 =	vmul.f32 v11, v9  }
0x27e: {  	v9 =	vmul.f32 v14, v12;
	v10 =	vmul.f32 v18, v16  }
0x27f: {  	v1 =	vmul.f32 v1, v7;
	v2 =	vmul.f32 v2, v8  }
0x280: {  	v7 =	vmul.f32 v15, v9;
	v8 =	vmul.f32 v17, v10  }
0x281: {  	v4 =	vadd.f32 v6, v4;
	v3 =	vadd.f32 v5, v3  }
0x282: {  	v1 =	vadd.f32 v2, v1;
	v2 =	vadd.f32 v8, v7;
	_ =	sdelay $0x1  }
0x283: {  	v3 =	vadd.f32 v3, v4;
	v1 =	vadd.f32 v2, v1;
	_ =	sdelay $0x1  }
0x284: {  	v1 =	vadd.f32 v1, v3;
	_ =	sdelay $0x1  }
0x285: {  	(xrf2) =	vadd.scan.msk.f32 $0xffff, v1;
	_ =	sdelay $0x5  }
0x286: {  	v1 =	vmov s20;
	s20 =	smov.u32 s25;
	_ =	sdelay $0x3  }
0x287: {  	v2, _, _ =	vpop (xrf2)  }
0x288: {  	s18 =	sadd.s32 $0x80, s18;
	[tilespmem:v1+s22+$0x0] =	vst.idx.add.f32.msk vm0, v2  }
0x289: {  	v4 =	vld [tilespmem:s18+$0xFFFFFFC0]  }
0x28a: {  	v6 =	vld [tilespmem:s18+$0xFFFFFFD0]  }
0x28b: {  	v3 =	vld [tilespmem:s18+$0xFFFFFFE0]  }
0x28c: {  	v5 =	vld [tilespmem:s18+$0xFFFFFFF0]  }
0x28d: {  	v1 =	vld [tilespmem:s18+$0x0]  }
0x28e: {  	s23 =	sadd.s32 $0x80, s23;
	v2 =	vld [tilespmem:s18+$0x10]  }
0x28f: {  	s24 =	sadd.s32 $0x80, s24;
	v18 =	vld [tilespmem:s23+$0xFFFFFFC0]  }
0x290: {  	v19 =	vld [tilespmem:s24+$0xFFFFFFC0]  }
0x291: {  	v20 =	vld [tilespmem:s24+$0xFFFFFFD0]  }
0x292: {  	v21 =	vld [tilespmem:s23+$0xFFFFFFD0]  }
0x293: {  	v10 =	vld [tilespmem:s24+$0xFFFFFFE0]  }
0x294: {  	v13 =	vld [tilespmem:s23+$0xFFFFFFE0]  }
0x295: {  	v15 =	vld [tilespmem:s24+$0xFFFFFFF0]  }
0x296: {  	v17 =	vld [tilespmem:s23+$0xFFFFFFF0]  }
0x297: {  	v7 =	vld [tilespmem:s24+$0x0]  }
0x298: {  	v8 =	vld [tilespmem:s23+$0x0]  }
0x299: {  	v9 =	vld [tilespmem:s24+$0x10]  }
.Ltmp6:
0x29a: {  	v11 =	vld [tilespmem:s23+$0x10];
	(pc) =	sbr.rel @p0 .LBB2_14-.Ltmp6, $4  }
0x29b: {  	v12 =	vld [tilespmem:s24+$0x20]  }
0x29c: {  	v14 =	vld [tilespmem:s23+$0x20]  }
0x29d: {  	v16 =	vld [tilespmem:s24+$0x30]  }
0x29e: {  	s25 =	sadd.s32 $0x1, s25;
	v19 =	vmul.f32 v18, v19;
	v20 =	vmul.f32 v21, v20;
	v18 =	vld [tilespmem:s23+$0x30]  }
0x29f: {  	v10 =	vmul.f32 v13, v10;
	v13 =	vmul.f32 v17, v15;
	v15 =	vld [tilespmem:s18+$0x20]  }
0x2a0: {  	v17 =	vld [tilespmem:s18+$0x30];
	v7 =	vmul.f32 v8, v7;
	v8 =	vmul.f32 v11, v9  }
0x2a1: {  	v4 =	vmul.f32 v4, v19;
	v6 =	vmul.f32 v6, v20  }
0x2a2: {  	v3 =	vmul.f32 v3, v10;
	v5 =	vmul.f32 v5, v13  }
0x2a3: {  	v9 =	vmul.f32 v14, v12;
	v10 =	vmul.f32 v18, v16  }
0x2a4: {  	v1 =	vmul.f32 v1, v7;
	v2 =	vmul.f32 v2, v8  }
0x2a5: {  	v7 =	vmul.f32 v15, v9;
	v8 =	vmul.f32 v17, v10  }
0x2a6: {  	v4 =	vadd.f32 v6, v4;
	v3 =	vadd.f32 v5, v3  }
0x2a7: {  	v1 =	vadd.f32 v2, v1;
	v2 =	vadd.f32 v8, v7;
	_ =	sdelay $0x1  }
0x2a8: {  	v3 =	vadd.f32 v3, v4;
	v1 =	vadd.f32 v2, v1;
	_ =	sdelay $0x1  }
0x2a9: {  	v1 =	vadd.f32 v1, v3;
	_ =	sdelay $0x1  }
0x2aa: {  	(xrf2) =	vadd.scan.msk.f32 $0xffff, v1;
	_ =	sdelay $0x5  }
0x2ab: {  	v1 =	vmov s20;
	_ =	sdelay $0x3  }
0x2ac: {  	v2, _, _ =	vpop (xrf2)  }
0x2ad: {  	[tilespmem:v1+s22+$0x0] =	vst.idx.add.f32.msk vm0, v2  }
0x2ae: {  	_ =	swait.ge [sflag:s26], $0x2000  }
0x2af: {  	[sflag:s26] =	ssyncset.done $0x0  }
0x2b0: {  	[sflag:s26] =	ssyncadd.s32 $0xFFFFE000  }
0x2b1: {  	_ =	swait.ge [sflag:s26], $0x2000  }
0x2b2: {  	[sflag:s26] =	ssyncset.done $0x0  }
0x2b3: {  	[sflag:s26] =	ssyncadd.s32 $0xFFFFE000  }
0x2b4: {  	_ =	swait.ge [sflag:s26], $0x2000  }
0x2b5: {  	[sflag:s26] =	ssyncset.done $0x0  }
0x2b6: {  	s18 =	simm.s32 $0xA640;
	[sflag:s26] =	ssyncadd.s32 $0xFFFFE000  }
0x2b7: {  	v4 =	vld [tilespmem:s18+$0xFFFFFFC0]  }
0x2b8: {  	v6 =	vld [tilespmem:s18+$0xFFFFFFD0]  }
0x2b9: {  	v3 =	vld [tilespmem:s18+$0xFFFFFFE0]  }
0x2ba: {  	v5 =	vld [tilespmem:s18+$0xFFFFFFF0]  }
0x2bb: {  	v1 =	vld [tilespmem:s18+$0x0]  }
0x2bc: {  	s23 =	simm.s32 $0x8640;
	v2 =	vld [tilespmem:s18+$0x10]  }
0x2bd: {  	s24 =	simm.s32 $0x6640;
	v18 =	vld [tilespmem:s23+$0xFFFFFFC0]  }
0x2be: {  	v19 =	vld [tilespmem:s24+$0xFFFFFFC0]  }
0x2bf: {  	v20 =	vld [tilespmem:s24+$0xFFFFFFD0]  }
0x2c0: {  	v21 =	vld [tilespmem:s23+$0xFFFFFFD0]  }
0x2c1: {  	v10 =	vld [tilespmem:s24+$0xFFFFFFE0]  }
0x2c2: {  	v13 =	vld [tilespmem:s23+$0xFFFFFFE0]  }
0x2c3: {  	v15 =	vld [tilespmem:s24+$0xFFFFFFF0]  }
0x2c4: {  	v17 =	vld [tilespmem:s23+$0xFFFFFFF0]  }
0x2c5: {  	v7 =	vld [tilespmem:s24+$0x0]  }
0x2c6: {  	v8 =	vld [tilespmem:s23+$0x0]  }
0x2c7: {  	v9 =	vld [tilespmem:s24+$0x10]  }
0x2c8: {  	v11 =	vld [tilespmem:s23+$0x10]  }
0x2c9: {  	v12 =	vld [tilespmem:s24+$0x20]  }
0x2ca: {  	v14 =	vld [tilespmem:s23+$0x20]  }
0x2cb: {  	v16 =	vld [tilespmem:s24+$0x30]  }
0x2cc: {  	s25 =	simm.s32 $0x1C1;
	s20 =	simm.s32 $0x1C0;
	v19 =	vmul.f32 v18, v19;
	v20 =	vmul.f32 v21, v20;
	v18 =	vld [tilespmem:s23+$0x30]  }
.LBB2_16:
0x2cd: {  	p0 =	sne.s32 s25, $0x1FF;
	v10 =	vmul.f32 v13, v10;
	v13 =	vmul.f32 v17, v15;
	v15 =	vld [tilespmem:s18+$0x20]  }
0x2ce: {  	v4 =	vmul.f32 v4, v19;
	v6 =	vmul.f32 v6, v20;
	v17 =	vld [tilespmem:s18+$0x30]  }
0x2cf: {  	v3 =	vmul.f32 v3, v10;
	v5 =	vmul.f32 v5, v13  }
0x2d0: {  	v7 =	vmul.f32 v8, v7;
	v8 =	vmul.f32 v11, v9  }
0x2d1: {  	v9 =	vmul.f32 v14, v12;
	v10 =	vmul.f32 v18, v16  }
0x2d2: {  	v1 =	vmul.f32 v1, v7;
	v2 =	vmul.f32 v2, v8  }
0x2d3: {  	v7 =	vmul.f32 v15, v9;
	v8 =	vmul.f32 v17, v10  }
0x2d4: {  	v4 =	vadd.f32 v6, v4;
	v3 =	vadd.f32 v5, v3  }
0x2d5: {  	v1 =	vadd.f32 v2, v1;
	v2 =	vadd.f32 v8, v7;
	_ =	sdelay $0x1  }
0x2d6: {  	v3 =	vadd.f32 v3, v4;
	v1 =	vadd.f32 v2, v1;
	_ =	sdelay $0x1  }
0x2d7: {  	v1 =	vadd.f32 v1, v3;
	_ =	sdelay $0x1  }
0x2d8: {  	(xrf2) =	vadd.scan.msk.f32 $0xffff, v1;
	_ =	sdelay $0x5  }
0x2d9: {  	v1 =	vmov s20;
	s20 =	smov.u32 s25;
	_ =	sdelay $0x3  }
0x2da: {  	v2, _, _ =	vpop (xrf2)  }
0x2db: {  	s18 =	sadd.s32 $0x80, s18;
	[tilespmem:v1+s22+$0x0] =	vst.idx.add.f32.msk vm0, v2  }
0x2dc: {  	v4 =	vld [tilespmem:s18+$0xFFFFFFC0]  }
0x2dd: {  	v6 =	vld [tilespmem:s18+$0xFFFFFFD0]  }
0x2de: {  	v3 =	vld [tilespmem:s18+$0xFFFFFFE0]  }
0x2df: {  	v5 =	vld [tilespmem:s18+$0xFFFFFFF0]  }
0x2e0: {  	v1 =	vld [tilespmem:s18+$0x0]  }
0x2e1: {  	s23 =	sadd.s32 $0x80, s23;
	v2 =	vld [tilespmem:s18+$0x10]  }
0x2e2: {  	s24 =	sadd.s32 $0x80, s24;
	v18 =	vld [tilespmem:s23+$0xFFFFFFC0]  }
0x2e3: {  	v19 =	vld [tilespmem:s24+$0xFFFFFFC0]  }
0x2e4: {  	v20 =	vld [tilespmem:s24+$0xFFFFFFD0]  }
0x2e5: {  	v21 =	vld [tilespmem:s23+$0xFFFFFFD0]  }
0x2e6: {  	v10 =	vld [tilespmem:s24+$0xFFFFFFE0]  }
0x2e7: {  	v13 =	vld [tilespmem:s23+$0xFFFFFFE0]  }
0x2e8: {  	v15 =	vld [tilespmem:s24+$0xFFFFFFF0]  }
0x2e9: {  	v17 =	vld [tilespmem:s23+$0xFFFFFFF0]  }
0x2ea: {  	v7 =	vld [tilespmem:s24+$0x0]  }
0x2eb: {  	v8 =	vld [tilespmem:s23+$0x0]  }
0x2ec: {  	v9 =	vld [tilespmem:s24+$0x10]  }
.Ltmp7:
0x2ed: {  	v11 =	vld [tilespmem:s23+$0x10];
	(pc) =	sbr.rel @p0 .LBB2_16-.Ltmp7, $4  }
0x2ee: {  	v12 =	vld [tilespmem:s24+$0x20]  }
0x2ef: {  	v14 =	vld [tilespmem:s23+$0x20]  }
0x2f0: {  	v16 =	vld [tilespmem:s24+$0x30]  }
0x2f1: {  	s25 =	sadd.s32 $0x1, s25;
	v19 =	vmul.f32 v18, v19;
	v20 =	vmul.f32 v21, v20;
	v18 =	vld [tilespmem:s23+$0x30]  }
0x2f2: {  	v10 =	vmul.f32 v13, v10;
	v32 =	vmul.f32 v17, v15;
	v33 =	vld [tilespmem:s18+$0x20]  }
0x2f3: {  	v34 =	vld [tilespmem:s18+$0x30];
	v7 =	vmul.f32 v8, v7;
	v35 =	vmul.f32 v11, v9  }
0x2f4: {  	v4 =	vmul.f32 v4, v19;
	v6 =	vmul.f32 v6, v20  }
0x2f5: {  	v3 =	vmul.f32 v3, v10;
	v5 =	vmul.f32 v5, v32  }
0x2f6: {  	v36 =	vmul.f32 v14, v12;
	v37 =	vmul.f32 v18, v16  }
0x2f7: {  	v1 =	vmul.f32 v1, v7;
	v2 =	vmul.f32 v2, v35  }
0x2f8: {  	v38 =	vmul.f32 v33, v36;
	v39 =	vmul.f32 v34, v37  }
0x2f9: {  	v4 =	vadd.f32 v6, v4;
	v3 =	vadd.f32 v5, v3  }
0x2fa: {  	v1 =	vadd.f32 v2, v1;
	v2 =	vadd.f32 v39, v38;
	_ =	sdelay $0x1  }
0x2fb: {  	v3 =	vadd.f32 v3, v4;
	v1 =	vadd.f32 v2, v1;
	_ =	sdelay $0x1  }
0x2fc: {  	v1 =	vadd.f32 v1, v3;
	_ =	sdelay $0x1  }
0x2fd: {  	(xrf2) =	vadd.scan.msk.f32 $0xffff, v1;
	_ =	sdelay $0x5  }
0x2fe: {  	v1 =	vmov s20;
	_ =	sdelay $0x3  }
0x2ff: {  	v2, _, _ =	vpop (xrf2)  }
0x300: {  	[tilespmem:v1+s22+$0x0] =	vst.idx.add.f32.msk vm0, v2  }
0x301: {  	v1 =	vld [tilespmem:$0xC600]  }
0x302: {  	v2 =	vld [tilespmem:$0xC610]  }
0x303: {  	v3 =	vld [tilespmem:$0xC620]  }
0x304: {  	v40 =	vld [tilespmem:$0xC630]  }
0x305: {  	v41 =	vld [tilespmem:$0xC640]  }
0x306: {  	v42 =	vld [tilespmem:$0xC650];
	v1 =	vsub.f32 $0.0e+00, v1  }
0x307: {  	v43 =	vld [tilespmem:$0xC660];
	v2 =	vsub.f32 $0.0e+00, v2  }
0x308: {  	[tilespmem:$0xC600] =	vst v1;
	v1 =	vsub.f32 $0.0e+00, v3;
	v3 =	vld [tilespmem:$0xC670]  }
0x309: {  	v44 =	vld [tilespmem:$0xC680];
	[tilespmem:$0xC610] =	vst v2;
	v2 =	vsub.f32 $0.0e+00, v40  }
0x30a: {  	v45 =	vld [tilespmem:$0xC690];
	[tilespmem:$0xC620] =	vst v1;
	v1 =	vsub.f32 $0.0e+00, v41  }
0x30b: {  	v46 =	vld [tilespmem:$0xC6A0];
	[tilespmem:$0xC630] =	vst v2;
	v2 =	vsub.f32 $0.0e+00, v42  }
0x30c: {  	v47 =	vld [tilespmem:$0xC6B0];
	[tilespmem:$0xC640] =	vst v1;
	v1 =	vsub.f32 $0.0e+00, v43  }
0x30d: {  	[tilespmem:$0xC650] =	vst v2;
	v2 =	vsub.f32 $0.0e+00, v3;
	v3 =	vld [tilespmem:$0xC6C0]  }
0x30e: {  	v48 =	vld [tilespmem:$0xC6D0];
	[tilespmem:$0xC660] =	vst v1;
	v1 =	vsub.f32 $0.0e+00, v44  }
0x30f: {  	v49 =	vld [tilespmem:$0xC6E0];
	[tilespmem:$0xC670] =	vst v2;
	v2 =	vsub.f32 $0.0e+00, v45  }
0x310: {  	v50 =	vld [tilespmem:$0xC6F0];
	[tilespmem:$0xC680] =	vst v1;
	v1 =	vsub.f32 $0.0e+00, v46  }
0x311: {  	v51 =	vld [tilespmem:$0xC700];
	[tilespmem:$0xC690] =	vst v2;
	v2 =	vsub.f32 $0.0e+00, v47  }
0x312: {  	[tilespmem:$0xC6A0] =	vst v1;
	v1 =	vsub.f32 $0.0e+00, v3;
	v3 =	vld [tilespmem:$0xC710]  }
0x313: {  	v52 =	vld [tilespmem:$0xC720];
	[tilespmem:$0xC6B0] =	vst v2;
	v2 =	vsub.f32 $0.0e+00, v48  }
0x314: {  	v53 =	vld [tilespmem:$0xC730];
	[tilespmem:$0xC6C0] =	vst v1;
	v1 =	vsub.f32 $0.0e+00, v49  }
0x315: {  	v54 =	vld [tilespmem:$0xC740];
	[tilespmem:$0xC6D0] =	vst v2;
	v2 =	vsub.f32 $0.0e+00, v50  }
0x316: {  	v55 =	vld [tilespmem:$0xC750];
	[tilespmem:$0xC6E0] =	vst v1;
	v1 =	vsub.f32 $0.0e+00, v51  }
0x317: {  	[tilespmem:$0xC6F0] =	vst v2;
	v2 =	vsub.f32 $0.0e+00, v3;
	v3 =	vld [tilespmem:$0xC760]  }
0x318: {  	v56 =	vld [tilespmem:$0xC770];
	[tilespmem:$0xC700] =	vst v1;
	v1 =	vsub.f32 $0.0e+00, v52  }
0x319: {  	v57 =	vld [tilespmem:$0xC780];
	[tilespmem:$0xC710] =	vst v2;
	v2 =	vsub.f32 $0.0e+00, v53  }
0x31a: {  	v58 =	vld [tilespmem:$0xC790];
	[tilespmem:$0xC720] =	vst v1;
	v1 =	vsub.f32 $0.0e+00, v54  }
0x31b: {  	v59 =	vld [tilespmem:$0xC7A0];
	[tilespmem:$0xC730] =	vst v2;
	v2 =	vsub.f32 $0.0e+00, v55  }
0x31c: {  	[tilespmem:$0xC740] =	vst v1;
	v1 =	vsub.f32 $0.0e+00, v3;
	v3 =	vld [tilespmem:$0xC7B0]  }
0x31d: {  	v60 =	vld [tilespmem:$0xC7C0];
	[tilespmem:$0xC750] =	vst v2;
	v2 =	vsub.f32 $0.0e+00, v56  }
0x31e: {  	v61 =	vld [tilespmem:$0xC7D0];
	[tilespmem:$0xC760] =	vst v1;
	v1 =	vsub.f32 $0.0e+00, v57  }
0x31f: {  	v62 =	vld [tilespmem:$0xC7E0];
	[tilespmem:$0xC770] =	vst v2;
	v2 =	vsub.f32 $0.0e+00, v58  }
0x320: {  	v63 =	vld [tilespmem:$0xC7F0];
	[tilespmem:$0xC780] =	vst v1;
	v1 =	vsub.f32 $0.0e+00, v59  }
0x321: {  	[tilespmem:$0xC790] =	vst v2;
	v2 =	vsub.f32 $0.0e+00, v3  }
0x322: {  	[tilespmem:$0xC7A0] =	vst v1;
	v1 =	vsub.f32 $0.0e+00, v60  }
0x323: {  	[tilespmem:$0xC7B0] =	vst v2;
	v2 =	vsub.f32 $0.0e+00, v61  }
0x324: {  	[tilespmem:$0xC7C0] =	vst v1;
	v1 =	vsub.f32 $0.0e+00, v62  }
0x325: {  	s3 =	sadd.s32 $0x1, s3;
	[tilespmem:$0xC7D0] =	vst v2;
	v2 =	vsub.f32 $0.0e+00, v63  }
0x326: {  	p0 =	sne.s32 s3, s9;
	[tilespmem:$0xC7E0] =	vst v1  }
.Ltmp8:
0x327: {  	[tilespmem:$0xC7F0] =	vst v2;
	(pc) =	sbr.rel @p0 .LBB2_1-.Ltmp8, $4  }
0x328: {  	[hbm4b:s8+s4] =	stream.linear.scatter [tilespmem:s22], [sflag:$0x3], $0x200, $0x38;
	[tilespmem:$0xC800] =	vst v63  }
0x329: {  	_ =	swait.ge [sflag:s0], $0x200  }
0x32a: {  	[sflag:s0] =	ssyncset.done $0x0  }
0x32b: {  	[sflag:s0] =	ssyncadd.s32 $0xFFFFFE00  }
0x32c: {  	_ =	sfence.sel $0x180000  }
0x32d: {  	[bflag:$0x0] =	sbarrier.arrive $0xFFFF  }
0x32e: {  	_ =	strace $0x90000047  }
0x32f: {  	s0 =	stileid.u32;
	[bflag:$0x2] =	sbarrier.arrive $0xFFFF  }
0x330: {  	p0 =	sne.s32 s0, $0x0;
	s0 =	rddreg [dreg:$0x6]  }
0x331: {  	s0 =	sadd.s32 @!p0 $0x100000, s0  }
0x332: {  	[sflag:s0] =	ssyncadd.tile.s32 @!p0 $0x1;
	_ =	shalt  }
.Lfunc_end2:
_tile_overlayer_lowered:
.L_overlay_start_2:
0x333: {  	(tag) =	ssettag $0x2  }
0x334: {  	s0 =	rddreg [dreg:$0x0];
	s2 =	stileid.u32  }
0x335: {  	s1 =	rddreg [dreg:$0x1];
	p0 =	sne.s32 s2, $0x0  }
0x336: {  	s3 =	rddreg [dreg:$0x2];
	[bflag:$0x3] =	sbarrier.arrive $0xFFFF;
	s2 =	simm.s32 @!p0 $0x1C03  }
0x337: {  	[timem:s3], [sflag:s2] =	dma.local @!p0 [hbm:s0], s1  }
0x338: {  	s0 =	simm.s32 @!p0 $0x3  }
0x339: {  	_ =	swait.ge @!p0 [sflag:s0], s1  }
0x33a: {  	s1 =	ssub.s32 @!p0 $0x0, s1;
	[sflag:s0] =	ssyncset.done @!p0 $0x0  }
0x33b: {  	[sflag:s0] =	ssyncadd.s32 @!p0 s1  }
0x33c: {  	[bflag:$0x3] =	sbarrier.arrive $0xFFFF  }
0x33d: {  	_ =	shalt  }

</sc_bundles>
